<compile_context>
chip_gen: v7x
topology: tpu7x:2x2x1
jax: 0.10.2.dev20260603
libtpu: 0.0.44.dev20260713+nightly
codegen_flags: <defaults>
</compile_context>

<pallas_src>
import functools
import math

import jax
import jax.numpy as jnp
from jax import lax
from jax.experimental import pallas as pl
from jax.experimental.pallas import tpu as pltpu
from jax.experimental.pallas import tpu_sc as plsc

NUM_HEADS = 12
B = 8
N = 1024
DIM = 768
HD = DIM // NUM_HEADS
GS = 128
NG = N // GS
NTOK = B * N
NSIM = 64

NC = 2
NS = 16
NW = NC * NS
RPW = NTOK // NW

CH_C = 16
NCH_C = RPW // CH_C
CH_D = 32
NCH_D = RPW // CH_D

_MAXLOG = math.log(1.0 / 0.01)


def _rank_body(sim_ref, simt_ref, rev_ref):
    b = pl.program_id(0)
    s = sim_ref[0]
    st = simt_ref[0]

    m2 = jnp.max(s, axis=1, keepdims=True)
    col2 = lax.broadcasted_iota(jnp.int32, (N, NSIM), 1)
    tk2 = jnp.min(jnp.where(s == m2, col2, NSIM), axis=1, keepdims=True)

    mt = jnp.max(st, axis=0, keepdims=True)
    colt = lax.broadcasted_iota(jnp.int32, (NSIM, N), 0)
    tkt = jnp.min(jnp.where(st == mt, colt, NSIM), axis=0, keepdims=True)

    key2 = tk2 * N + lax.broadcasted_iota(jnp.int32, (N, 1), 0)
    keyt = tkt * N + lax.broadcasted_iota(jnp.int32, (1, N), 1)

    cmp = (keyt > key2).astype(jnp.float32)
    rank = jnp.sum(cmp, axis=0, keepdims=True)
    rev_ref[...] = (rank.astype(jnp.int32) + b * N).reshape(1, 1, N)


def _rank_call(sim, simt):
    return pl.pallas_call(
        _rank_body,
        grid=(B,),
        in_specs=[
            pl.BlockSpec((1, N, NSIM), lambda b: (b, 0, 0)),
            pl.BlockSpec((1, NSIM, N), lambda b: (b, 0, 0)),
        ],
        out_specs=pl.BlockSpec((1, 1, N), lambda b: (b, 0, 0)),
        out_shape=jax.ShapeDtypeStruct((B, 1, N), jnp.int32),
    )(sim, simt)


def _sc_scatter_call(qkv_flat, idx3):
    mesh = plsc.VectorSubcoreMesh(core_axis_name="c", subcore_axis_name="s")

    @functools.partial(
        pl.kernel,
        mesh=mesh,
        out_type=jax.ShapeDtypeStruct((NTOK, 3 * DIM), jnp.float32),
        scratch_types=[
            pltpu.VMEM((NCH_C, CH_C), jnp.int32),
            pltpu.VMEM((CH_C, 3 * DIM), jnp.float32),
            pltpu.SemaphoreType.DMA,
        ],
    )
    def k(qkv_hbm, idx_hbm, out_hbm, idx_v, buf, sem):
        cid = lax.axis_index("c")
        sid = lax.axis_index("s")
        w = sid * NC + cid
        base = w * RPW
        pltpu.sync_copy(idx_hbm.at[w], idx_v)
        for j in range(NCH_C):
            pltpu.sync_copy(qkv_hbm.at[pl.ds(base + j * CH_C, CH_C)], buf)
            pltpu.async_copy(buf, out_hbm.at[idx_v.at[j]], sem).wait()

    return k(qkv_flat, idx3)


def _attn_body(ls_ref, x_ref, w_ref, b_ref, o_ref):
    sc = jnp.exp(jnp.minimum(ls_ref[0, 0], _MAXLOG))
    x = x_ref[0]
    outs = []
    for h in range(NUM_HEADS):
        q = x[:, h * HD:(h + 1) * HD]
        kk = x[:, DIM + h * HD:DIM + (h + 1) * HD]
        v = x[:, 2 * DIM + h * HD:2 * DIM + (h + 1) * HD]
        a = lax.dot_general(q, kk, (((1,), (1,)), ((), ())),
                            preferred_element_type=jnp.float32)
        a = a * sc
        a = a - jnp.max(a, axis=-1, keepdims=True)
        e = jnp.exp(a)
        p = e / jnp.sum(e, axis=-1, keepdims=True)
        outs.append(lax.dot_general(p, v, (((1,), (0,)), ((), ())),
                                    preferred_element_type=jnp.float32))
    y = jnp.concatenate(outs, axis=1)
    o_ref[0] = lax.dot_general(y, w_ref[...], (((1,), (1,)), ((), ())),
                               preferred_element_type=jnp.float32) + b_ref[...]


def _attn_call(logit_scale, shuf3, W_proj, b2):
    return pl.pallas_call(
        _attn_body,
        grid=(B * NG,),
        in_specs=[
            pl.BlockSpec((1, 1), lambda i: (0, 0)),
            pl.BlockSpec((1, GS, 3 * DIM), lambda i: (i, 0, 0)),
            pl.BlockSpec((DIM, DIM), lambda i: (0, 0)),
            pl.BlockSpec((1, DIM), lambda i: (0, 0)),
        ],
        out_specs=pl.BlockSpec((1, GS, DIM), lambda i: (i, 0, 0)),
        out_shape=jax.ShapeDtypeStruct((B * NG, GS, DIM), jnp.float32),
    )(logit_scale, shuf3, W_proj, b2)


def _sc_gather_call(src_flat, idx3):
    mesh = plsc.VectorSubcoreMesh(core_axis_name="c", subcore_axis_name="s")

    @functools.partial(
        pl.kernel,
        mesh=mesh,
        out_type=jax.ShapeDtypeStruct((NTOK, DIM), jnp.float32),
        scratch_types=[
            pltpu.VMEM((NCH_D, CH_D), jnp.int32),
            pltpu.VMEM((CH_D, DIM), jnp.float32),
            pltpu.SemaphoreType.DMA,
        ],
    )
    def k(src_hbm, idx_hbm, out_hbm, idx_v, buf, sem):
        cid = lax.axis_index("c")
        sid = lax.axis_index("s")
        w = sid * NC + cid
        base = w * RPW
        pltpu.sync_copy(idx_hbm.at[w], idx_v)
        for j in range(NCH_D):
            pltpu.async_copy(src_hbm.at[idx_v.at[j]], buf, sem).wait()
            pltpu.sync_copy(buf, out_hbm.at[pl.ds(base + j * CH_D, CH_D)])

    return k(src_flat, idx3)


def kernel(qkv, sim, x_size, logit_scale, W_proj, b_proj):
    del x_size
    qkv_flat = qkv.reshape(NTOK, 3 * DIM)
    simt = jnp.swapaxes(sim, 1, 2)
    rev = _rank_call(sim, simt).reshape(NTOK)

    shuf = _sc_scatter_call(qkv_flat, rev.reshape(NW, NCH_C, CH_C))
    y = _attn_call(logit_scale, shuf.reshape(B * NG, GS, 3 * DIM),
                   W_proj, b_proj.reshape(1, DIM))
    out = _sc_gather_call(y.reshape(NTOK, DIM), rev.reshape(NW, NCH_D, CH_D))
    return out.reshape(B, N, DIM)

# --- scband reference (transcript-rebuilt; emitter-appended) ---
"""Pipeline reference for scband-adaptive-category-msa-24532853194952 (READ-ONLY COPY).

The authoritative reference and input builder live on the scoring server;
editing this copy changes nothing except your own understanding.
"""

import jax, jax.numpy as jnp
import numpy as np

NUM_HEADS = 12
CATEGORY_SIZE = 128


def _feature_shuffle(x, index):
    idx = jnp.broadcast_to(index[:, :, None], x.shape)
    return jnp.take_along_axis(x, idx, axis=1)


def _index_reverse(index):
    n = index.shape[-1]
    ind = jnp.arange(n, dtype=index.dtype)
    def one(row):
        return jnp.zeros_like(row).at[row].set(ind)
    return jax.vmap(one)(index)


def setup_inputs(seed: int = 0) -> dict:
    key = jax.random.key(seed)
    k1, k2, k3 = jax.random.split(key, 3)
    b, n, dim = 8, 1024, 768
    qkv = jax.random.normal(k1, (b, n, 3 * dim), dtype=jnp.float32)
    sim = jax.random.normal(k2, (b, n, 64), dtype=jnp.float32)
    W_proj = jax.random.normal(k3, (dim, dim), dtype=jnp.float32) * 0.02
    b_proj = jnp.zeros((dim,), dtype=jnp.float32)
    logit_scale = jnp.log(10.0 * jnp.ones((1, 1), dtype=jnp.float32))
    return {"qkv": qkv, "sim": sim, "x_size": 32, "logit_scale": logit_scale, "W_proj": W_proj, "b_proj": b_proj}


def reference(qkv, sim, x_size, logit_scale, W_proj, b_proj):
    b, n, c3 = qkv.shape
    c = c3 // 3
    gs = min(n, CATEGORY_SIZE)
    ng = (n + gs - 1) // gs
    tk_id = jnp.argmax(sim, axis=-1)
    x_sort_indices = jnp.argsort(tk_id, axis=-1)
    x_sort_indices_reverse = _index_reverse(x_sort_indices)
    shuffled_qkv = _feature_shuffle(qkv, x_sort_indices)
    pad_n = ng * gs - n
    if pad_n > 0:
        padded_qkv = jnp.concatenate([shuffled_qkv, jnp.flip(shuffled_qkv[:, n - pad_n:n, :], axis=1)], axis=1)
    else:
        padded_qkv = shuffled_qkv
    y = padded_qkv.reshape(b, ng, gs, 3, NUM_HEADS, c // NUM_HEADS)
    y = jnp.transpose(y, (3, 0, 1, 4, 2, 5))
    q, k, v = y[0], y[1], y[2]
    attn = q @ jnp.swapaxes(k, -2, -1)
    max_log = jnp.log(jnp.asarray(1.0 / 0.01, dtype=jnp.float32))
    scale = jnp.exp(jnp.minimum(logit_scale, max_log))
    attn = attn * scale
    attn = jax.nn.softmax(attn, axis=-1)
    y = jnp.transpose(attn @ v, (0, 1, 3, 2, 4)).reshape(b, n + pad_n, c)[:, :n, :]
    x = _feature_shuffle(y, x_sort_indices_reverse)
    x = x @ W_proj.T + b_proj
    return x

if __name__ == "__main__":
    import jax
    _d = setup_inputs()
    print(jax.jit(kernel)(*tuple(_d.values())))

</pallas_src>

<mosaic_0001>
#map = affine_map<(d0, d1) -> (0, 0)>
#map1 = affine_map<(d0, d1) -> (0, 0, 0)>
module attributes {stable_mosaic.version = 14 : i64} {
  func.func @k(%arg0: i32, %arg1: i32, %arg2: memref<8192x768xf32, #tpu.memory_space<hbm>>, %arg3: memref<32x8x32xi32, #tpu.memory_space<hbm>>, %arg4: memref<8192x768xf32, #tpu.memory_space<hbm>>, %arg5: memref<8x32xi32, #tpu.memory_space<vmem>>, %arg6: memref<32x768xf32, #tpu.memory_space<vmem>>, %arg7: memref<!tpu.dma_semaphore, #tpu.memory_space<semaphore_mem>>) attributes {dimension_semantics = [#tpu.dimension_semantics<core_parallel>, #tpu.dimension_semantics<subcore_parallel>], iteration_bounds = array<i64: 2, 16>, scalar_prefetch = 0 : i64, scratch_operands = 3 : i64, tpu.core_type = #tpu.core_type<sc_vector_subcore>, window_params = [{transform_indices = #map}, {transform_indices = #map1}, {transform_indices = #map}]} {
    %mul3A = arith.constant 2 : i32
    %mul3A_0 = arith.muli %arg1, %mul3A : i32
    %add3A = arith.addi %mul3A_0, %arg0 : i32
    %mul3A_1 = arith.constant 256 : i32
    %mul3A_2 = arith.muli %add3A, %mul3A_1 : i32
    "tpu.region"() ({
      %run_scoped3A = tpu.sem_alloc : memref<!tpu.dma_semaphore, #tpu.memory_space<semaphore_mem>>
      %dma_start3A_129 = arith.constant 0 : i32
      %dma_start3A_130 = arith.constant 0 : i32
      %dma_start3A_131 = tpu.memref_slice %arg3[%add3A, %dma_start3A_129, %dma_start3A_130] : memref<32x8x32xi32, #tpu.memory_space<hbm>> -> memref<1x8x32xi32, #tpu.memory_space<hbm>>
      %dma_start3A_132 = tpu.memref_squeeze %dma_start3A_131 : memref<1x8x32xi32, #tpu.memory_space<hbm>> -> memref<8x32xi32, #tpu.memory_space<hbm>>
      %dma_start3A_133 = arith.constant 0 : i32
      %dma_start3A_134 = arith.constant 0 : i32
      %dma_start3A_135 = tpu.memref_slice %arg3[%add3A, %dma_start3A_133, %dma_start3A_134] : memref<32x8x32xi32, #tpu.memory_space<hbm>> -> memref<1x8x32xi32, #tpu.memory_space<hbm>>
      %dma_start3A_136 = tpu.memref_squeeze %dma_start3A_135 : memref<1x8x32xi32, #tpu.memory_space<hbm>> -> memref<8x32xi32, #tpu.memory_space<hbm>>
      tpu.enqueue_dma source(%dma_start3A_136 : memref<8x32xi32, #tpu.memory_space<hbm>>) target(%arg5 : memref<8x32xi32, #tpu.memory_space<vmem>>) target_semaphore(%run_scoped3A : memref<!tpu.dma_semaphore, #tpu.memory_space<semaphore_mem>>)
      %dma_wait3A_137 = arith.constant 0 : i32
      %dma_wait3A_138 = arith.constant 0 : i32
      %dma_wait3A_139 = tpu.memref_slice %arg3[%add3A, %dma_wait3A_137, %dma_wait3A_138] : memref<32x8x32xi32, #tpu.memory_space<hbm>> -> memref<1x8x32xi32, #tpu.memory_space<hbm>>
      %dma_wait3A_140 = tpu.memref_squeeze %dma_wait3A_139 : memref<1x8x32xi32, #tpu.memory_space<hbm>> -> memref<8x32xi32, #tpu.memory_space<hbm>>
      %dma_wait3A_141 = arith.constant 0 : i32
      %dma_wait3A_142 = arith.constant 0 : i32
      %dma_wait3A_143 = tpu.memref_slice %arg3[%add3A, %dma_wait3A_141, %dma_wait3A_142] : memref<32x8x32xi32, #tpu.memory_space<hbm>> -> memref<1x8x32xi32, #tpu.memory_space<hbm>>
      %dma_wait3A_144 = tpu.memref_squeeze %dma_wait3A_143 : memref<1x8x32xi32, #tpu.memory_space<hbm>> -> memref<8x32xi32, #tpu.memory_space<hbm>>
      tpu.wait_dma2 semaphore(%run_scoped3A : memref<!tpu.dma_semaphore, #tpu.memory_space<semaphore_mem>>) src(%dma_wait3A_144 : memref<8x32xi32, #tpu.memory_space<hbm>>) dst(%arg5 : memref<8x32xi32, #tpu.memory_space<vmem>>)
      tpu.yield
    }) : () -> ()
    %dma_start3A = arith.constant 0 : i32
    %dma_start3A_3 = arith.constant 0 : i32
    %dma_start3A_4 = tpu.memref_slice %arg5[%dma_start3A, %dma_start3A_3] : memref<8x32xi32, #tpu.memory_space<vmem>> -> memref<1x32xi32, #tpu.memory_space<vmem>>
    %dma_start3A_5 = tpu.memref_squeeze %dma_start3A_4 : memref<1x32xi32, #tpu.memory_space<vmem>> -> memref<32xi32, #tpu.memory_space<vmem>>
    %dma_start3A_6 = arith.constant 0 : i32
    %dma_start3A_7 = arith.constant 0 : i32
    %dma_start3A_8 = tpu.memref_slice %arg2[%dma_start3A_6, %dma_start3A_7] : memref<8192x768xf32, #tpu.memory_space<hbm>> -> memref<8192x768xf32, #tpu.memory_space<hbm>>
    tpu.enqueue_indirect_dma source(%dma_start3A_8 : memref<8192x768xf32, #tpu.memory_space<hbm>>) target(%arg6 : memref<32x768xf32, #tpu.memory_space<vmem>>) offsets(%dma_start3A_5 : memref<32xi32, #tpu.memory_space<vmem>>) semaphore(%arg7 : memref<!tpu.dma_semaphore, #tpu.memory_space<semaphore_mem>>)
    %dma_wait3A = arith.constant 0 : i32
    %dma_wait3A_9 = arith.constant 0 : i32
    %dma_wait3A_10 = tpu.memref_slice %arg5[%dma_wait3A, %dma_wait3A_9] : memref<8x32xi32, #tpu.memory_space<vmem>> -> memref<1x32xi32, #tpu.memory_space<vmem>>
    %dma_wait3A_11 = tpu.memref_squeeze %dma_wait3A_10 : memref<1x32xi32, #tpu.memory_space<vmem>> -> memref<32xi32, #tpu.memory_space<vmem>>
    %dma_wait3A_12 = arith.constant 0 : i32
    %dma_wait3A_13 = arith.constant 0 : i32
    %dma_wait3A_14 = tpu.memref_slice %arg2[%dma_wait3A_12, %dma_wait3A_13] : memref<8192x768xf32, #tpu.memory_space<hbm>> -> memref<8192x768xf32, #tpu.memory_space<hbm>>
    tpu.wait_indirect_dma semaphore(%arg7 : memref<!tpu.dma_semaphore, #tpu.memory_space<semaphore_mem>>) src(%dma_wait3A_14 : memref<8192x768xf32, #tpu.memory_space<hbm>>) dst(%arg6 : memref<32x768xf32, #tpu.memory_space<vmem>>)
    %add3A_15 = arith.constant 0 : i32
    %add3A_16 = arith.addi %mul3A_2, %add3A_15 : i32
    "tpu.region"() ({
      %run_scoped3A = tpu.sem_alloc : memref<!tpu.dma_semaphore, #tpu.memory_space<semaphore_mem>>
      %dma_start3A_129 = arith.constant 0 : i32
      %dma_start3A_130 = tpu.memref_slice %arg4[%add3A_16, %dma_start3A_129] : memref<8192x768xf32, #tpu.memory_space<hbm>> -> memref<32x768xf32, #tpu.memory_space<hbm>>
      %dma_start3A_131 = arith.constant 0 : i32
      %dma_start3A_132 = tpu.memref_slice %arg4[%add3A_16, %dma_start3A_131] : memref<8192x768xf32, #tpu.memory_space<hbm>> -> memref<32x768xf32, #tpu.memory_space<hbm>>
      tpu.enqueue_dma source(%arg6 : memref<32x768xf32, #tpu.memory_space<vmem>>) target(%dma_start3A_132 : memref<32x768xf32, #tpu.memory_space<hbm>>) target_semaphore(%run_scoped3A : memref<!tpu.dma_semaphore, #tpu.memory_space<semaphore_mem>>)
      %dma_wait3A_133 = arith.constant 0 : i32
      %dma_wait3A_134 = tpu.memref_slice %arg4[%add3A_16, %dma_wait3A_133] : memref<8192x768xf32, #tpu.memory_space<hbm>> -> memref<32x768xf32, #tpu.memory_space<hbm>>
      %dma_wait3A_135 = arith.constant 0 : i32
      %dma_wait3A_136 = tpu.memref_slice %arg4[%add3A_16, %dma_wait3A_135] : memref<8192x768xf32, #tpu.memory_space<hbm>> -> memref<32x768xf32, #tpu.memory_space<hbm>>
      tpu.wait_dma2 semaphore(%run_scoped3A : memref<!tpu.dma_semaphore, #tpu.memory_space<semaphore_mem>>) src(%arg6 : memref<32x768xf32, #tpu.memory_space<vmem>>) dst(%dma_wait3A_136 : memref<32x768xf32, #tpu.memory_space<hbm>>)
      tpu.yield
    }) : () -> ()
    %dma_start3A_17 = arith.constant 1 : i32
    %dma_start3A_18 = arith.constant 0 : i32
    %dma_start3A_19 = tpu.memref_slice %arg5[%dma_start3A_17, %dma_start3A_18] : memref<8x32xi32, #tpu.memory_space<vmem>> -> memref<1x32xi32, #tpu.memory_space<vmem>>
    %dma_start3A_20 = tpu.memref_squeeze %dma_start3A_19 : memref<1x32xi32, #tpu.memory_space<vmem>> -> memref<32xi32, #tpu.memory_space<vmem>>
    %dma_start3A_21 = arith.constant 0 : i32
    %dma_start3A_22 = arith.constant 0 : i32
    %dma_start3A_23 = tpu.memref_slice %arg2[%dma_start3A_21, %dma_start3A_22] : memref<8192x768xf32, #tpu.memory_space<hbm>> -> memref<8192x768xf32, #tpu.memory_space<hbm>>
    tpu.enqueue_indirect_dma source(%dma_start3A_23 : memref<8192x768xf32, #tpu.memory_space<hbm>>) target(%arg6 : memref<32x768xf32, #tpu.memory_space<vmem>>) offsets(%dma_start3A_20 : memref<32xi32, #tpu.memory_space<vmem>>) semaphore(%arg7 : memref<!tpu.dma_semaphore, #tpu.memory_space<semaphore_mem>>)
    %dma_wait3A_24 = arith.constant 1 : i32
    %dma_wait3A_25 = arith.constant 0 : i32
    %dma_wait3A_26 = tpu.memref_slice %arg5[%dma_wait3A_24, %dma_wait3A_25] : memref<8x32xi32, #tpu.memory_space<vmem>> -> memref<1x32xi32, #tpu.memory_space<vmem>>
    %dma_wait3A_27 = tpu.memref_squeeze %dma_wait3A_26 : memref<1x32xi32, #tpu.memory_space<vmem>> -> memref<32xi32, #tpu.memory_space<vmem>>
    %dma_wait3A_28 = arith.constant 0 : i32
    %dma_wait3A_29 = arith.constant 0 : i32
    %dma_wait3A_30 = tpu.memref_slice %arg2[%dma_wait3A_28, %dma_wait3A_29] : memref<8192x768xf32, #tpu.memory_space<hbm>> -> memref<8192x768xf32, #tpu.memory_space<hbm>>
    tpu.wait_indirect_dma semaphore(%arg7 : memref<!tpu.dma_semaphore, #tpu.memory_space<semaphore_mem>>) src(%dma_wait3A_30 : memref<8192x768xf32, #tpu.memory_space<hbm>>) dst(%arg6 : memref<32x768xf32, #tpu.memory_space<vmem>>)
    %add3A_31 = arith.constant 32 : i32
    %add3A_32 = arith.addi %mul3A_2, %add3A_31 : i32
    "tpu.region"() ({
      %run_scoped3A = tpu.sem_alloc : memref<!tpu.dma_semaphore, #tpu.memory_space<semaphore_mem>>
      %dma_start3A_129 = arith.constant 0 : i32
      %dma_start3A_130 = tpu.memref_slice %arg4[%add3A_32, %dma_start3A_129] : memref<8192x768xf32, #tpu.memory_space<hbm>> -> memref<32x768xf32, #tpu.memory_space<hbm>>
      %dma_start3A_131 = arith.constant 0 : i32
      %dma_start3A_132 = tpu.memref_slice %arg4[%add3A_32, %dma_start3A_131] : memref<8192x768xf32, #tpu.memory_space<hbm>> -> memref<32x768xf32, #tpu.memory_space<hbm>>
      tpu.enqueue_dma source(%arg6 : memref<32x768xf32, #tpu.memory_space<vmem>>) target(%dma_start3A_132 : memref<32x768xf32, #tpu.memory_space<hbm>>) target_semaphore(%run_scoped3A : memref<!tpu.dma_semaphore, #tpu.memory_space<semaphore_mem>>)
      %dma_wait3A_133 = arith.constant 0 : i32
      %dma_wait3A_134 = tpu.memref_slice %arg4[%add3A_32, %dma_wait3A_133] : memref<8192x768xf32, #tpu.memory_space<hbm>> -> memref<32x768xf32, #tpu.memory_space<hbm>>
      %dma_wait3A_135 = arith.constant 0 : i32
      %dma_wait3A_136 = tpu.memref_slice %arg4[%add3A_32, %dma_wait3A_135] : memref<8192x768xf32, #tpu.memory_space<hbm>> -> memref<32x768xf32, #tpu.memory_space<hbm>>
      tpu.wait_dma2 semaphore(%run_scoped3A : memref<!tpu.dma_semaphore, #tpu.memory_space<semaphore_mem>>) src(%arg6 : memref<32x768xf32, #tpu.memory_space<vmem>>) dst(%dma_wait3A_136 : memref<32x768xf32, #tpu.memory_space<hbm>>)
      tpu.yield
    }) : () -> ()
    %dma_start3A_33 = arith.constant 2 : i32
    %dma_start3A_34 = arith.constant 0 : i32
    %dma_start3A_35 = tpu.memref_slice %arg5[%dma_start3A_33, %dma_start3A_34] : memref<8x32xi32, #tpu.memory_space<vmem>> -> memref<1x32xi32, #tpu.memory_space<vmem>>
    %dma_start3A_36 = tpu.memref_squeeze %dma_start3A_35 : memref<1x32xi32, #tpu.memory_space<vmem>> -> memref<32xi32, #tpu.memory_space<vmem>>
    %dma_start3A_37 = arith.constant 0 : i32
    %dma_start3A_38 = arith.constant 0 : i32
    %dma_start3A_39 = tpu.memref_slice %arg2[%dma_start3A_37, %dma_start3A_38] : memref<8192x768xf32, #tpu.memory_space<hbm>> -> memref<8192x768xf32, #tpu.memory_space<hbm>>
    tpu.enqueue_indirect_dma source(%dma_start3A_39 : memref<8192x768xf32, #tpu.memory_space<hbm>>) target(%arg6 : memref<32x768xf32, #tpu.memory_space<vmem>>) offsets(%dma_start3A_36 : memref<32xi32, #tpu.memory_space<vmem>>) semaphore(%arg7 : memref<!tpu.dma_semaphore, #tpu.memory_space<semaphore_mem>>)
    %dma_wait3A_40 = arith.constant 2 : i32
    %dma_wait3A_41 = arith.constant 0 : i32
    %dma_wait3A_42 = tpu.memref_slice %arg5[%dma_wait3A_40, %dma_wait3A_41] : memref<8x32xi32, #tpu.memory_space<vmem>> -> memref<1x32xi32, #tpu.memory_space<vmem>>
    %dma_wait3A_43 = tpu.memref_squeeze %dma_wait3A_42 : memref<1x32xi32, #tpu.memory_space<vmem>> -> memref<32xi32, #tpu.memory_space<vmem>>
    %dma_wait3A_44 = arith.constant 0 : i32
    %dma_wait3A_45 = arith.constant 0 : i32
    %dma_wait3A_46 = tpu.memref_slice %arg2[%dma_wait3A_44, %dma_wait3A_45] : memref<8192x768xf32, #tpu.memory_space<hbm>> -> memref<8192x768xf32, #tpu.memory_space<hbm>>
    tpu.wait_indirect_dma semaphore(%arg7 : memref<!tpu.dma_semaphore, #tpu.memory_space<semaphore_mem>>) src(%dma_wait3A_46 : memref<8192x768xf32, #tpu.memory_space<hbm>>) dst(%arg6 : memref<32x768xf32, #tpu.memory_space<vmem>>)
    %add3A_47 = arith.constant 64 : i32
    %add3A_48 = arith.addi %mul3A_2, %add3A_47 : i32
    "tpu.region"() ({
      %run_scoped3A = tpu.sem_alloc : memref<!tpu.dma_semaphore, #tpu.memory_space<semaphore_mem>>
      %dma_start3A_129 = arith.constant 0 : i32
      %dma_start3A_130 = tpu.memref_slice %arg4[%add3A_48, %dma_start3A_129] : memref<8192x768xf32, #tpu.memory_space<hbm>> -> memref<32x768xf32, #tpu.memory_space<hbm>>
      %dma_start3A_131 = arith.constant 0 : i32
      %dma_start3A_132 = tpu.memref_slice %arg4[%add3A_48, %dma_start3A_131] : memref<8192x768xf32, #tpu.memory_space<hbm>> -> memref<32x768xf32, #tpu.memory_space<hbm>>
      tpu.enqueue_dma source(%arg6 : memref<32x768xf32, #tpu.memory_space<vmem>>) target(%dma_start3A_132 : memref<32x768xf32, #tpu.memory_space<hbm>>) target_semaphore(%run_scoped3A : memref<!tpu.dma_semaphore, #tpu.memory_space<semaphore_mem>>)
      %dma_wait3A_133 = arith.constant 0 : i32
      %dma_wait3A_134 = tpu.memref_slice %arg4[%add3A_48, %dma_wait3A_133] : memref<8192x768xf32, #tpu.memory_space<hbm>> -> memref<32x768xf32, #tpu.memory_space<hbm>>
      %dma_wait3A_135 = arith.constant 0 : i32
      %dma_wait3A_136 = tpu.memref_slice %arg4[%add3A_48, %dma_wait3A_135] : memref<8192x768xf32, #tpu.memory_space<hbm>> -> memref<32x768xf32, #tpu.memory_space<hbm>>
      tpu.wait_dma2 semaphore(%run_scoped3A : memref<!tpu.dma_semaphore, #tpu.memory_space<semaphore_mem>>) src(%arg6 : memref<32x768xf32, #tpu.memory_space<vmem>>) dst(%dma_wait3A_136 : memref<32x768xf32, #tpu.memory_space<hbm>>)
      tpu.yield
    }) : () -> ()
    %dma_start3A_49 = arith.constant 3 : i32
    %dma_start3A_50 = arith.constant 0 : i32
    %dma_start3A_51 = tpu.memref_slice %arg5[%dma_start3A_49, %dma_start3A_50] : memref<8x32xi32, #tpu.memory_space<vmem>> -> memref<1x32xi32, #tpu.memory_space<vmem>>
    %dma_start3A_52 = tpu.memref_squeeze %dma_start3A_51 : memref<1x32xi32, #tpu.memory_space<vmem>> -> memref<32xi32, #tpu.memory_space<vmem>>
    %dma_start3A_53 = arith.constant 0 : i32
    %dma_start3A_54 = arith.constant 0 : i32
    %dma_start3A_55 = tpu.memref_slice %arg2[%dma_start3A_53, %dma_start3A_54] : memref<8192x768xf32, #tpu.memory_space<hbm>> -> memref<8192x768xf32, #tpu.memory_space<hbm>>
    tpu.enqueue_indirect_dma source(%dma_start3A_55 : memref<8192x768xf32, #tpu.memory_space<hbm>>) target(%arg6 : memref<32x768xf32, #tpu.memory_space<vmem>>) offsets(%dma_start3A_52 : memref<32xi32, #tpu.memory_space<vmem>>) semaphore(%arg7 : memref<!tpu.dma_semaphore, #tpu.memory_space<semaphore_mem>>)
    %dma_wait3A_56 = arith.constant 3 : i32
    %dma_wait3A_57 = arith.constant 0 : i32
    %dma_wait3A_58 = tpu.memref_slice %arg5[%dma_wait3A_56, %dma_wait3A_57] : memref<8x32xi32, #tpu.memory_space<vmem>> -> memref<1x32xi32, #tpu.memory_space<vmem>>
    %dma_wait3A_59 = tpu.memref_squeeze %dma_wait3A_58 : memref<1x32xi32, #tpu.memory_space<vmem>> -> memref<32xi32, #tpu.memory_space<vmem>>
    %dma_wait3A_60 = arith.constant 0 : i32
    %dma_wait3A_61 = arith.constant 0 : i32
    %dma_wait3A_62 = tpu.memref_slice %arg2[%dma_wait3A_60, %dma_wait3A_61] : memref<8192x768xf32, #tpu.memory_space<hbm>> -> memref<8192x768xf32, #tpu.memory_space<hbm>>
    tpu.wait_indirect_dma semaphore(%arg7 : memref<!tpu.dma_semaphore, #tpu.memory_space<semaphore_mem>>) src(%dma_wait3A_62 : memref<8192x768xf32, #tpu.memory_space<hbm>>) dst(%arg6 : memref<32x768xf32, #tpu.memory_space<vmem>>)
    %add3A_63 = arith.constant 96 : i32
    %add3A_64 = arith.addi %mul3A_2, %add3A_63 : i32
    "tpu.region"() ({
      %run_scoped3A = tpu.sem_alloc : memref<!tpu.dma_semaphore, #tpu.memory_space<semaphore_mem>>
      %dma_start3A_129 = arith.constant 0 : i32
      %dma_start3A_130 = tpu.memref_slice %arg4[%add3A_64, %dma_start3A_129] : memref<8192x768xf32, #tpu.memory_space<hbm>> -> memref<32x768xf32, #tpu.memory_space<hbm>>
      %dma_start3A_131 = arith.constant 0 : i32
      %dma_start3A_132 = tpu.memref_slice %arg4[%add3A_64, %dma_start3A_131] : memref<8192x768xf32, #tpu.memory_space<hbm>> -> memref<32x768xf32, #tpu.memory_space<hbm>>
      tpu.enqueue_dma source(%arg6 : memref<32x768xf32, #tpu.memory_space<vmem>>) target(%dma_start3A_132 : memref<32x768xf32, #tpu.memory_space<hbm>>) target_semaphore(%run_scoped3A : memref<!tpu.dma_semaphore, #tpu.memory_space<semaphore_mem>>)
      %dma_wait3A_133 = arith.constant 0 : i32
      %dma_wait3A_134 = tpu.memref_slice %arg4[%add3A_64, %dma_wait3A_133] : memref<8192x768xf32, #tpu.memory_space<hbm>> -> memref<32x768xf32, #tpu.memory_space<hbm>>
      %dma_wait3A_135 = arith.constant 0 : i32
      %dma_wait3A_136 = tpu.memref_slice %arg4[%add3A_64, %dma_wait3A_135] : memref<8192x768xf32, #tpu.memory_space<hbm>> -> memref<32x768xf32, #tpu.memory_space<hbm>>
      tpu.wait_dma2 semaphore(%run_scoped3A : memref<!tpu.dma_semaphore, #tpu.memory_space<semaphore_mem>>) src(%arg6 : memref<32x768xf32, #tpu.memory_space<vmem>>) dst(%dma_wait3A_136 : memref<32x768xf32, #tpu.memory_space<hbm>>)
      tpu.yield
    }) : () -> ()
    %dma_start3A_65 = arith.constant 4 : i32
    %dma_start3A_66 = arith.constant 0 : i32
    %dma_start3A_67 = tpu.memref_slice %arg5[%dma_start3A_65, %dma_start3A_66] : memref<8x32xi32, #tpu.memory_space<vmem>> -> memref<1x32xi32, #tpu.memory_space<vmem>>
    %dma_start3A_68 = tpu.memref_squeeze %dma_start3A_67 : memref<1x32xi32, #tpu.memory_space<vmem>> -> memref<32xi32, #tpu.memory_space<vmem>>
    %dma_start3A_69 = arith.constant 0 : i32
    %dma_start3A_70 = arith.constant 0 : i32
    %dma_start3A_71 = tpu.memref_slice %arg2[%dma_start3A_69, %dma_start3A_70] : memref<8192x768xf32, #tpu.memory_space<hbm>> -> memref<8192x768xf32, #tpu.memory_space<hbm>>
    tpu.enqueue_indirect_dma source(%dma_start3A_71 : memref<8192x768xf32, #tpu.memory_space<hbm>>) target(%arg6 : memref<32x768xf32, #tpu.memory_space<vmem>>) offsets(%dma_start3A_68 : memref<32xi32, #tpu.memory_space<vmem>>) semaphore(%arg7 : memref<!tpu.dma_semaphore, #tpu.memory_space<semaphore_mem>>)
    %dma_wait3A_72 = arith.constant 4 : i32
    %dma_wait3A_73 = arith.constant 0 : i32
    %dma_wait3A_74 = tpu.memref_slice %arg5[%dma_wait3A_72, %dma_wait3A_73] : memref<8x32xi32, #tpu.memory_space<vmem>> -> memref<1x32xi32, #tpu.memory_space<vmem>>
    %dma_wait3A_75 = tpu.memref_squeeze %dma_wait3A_74 : memref<1x32xi32, #tpu.memory_space<vmem>> -> memref<32xi32, #tpu.memory_space<vmem>>
    %dma_wait3A_76 = arith.constant 0 : i32
    %dma_wait3A_77 = arith.constant 0 : i32
    %dma_wait3A_78 = tpu.memref_slice %arg2[%dma_wait3A_76, %dma_wait3A_77] : memref<8192x768xf32, #tpu.memory_space<hbm>> -> memref<8192x768xf32, #tpu.memory_space<hbm>>
    tpu.wait_indirect_dma semaphore(%arg7 : memref<!tpu.dma_semaphore, #tpu.memory_space<semaphore_mem>>) src(%dma_wait3A_78 : memref<8192x768xf32, #tpu.memory_space<hbm>>) dst(%arg6 : memref<32x768xf32, #tpu.memory_space<vmem>>)
    %add3A_79 = arith.constant 128 : i32
    %add3A_80 = arith.addi %mul3A_2, %add3A_79 : i32
    "tpu.region"() ({
      %run_scoped3A = tpu.sem_alloc : memref<!tpu.dma_semaphore, #tpu.memory_space<semaphore_mem>>
      %dma_start3A_129 = arith.constant 0 : i32
      %dma_start3A_130 = tpu.memref_slice %arg4[%add3A_80, %dma_start3A_129] : memref<8192x768xf32, #tpu.memory_space<hbm>> -> memref<32x768xf32, #tpu.memory_space<hbm>>
      %dma_start3A_131 = arith.constant 0 : i32
      %dma_start3A_132 = tpu.memref_slice %arg4[%add3A_80, %dma_start3A_131] : memref<8192x768xf32, #tpu.memory_space<hbm>> -> memref<32x768xf32, #tpu.memory_space<hbm>>
      tpu.enqueue_dma source(%arg6 : memref<32x768xf32, #tpu.memory_space<vmem>>) target(%dma_start3A_132 : memref<32x768xf32, #tpu.memory_space<hbm>>) target_semaphore(%run_scoped3A : memref<!tpu.dma_semaphore, #tpu.memory_space<semaphore_mem>>)
      %dma_wait3A_133 = arith.constant 0 : i32
      %dma_wait3A_134 = tpu.memref_slice %arg4[%add3A_80, %dma_wait3A_133] : memref<8192x768xf32, #tpu.memory_space<hbm>> -> memref<32x768xf32, #tpu.memory_space<hbm>>
      %dma_wait3A_135 = arith.constant 0 : i32
      %dma_wait3A_136 = tpu.memref_slice %arg4[%add3A_80, %dma_wait3A_135] : memref<8192x768xf32, #tpu.memory_space<hbm>> -> memref<32x768xf32, #tpu.memory_space<hbm>>
      tpu.wait_dma2 semaphore(%run_scoped3A : memref<!tpu.dma_semaphore, #tpu.memory_space<semaphore_mem>>) src(%arg6 : memref<32x768xf32, #tpu.memory_space<vmem>>) dst(%dma_wait3A_136 : memref<32x768xf32, #tpu.memory_space<hbm>>)
      tpu.yield
    }) : () -> ()
    %dma_start3A_81 = arith.constant 5 : i32
    %dma_start3A_82 = arith.constant 0 : i32
    %dma_start3A_83 = tpu.memref_slice %arg5[%dma_start3A_81, %dma_start3A_82] : memref<8x32xi32, #tpu.memory_space<vmem>> -> memref<1x32xi32, #tpu.memory_space<vmem>>
    %dma_start3A_84 = tpu.memref_squeeze %dma_start3A_83 : memref<1x32xi32, #tpu.memory_space<vmem>> -> memref<32xi32, #tpu.memory_space<vmem>>
    %dma_start3A_85 = arith.constant 0 : i32
    %dma_start3A_86 = arith.constant 0 : i32
    %dma_start3A_87 = tpu.memref_slice %arg2[%dma_start3A_85, %dma_start3A_86] : memref<8192x768xf32, #tpu.memory_space<hbm>> -> memref<8192x768xf32, #tpu.memory_space<hbm>>
    tpu.enqueue_indirect_dma source(%dma_start3A_87 : memref<8192x768xf32, #tpu.memory_space<hbm>>) target(%arg6 : memref<32x768xf32, #tpu.memory_space<vmem>>) offsets(%dma_start3A_84 : memref<32xi32, #tpu.memory_space<vmem>>) semaphore(%arg7 : memref<!tpu.dma_semaphore, #tpu.memory_space<semaphore_mem>>)
    %dma_wait3A_88 = arith.constant 5 : i32
    %dma_wait3A_89 = arith.constant 0 : i32
    %dma_wait3A_90 = tpu.memref_slice %arg5[%dma_wait3A_88, %dma_wait3A_89] : memref<8x32xi32, #tpu.memory_space<vmem>> -> memref<1x32xi32, #tpu.memory_space<vmem>>
    %dma_wait3A_91 = tpu.memref_squeeze %dma_wait3A_90 : memref<1x32xi32, #tpu.memory_space<vmem>> -> memref<32xi32, #tpu.memory_space<vmem>>
    %dma_wait3A_92 = arith.constant 0 : i32
    %dma_wait3A_93 = arith.constant 0 : i32
    %dma_wait3A_94 = tpu.memref_slice %arg2[%dma_wait3A_92, %dma_wait3A_93] : memref<8192x768xf32, #tpu.memory_space<hbm>> -> memref<8192x768xf32, #tpu.memory_space<hbm>>
    tpu.wait_indirect_dma semaphore(%arg7 : memref<!tpu.dma_semaphore, #tpu.memory_space<semaphore_mem>>) src(%dma_wait3A_94 : memref<8192x768xf32, #tpu.memory_space<hbm>>) dst(%arg6 : memref<32x768xf32, #tpu.memory_space<vmem>>)
    %add3A_95 = arith.constant 160 : i32
    %add3A_96 = arith.addi %mul3A_2, %add3A_95 : i32
    "tpu.region"() ({
      %run_scoped3A = tpu.sem_alloc : memref<!tpu.dma_semaphore, #tpu.memory_space<semaphore_mem>>
      %dma_start3A_129 = arith.constant 0 : i32
      %dma_start3A_130 = tpu.memref_slice %arg4[%add3A_96, %dma_start3A_129] : memref<8192x768xf32, #tpu.memory_space<hbm>> -> memref<32x768xf32, #tpu.memory_space<hbm>>
      %dma_start3A_131 = arith.constant 0 : i32
      %dma_start3A_132 = tpu.memref_slice %arg4[%add3A_96, %dma_start3A_131] : memref<8192x768xf32, #tpu.memory_space<hbm>> -> memref<32x768xf32, #tpu.memory_space<hbm>>
      tpu.enqueue_dma source(%arg6 : memref<32x768xf32, #tpu.memory_space<vmem>>) target(%dma_start3A_132 : memref<32x768xf32, #tpu.memory_space<hbm>>) target_semaphore(%run_scoped3A : memref<!tpu.dma_semaphore, #tpu.memory_space<semaphore_mem>>)
      %dma_wait3A_133 = arith.constant 0 : i32
      %dma_wait3A_134 = tpu.memref_slice %arg4[%add3A_96, %dma_wait3A_133] : memref<8192x768xf32, #tpu.memory_space<hbm>> -> memref<32x768xf32, #tpu.memory_space<hbm>>
      %dma_wait3A_135 = arith.constant 0 : i32
      %dma_wait3A_136 = tpu.memref_slice %arg4[%add3A_96, %dma_wait3A_135] : memref<8192x768xf32, #tpu.memory_space<hbm>> -> memref<32x768xf32, #tpu.memory_space<hbm>>
      tpu.wait_dma2 semaphore(%run_scoped3A : memref<!tpu.dma_semaphore, #tpu.memory_space<semaphore_mem>>) src(%arg6 : memref<32x768xf32, #tpu.memory_space<vmem>>) dst(%dma_wait3A_136 : memref<32x768xf32, #tpu.memory_space<hbm>>)
      tpu.yield
    }) : () -> ()
    %dma_start3A_97 = arith.constant 6 : i32
    %dma_start3A_98 = arith.constant 0 : i32
    %dma_start3A_99 = tpu.memref_slice %arg5[%dma_start3A_97, %dma_start3A_98] : memref<8x32xi32, #tpu.memory_space<vmem>> -> memref<1x32xi32, #tpu.memory_space<vmem>>
    %dma_start3A_100 = tpu.memref_squeeze %dma_start3A_99 : memref<1x32xi32, #tpu.memory_space<vmem>> -> memref<32xi32, #tpu.memory_space<vmem>>
    %dma_start3A_101 = arith.constant 0 : i32
    %dma_start3A_102 = arith.constant 0 : i32
    %dma_start3A_103 = tpu.memref_slice %arg2[%dma_start3A_101, %dma_start3A_102] : memref<8192x768xf32, #tpu.memory_space<hbm>> -> memref<8192x768xf32, #tpu.memory_space<hbm>>
    tpu.enqueue_indirect_dma source(%dma_start3A_103 : memref<8192x768xf32, #tpu.memory_space<hbm>>) target(%arg6 : memref<32x768xf32, #tpu.memory_space<vmem>>) offsets(%dma_start3A_100 : memref<32xi32, #tpu.memory_space<vmem>>) semaphore(%arg7 : memref<!tpu.dma_semaphore, #tpu.memory_space<semaphore_mem>>)
    %dma_wait3A_104 = arith.constant 6 : i32
    %dma_wait3A_105 = arith.constant 0 : i32
    %dma_wait3A_106 = tpu.memref_slice %arg5[%dma_wait3A_104, %dma_wait3A_105] : memref<8x32xi32, #tpu.memory_space<vmem>> -> memref<1x32xi32, #tpu.memory_space<vmem>>
    %dma_wait3A_107 = tpu.memref_squeeze %dma_wait3A_106 : memref<1x32xi32, #tpu.memory_space<vmem>> -> memref<32xi32, #tpu.memory_space<vmem>>
    %dma_wait3A_108 = arith.constant 0 : i32
    %dma_wait3A_109 = arith.constant 0 : i32
    %dma_wait3A_110 = tpu.memref_slice %arg2[%dma_wait3A_108, %dma_wait3A_109] : memref<8192x768xf32, #tpu.memory_space<hbm>> -> memref<8192x768xf32, #tpu.memory_space<hbm>>
    tpu.wait_indirect_dma semaphore(%arg7 : memref<!tpu.dma_semaphore, #tpu.memory_space<semaphore_mem>>) src(%dma_wait3A_110 : memref<8192x768xf32, #tpu.memory_space<hbm>>) dst(%arg6 : memref<32x768xf32, #tpu.memory_space<vmem>>)
    %add3A_111 = arith.constant 192 : i32
    %add3A_112 = arith.addi %mul3A_2, %add3A_111 : i32
    "tpu.region"() ({
      %run_scoped3A = tpu.sem_alloc : memref<!tpu.dma_semaphore, #tpu.memory_space<semaphore_mem>>
      %dma_start3A_129 = arith.constant 0 : i32
      %dma_start3A_130 = tpu.memref_slice %arg4[%add3A_112, %dma_start3A_129] : memref<8192x768xf32, #tpu.memory_space<hbm>> -> memref<32x768xf32, #tpu.memory_space<hbm>>
      %dma_start3A_131 = arith.constant 0 : i32
      %dma_start3A_132 = tpu.memref_slice %arg4[%add3A_112, %dma_start3A_131] : memref<8192x768xf32, #tpu.memory_space<hbm>> -> memref<32x768xf32, #tpu.memory_space<hbm>>
      tpu.enqueue_dma source(%arg6 : memref<32x768xf32, #tpu.memory_space<vmem>>) target(%dma_start3A_132 : memref<32x768xf32, #tpu.memory_space<hbm>>) target_semaphore(%run_scoped3A : memref<!tpu.dma_semaphore, #tpu.memory_space<semaphore_mem>>)
      %dma_wait3A_133 = arith.constant 0 : i32
      %dma_wait3A_134 = tpu.memref_slice %arg4[%add3A_112, %dma_wait3A_133] : memref<8192x768xf32, #tpu.memory_space<hbm>> -> memref<32x768xf32, #tpu.memory_space<hbm>>
      %dma_wait3A_135 = arith.constant 0 : i32
      %dma_wait3A_136 = tpu.memref_slice %arg4[%add3A_112, %dma_wait3A_135] : memref<8192x768xf32, #tpu.memory_space<hbm>> -> memref<32x768xf32, #tpu.memory_space<hbm>>
      tpu.wait_dma2 semaphore(%run_scoped3A : memref<!tpu.dma_semaphore, #tpu.memory_space<semaphore_mem>>) src(%arg6 : memref<32x768xf32, #tpu.memory_space<vmem>>) dst(%dma_wait3A_136 : memref<32x768xf32, #tpu.memory_space<hbm>>)
      tpu.yield
    }) : () -> ()
    %dma_start3A_113 = arith.constant 7 : i32
    %dma_start3A_114 = arith.constant 0 : i32
    %dma_start3A_115 = tpu.memref_slice %arg5[%dma_start3A_113, %dma_start3A_114] : memref<8x32xi32, #tpu.memory_space<vmem>> -> memref<1x32xi32, #tpu.memory_space<vmem>>
    %dma_start3A_116 = tpu.memref_squeeze %dma_start3A_115 : memref<1x32xi32, #tpu.memory_space<vmem>> -> memref<32xi32, #tpu.memory_space<vmem>>
    %dma_start3A_117 = arith.constant 0 : i32
    %dma_start3A_118 = arith.constant 0 : i32
    %dma_start3A_119 = tpu.memref_slice %arg2[%dma_start3A_117, %dma_start3A_118] : memref<8192x768xf32, #tpu.memory_space<hbm>> -> memref<8192x768xf32, #tpu.memory_space<hbm>>
    tpu.enqueue_indirect_dma source(%dma_start3A_119 : memref<8192x768xf32, #tpu.memory_space<hbm>>) target(%arg6 : memref<32x768xf32, #tpu.memory_space<vmem>>) offsets(%dma_start3A_116 : memref<32xi32, #tpu.memory_space<vmem>>) semaphore(%arg7 : memref<!tpu.dma_semaphore, #tpu.memory_space<semaphore_mem>>)
    %dma_wait3A_120 = arith.constant 7 : i32
    %dma_wait3A_121 = arith.constant 0 : i32
    %dma_wait3A_122 = tpu.memref_slice %arg5[%dma_wait3A_120, %dma_wait3A_121] : memref<8x32xi32, #tpu.memory_space<vmem>> -> memref<1x32xi32, #tpu.memory_space<vmem>>
    %dma_wait3A_123 = tpu.memref_squeeze %dma_wait3A_122 : memref<1x32xi32, #tpu.memory_space<vmem>> -> memref<32xi32, #tpu.memory_space<vmem>>
    %dma_wait3A_124 = arith.constant 0 : i32
    %dma_wait3A_125 = arith.constant 0 : i32
    %dma_wait3A_126 = tpu.memref_slice %arg2[%dma_wait3A_124, %dma_wait3A_125] : memref<8192x768xf32, #tpu.memory_space<hbm>> -> memref<8192x768xf32, #tpu.memory_space<hbm>>
    tpu.wait_indirect_dma semaphore(%arg7 : memref<!tpu.dma_semaphore, #tpu.memory_space<semaphore_mem>>) src(%dma_wait3A_126 : memref<8192x768xf32, #tpu.memory_space<hbm>>) dst(%arg6 : memref<32x768xf32, #tpu.memory_space<vmem>>)
    %add3A_127 = arith.constant 224 : i32
    %add3A_128 = arith.addi %mul3A_2, %add3A_127 : i32
    "tpu.region"() ({
      %run_scoped3A = tpu.sem_alloc : memref<!tpu.dma_semaphore, #tpu.memory_space<semaphore_mem>>
      %dma_start3A_129 = arith.constant 0 : i32
      %dma_start3A_130 = tpu.memref_slice %arg4[%add3A_128, %dma_start3A_129] : memref<8192x768xf32, #tpu.memory_space<hbm>> -> memref<32x768xf32, #tpu.memory_space<hbm>>
      %dma_start3A_131 = arith.constant 0 : i32
      %dma_start3A_132 = tpu.memref_slice %arg4[%add3A_128, %dma_start3A_131] : memref<8192x768xf32, #tpu.memory_space<hbm>> -> memref<32x768xf32, #tpu.memory_space<hbm>>
      tpu.enqueue_dma source(%arg6 : memref<32x768xf32, #tpu.memory_space<vmem>>) target(%dma_start3A_132 : memref<32x768xf32, #tpu.memory_space<hbm>>) target_semaphore(%run_scoped3A : memref<!tpu.dma_semaphore, #tpu.memory_space<semaphore_mem>>)
      %dma_wait3A_133 = arith.constant 0 : i32
      %dma_wait3A_134 = tpu.memref_slice %arg4[%add3A_128, %dma_wait3A_133] : memref<8192x768xf32, #tpu.memory_space<hbm>> -> memref<32x768xf32, #tpu.memory_space<hbm>>
      %dma_wait3A_135 = arith.constant 0 : i32
      %dma_wait3A_136 = tpu.memref_slice %arg4[%add3A_128, %dma_wait3A_135] : memref<8192x768xf32, #tpu.memory_space<hbm>> -> memref<32x768xf32, #tpu.memory_space<hbm>>
      tpu.wait_dma2 semaphore(%run_scoped3A : memref<!tpu.dma_semaphore, #tpu.memory_space<semaphore_mem>>) src(%arg6 : memref<32x768xf32, #tpu.memory_space<vmem>>) dst(%dma_wait3A_136 : memref<32x768xf32, #tpu.memory_space<hbm>>)
      tpu.yield
    }) : () -> ()
    return
  }
}

#map = affine_map<(d0, d1) -> (0, 0)>
#map1 = affine_map<(d0, d1) -> (0, 0, 0)>
module attributes {stable_mosaic.version = 14 : i64} {
  func.func @k(%arg0: i32, %arg1: i32, %arg2: memref<8192x2304xf32, #tpu.memory_space<hbm>>, %arg3: memref<32x16x16xi32, #tpu.memory_space<hbm>>, %arg4: memref<8192x2304xf32, #tpu.memory_space<hbm>>, %arg5: memref<16x16xi32, #tpu.memory_space<vmem>>, %arg6: memref<16x2304xf32, #tpu.memory_space<vmem>>, %arg7: memref<!tpu.dma_semaphore, #tpu.memory_space<semaphore_mem>>) attributes {dimension_semantics = [#tpu.dimension_semantics<core_parallel>, #tpu.dimension_semantics<subcore_parallel>], iteration_bounds = array<i64: 2, 16>, scalar_prefetch = 0 : i64, scratch_operands = 3 : i64, tpu.core_type = #tpu.core_type<sc_vector_subcore>, window_params = [{transform_indices = #map}, {transform_indices = #map1}, {transform_indices = #map}]} {
    %mul3A = arith.constant 2 : i32
    %mul3A_0 = arith.muli %arg1, %mul3A : i32
    %add3A = arith.addi %mul3A_0, %arg0 : i32
    %mul3A_1 = arith.constant 256 : i32
    %mul3A_2 = arith.muli %add3A, %mul3A_1 : i32
    "tpu.region"() ({
      %run_scoped3A = tpu.sem_alloc : memref<!tpu.dma_semaphore, #tpu.memory_space<semaphore_mem>>
      %dma_start3A_257 = arith.constant 0 : i32
      %dma_start3A_258 = arith.constant 0 : i32
      %dma_start3A_259 = tpu.memref_slice %arg3[%add3A, %dma_start3A_257, %dma_start3A_258] : memref<32x16x16xi32, #tpu.memory_space<hbm>> -> memref<1x16x16xi32, #tpu.memory_space<hbm>>
      %dma_start3A_260 = tpu.memref_squeeze %dma_start3A_259 : memref<1x16x16xi32, #tpu.memory_space<hbm>> -> memref<16x16xi32, #tpu.memory_space<hbm>>
      %dma_start3A_261 = arith.constant 0 : i32
      %dma_start3A_262 = arith.constant 0 : i32
      %dma_start3A_263 = tpu.memref_slice %arg3[%add3A, %dma_start3A_261, %dma_start3A_262] : memref<32x16x16xi32, #tpu.memory_space<hbm>> -> memref<1x16x16xi32, #tpu.memory_space<hbm>>
      %dma_start3A_264 = tpu.memref_squeeze %dma_start3A_263 : memref<1x16x16xi32, #tpu.memory_space<hbm>> -> memref<16x16xi32, #tpu.memory_space<hbm>>
      tpu.enqueue_dma source(%dma_start3A_264 : memref<16x16xi32, #tpu.memory_space<hbm>>) target(%arg5 : memref<16x16xi32, #tpu.memory_space<vmem>>) target_semaphore(%run_scoped3A : memref<!tpu.dma_semaphore, #tpu.memory_space<semaphore_mem>>)
      %dma_wait3A_265 = arith.constant 0 : i32
      %dma_wait3A_266 = arith.constant 0 : i32
      %dma_wait3A_267 = tpu.memref_slice %arg3[%add3A, %dma_wait3A_265, %dma_wait3A_266] : memref<32x16x16xi32, #tpu.memory_space<hbm>> -> memref<1x16x16xi32, #tpu.memory_space<hbm>>
      %dma_wait3A_268 = tpu.memref_squeeze %dma_wait3A_267 : memref<1x16x16xi32, #tpu.memory_space<hbm>> -> memref<16x16xi32, #tpu.memory_space<hbm>>
      %dma_wait3A_269 = arith.constant 0 : i32
      %dma_wait3A_270 = arith.constant 0 : i32
      %dma_wait3A_271 = tpu.memref_slice %arg3[%add3A, %dma_wait3A_269, %dma_wait3A_270] : memref<32x16x16xi32, #tpu.memory_space<hbm>> -> memref<1x16x16xi32, #tpu.memory_space<hbm>>
      %dma_wait3A_272 = tpu.memref_squeeze %dma_wait3A_271 : memref<1x16x16xi32, #tpu.memory_space<hbm>> -> memref<16x16xi32, #tpu.memory_space<hbm>>
      tpu.wait_dma2 semaphore(%run_scoped3A : memref<!tpu.dma_semaphore, #tpu.memory_space<semaphore_mem>>) src(%dma_wait3A_272 : memref<16x16xi32, #tpu.memory_space<hbm>>) dst(%arg5 : memref<16x16xi32, #tpu.memory_space<vmem>>)
      tpu.yield
    }) : () -> ()
    %add3A_3 = arith.constant 0 : i32
    %add3A_4 = arith.addi %mul3A_2, %add3A_3 : i32
    "tpu.region"() ({
      %run_scoped3A = tpu.sem_alloc : memref<!tpu.dma_semaphore, #tpu.memory_space<semaphore_mem>>
      %dma_start3A_257 = arith.constant 0 : i32
      %dma_start3A_258 = tpu.memref_slice %arg2[%add3A_4, %dma_start3A_257] : memref<8192x2304xf32, #tpu.memory_space<hbm>> -> memref<16x2304xf32, #tpu.memory_space<hbm>>
      %dma_start3A_259 = arith.constant 0 : i32
      %dma_start3A_260 = tpu.memref_slice %arg2[%add3A_4, %dma_start3A_259] : memref<8192x2304xf32, #tpu.memory_space<hbm>> -> memref<16x2304xf32, #tpu.memory_space<hbm>>
      tpu.enqueue_dma source(%dma_start3A_260 : memref<16x2304xf32, #tpu.memory_space<hbm>>) target(%arg6 : memref<16x2304xf32, #tpu.memory_space<vmem>>) target_semaphore(%run_scoped3A : memref<!tpu.dma_semaphore, #tpu.memory_space<semaphore_mem>>)
      %dma_wait3A_261 = arith.constant 0 : i32
      %dma_wait3A_262 = tpu.memref_slice %arg2[%add3A_4, %dma_wait3A_261] : memref<8192x2304xf32, #tpu.memory_space<hbm>> -> memref<16x2304xf32, #tpu.memory_space<hbm>>
      %dma_wait3A_263 = arith.constant 0 : i32
      %dma_wait3A_264 = tpu.memref_slice %arg2[%add3A_4, %dma_wait3A_263] : memref<8192x2304xf32, #tpu.memory_space<hbm>> -> memref<16x2304xf32, #tpu.memory_space<hbm>>
      tpu.wait_dma2 semaphore(%run_scoped3A : memref<!tpu.dma_semaphore, #tpu.memory_space<semaphore_mem>>) src(%dma_wait3A_264 : memref<16x2304xf32, #tpu.memory_space<hbm>>) dst(%arg6 : memref<16x2304xf32, #tpu.memory_space<vmem>>)
      tpu.yield
    }) : () -> ()
    %dma_start3A = arith.constant 0 : i32
    %dma_start3A_5 = arith.constant 0 : i32
    %dma_start3A_6 = tpu.memref_slice %arg5[%dma_start3A, %dma_start3A_5] : memref<16x16xi32, #tpu.memory_space<vmem>> -> memref<1x16xi32, #tpu.memory_space<vmem>>
    %dma_start3A_7 = tpu.memref_squeeze %dma_start3A_6 : memref<1x16xi32, #tpu.memory_space<vmem>> -> memref<16xi32, #tpu.memory_space<vmem>>
    %dma_start3A_8 = arith.constant 0 : i32
    %dma_start3A_9 = arith.constant 0 : i32
    %dma_start3A_10 = tpu.memref_slice %arg4[%dma_start3A_8, %dma_start3A_9] : memref<8192x2304xf32, #tpu.memory_space<hbm>> -> memref<8192x2304xf32, #tpu.memory_space<hbm>>
    tpu.enqueue_indirect_dma source(%arg6 : memref<16x2304xf32, #tpu.memory_space<vmem>>) target(%dma_start3A_10 : memref<8192x2304xf32, #tpu.memory_space<hbm>>) offsets(%dma_start3A_7 : memref<16xi32, #tpu.memory_space<vmem>>) semaphore(%arg7 : memref<!tpu.dma_semaphore, #tpu.memory_space<semaphore_mem>>)
    %dma_wait3A = arith.constant 0 : i32
    %dma_wait3A_11 = arith.constant 0 : i32
    %dma_wait3A_12 = tpu.memref_slice %arg5[%dma_wait3A, %dma_wait3A_11] : memref<16x16xi32, #tpu.memory_space<vmem>> -> memref<1x16xi32, #tpu.memory_space<vmem>>
    %dma_wait3A_13 = tpu.memref_squeeze %dma_wait3A_12 : memref<1x16xi32, #tpu.memory_space<vmem>> -> memref<16xi32, #tpu.memory_space<vmem>>
    %dma_wait3A_14 = arith.constant 0 : i32
    %dma_wait3A_15 = arith.constant 0 : i32
    %dma_wait3A_16 = tpu.memref_slice %arg4[%dma_wait3A_14, %dma_wait3A_15] : memref<8192x2304xf32, #tpu.memory_space<hbm>> -> memref<8192x2304xf32, #tpu.memory_space<hbm>>
    tpu.wait_indirect_dma semaphore(%arg7 : memref<!tpu.dma_semaphore, #tpu.memory_space<semaphore_mem>>) src(%arg6 : memref<16x2304xf32, #tpu.memory_space<vmem>>) dst(%dma_wait3A_16 : memref<8192x2304xf32, #tpu.memory_space<hbm>>)
    %add3A_17 = arith.constant 16 : i32
    %add3A_18 = arith.addi %mul3A_2, %add3A_17 : i32
    "tpu.region"() ({
      %run_scoped3A = tpu.sem_alloc : memref<!tpu.dma_semaphore, #tpu.memory_space<semaphore_mem>>
      %dma_start3A_257 = arith.constant 0 : i32
      %dma_start3A_258 = tpu.memref_slice %arg2[%add3A_18, %dma_start3A_257] : memref<8192x2304xf32, #tpu.memory_space<hbm>> -> memref<16x2304xf32, #tpu.memory_space<hbm>>
      %dma_start3A_259 = arith.constant 0 : i32
      %dma_start3A_260 = tpu.memref_slice %arg2[%add3A_18, %dma_start3A_259] : memref<8192x2304xf32, #tpu.memory_space<hbm>> -> memref<16x2304xf32, #tpu.memory_space<hbm>>
      tpu.enqueue_dma source(%dma_start3A_260 : memref<16x2304xf32, #tpu.memory_space<hbm>>) target(%arg6 : memref<16x2304xf32, #tpu.memory_space<vmem>>) target_semaphore(%run_scoped3A : memref<!tpu.dma_semaphore, #tpu.memory_space<semaphore_mem>>)
      %dma_wait3A_261 = arith.constant 0 : i32
      %dma_wait3A_262 = tpu.memref_slice %arg2[%add3A_18, %dma_wait3A_261] : memref<8192x2304xf32, #tpu.memory_space<hbm>> -> memref<16x2304xf32, #tpu.memory_space<hbm>>
      %dma_wait3A_263 = arith.constant 0 : i32
      %dma_wait3A_264 = tpu.memref_slice %arg2[%add3A_18, %dma_wait3A_263] : memref<8192x2304xf32, #tpu.memory_space<hbm>> -> memref<16x2304xf32, #tpu.memory_space<hbm>>
      tpu.wait_dma2 semaphore(%run_scoped3A : memref<!tpu.dma_semaphore, #tpu.memory_space<semaphore_mem>>) src(%dma_wait3A_264 : memref<16x2304xf32, #tpu.memory_space<hbm>>) dst(%arg6 : memref<16x2304xf32, #tpu.memory_space<vmem>>)
      tpu.yield
    }) : () -> ()
    %dma_start3A_19 = arith.constant 1 : i32
    %dma_start3A_20 = arith.constant 0 : i32
    %dma_start3A_21 = tpu.memref_slice %arg5[%dma_start3A_19, %dma_start3A_20] : memref<16x16xi32, #tpu.memory_space<vmem>> -> memref<1x16xi32, #tpu.memory_space<vmem>>
    %dma_start3A_22 = tpu.memref_squeeze %dma_start3A_21 : memref<1x16xi32, #tpu.memory_space<vmem>> -> memref<16xi32, #tpu.memory_space<vmem>>
    %dma_start3A_23 = arith.constant 0 : i32
    %dma_start3A_24 = arith.constant 0 : i32
    %dma_start3A_25 = tpu.memref_slice %arg4[%dma_start3A_23, %dma_start3A_24] : memref<8192x2304xf32, #tpu.memory_space<hbm>> -> memref<8192x2304xf32, #tpu.memory_space<hbm>>
    tpu.enqueue_indirect_dma source(%arg6 : memref<16x2304xf32, #tpu.memory_space<vmem>>) target(%dma_start3A_25 : memref<8192x2304xf32, #tpu.memory_space<hbm>>) offsets(%dma_start3A_22 : memref<16xi32, #tpu.memory_space<vmem>>) semaphore(%arg7 : memref<!tpu.dma_semaphore, #tpu.memory_space<semaphore_mem>>)
    %dma_wait3A_26 = arith.constant 1 : i32
    %dma_wait3A_27 = arith.constant 0 : i32
    %dma_wait3A_28 = tpu.memref_slice %arg5[%dma_wait3A_26, %dma_wait3A_27] : memref<16x16xi32, #tpu.memory_space<vmem>> -> memref<1x16xi32, #tpu.memory_space<vmem>>
    %dma_wait3A_29 = tpu.memref_squeeze %dma_wait3A_28 : memref<1x16xi32, #tpu.memory_space<vmem>> -> memref<16xi32, #tpu.memory_space<vmem>>
    %dma_wait3A_30 = arith.constant 0 : i32
    %dma_wait3A_31 = arith.constant 0 : i32
    %dma_wait3A_32 = tpu.memref_slice %arg4[%dma_wait3A_30, %dma_wait3A_31] : memref<8192x2304xf32, #tpu.memory_space<hbm>> -> memref<8192x2304xf32, #tpu.memory_space<hbm>>
    tpu.wait_indirect_dma semaphore(%arg7 : memref<!tpu.dma_semaphore, #tpu.memory_space<semaphore_mem>>) src(%arg6 : memref<16x2304xf32, #tpu.memory_space<vmem>>) dst(%dma_wait3A_32 : memref<8192x2304xf32, #tpu.memory_space<hbm>>)
    %add3A_33 = arith.constant 32 : i32
    %add3A_34 = arith.addi %mul3A_2, %add3A_33 : i32
    "tpu.region"() ({
      %run_scoped3A = tpu.sem_alloc : memref<!tpu.dma_semaphore, #tpu.memory_space<semaphore_mem>>
      %dma_start3A_257 = arith.constant 0 : i32
      %dma_start3A_258 = tpu.memref_slice %arg2[%add3A_34, %dma_start3A_257] : memref<8192x2304xf32, #tpu.memory_space<hbm>> -> memref<16x2304xf32, #tpu.memory_space<hbm>>
      %dma_start3A_259 = arith.constant 0 : i32
      %dma_start3A_260 = tpu.memref_slice %arg2[%add3A_34, %dma_start3A_259] : memref<8192x2304xf32, #tpu.memory_space<hbm>> -> memref<16x2304xf32, #tpu.memory_space<hbm>>
      tpu.enqueue_dma source(%dma_start3A_260 : memref<16x2304xf32, #tpu.memory_space<hbm>>) target(%arg6 : memref<16x2304xf32, #tpu.memory_space<vmem>>) target_semaphore(%run_scoped3A : memref<!tpu.dma_semaphore, #tpu.memory_space<semaphore_mem>>)
      %dma_wait3A_261 = arith.constant 0 : i32
      %dma_wait3A_262 = tpu.memref_slice %arg2[%add3A_34, %dma_wait3A_261] : memref<8192x2304xf32, #tpu.memory_space<hbm>> -> memref<16x2304xf32, #tpu.memory_space<hbm>>
      %dma_wait3A_263 = arith.constant 0 : i32
      %dma_wait3A_264 = tpu.memref_slice %arg2[%add3A_34, %dma_wait3A_263] : memref<8192x2304xf32, #tpu.memory_space<hbm>> -> memref<16x2304xf32, #tpu.memory_space<hbm>>
      tpu.wait_dma2 semaphore(%run_scoped3A : memref<!tpu.dma_semaphore, #tpu.memory_space<semaphore_mem>>) src(%dma_wait3A_264 : memref<16x2304xf32, #tpu.memory_space<hbm>>) dst(%arg6 : memref<16x2304xf32, #tpu.memory_space<vmem>>)
      tpu.yield
    }) : () -> ()
    %dma_start3A_35 = arith.constant 2 : i32
    %dma_start3A_36 = arith.constant 0 : i32
    %dma_start3A_37 = tpu.memref_slice %arg5[%dma_start3A_35, %dma_start3A_36] : memref<16x16xi32, #tpu.memory_space<vmem>> -> memref<1x16xi32, #tpu.memory_space<vmem>>
    %dma_start3A_38 = tpu.memref_squeeze %dma_start3A_37 : memref<1x16xi32, #tpu.memory_space<vmem>> -> memref<16xi32, #tpu.memory_space<vmem>>
    %dma_start3A_39 = arith.constant 0 : i32
    %dma_start3A_40 = arith.constant 0 : i32
    %dma_start3A_41 = tpu.memref_slice %arg4[%dma_start3A_39, %dma_start3A_40] : memref<8192x2304xf32, #tpu.memory_space<hbm>> -> memref<8192x2304xf32, #tpu.memory_space<hbm>>
    tpu.enqueue_indirect_dma source(%arg6 : memref<16x2304xf32, #tpu.memory_space<vmem>>) target(%dma_start3A_41 : memref<8192x2304xf32, #tpu.memory_space<hbm>>) offsets(%dma_start3A_38 : memref<16xi32, #tpu.memory_space<vmem>>) semaphore(%arg7 : memref<!tpu.dma_semaphore, #tpu.memory_space<semaphore_mem>>)
    %dma_wait3A_42 = arith.constant 2 : i32
    %dma_wait3A_43 = arith.constant 0 : i32
    %dma_wait3A_44 = tpu.memref_slice %arg5[%dma_wait3A_42, %dma_wait3A_43] : memref<16x16xi32, #tpu.memory_space<vmem>> -> memref<1x16xi32, #tpu.memory_space<vmem>>
    %dma_wait3A_45 = tpu.memref_squeeze %dma_wait3A_44 : memref<1x16xi32, #tpu.memory_space<vmem>> -> memref<16xi32, #tpu.memory_space<vmem>>
    %dma_wait3A_46 = arith.constant 0 : i32
    %dma_wait3A_47 = arith.constant 0 : i32
    %dma_wait3A_48 = tpu.memref_slice %arg4[%dma_wait3A_46, %dma_wait3A_47] : memref<8192x2304xf32, #tpu.memory_space<hbm>> -> memref<8192x2304xf32, #tpu.memory_space<hbm>>
    tpu.wait_indirect_dma semaphore(%arg7 : memref<!tpu.dma_semaphore, #tpu.memory_space<semaphore_mem>>) src(%arg6 : memref<16x2304xf32, #tpu.memory_space<vmem>>) dst(%dma_wait3A_48 : memref<8192x2304xf32, #tpu.memory_space<hbm>>)
    %add3A_49 = arith.constant 48 : i32
    %add3A_50 = arith.addi %mul3A_2, %add3A_49 : i32
    "tpu.region"() ({
      %run_scoped3A = tpu.sem_alloc : memref<!tpu.dma_semaphore, #tpu.memory_space<semaphore_mem>>
      %dma_start3A_257 = arith.constant 0 : i32
      %dma_start3A_258 = tpu.memref_slice %arg2[%add3A_50, %dma_start3A_257] : memref<8192x2304xf32, #tpu.memory_space<hbm>> -> memref<16x2304xf32, #tpu.memory_space<hbm>>
      %dma_start3A_259 = arith.constant 0 : i32
      %dma_start3A_260 = tpu.memref_slice %arg2[%add3A_50, %dma_start3A_259] : memref<8192x2304xf32, #tpu.memory_space<hbm>> -> memref<16x2304xf32, #tpu.memory_space<hbm>>
      tpu.enqueue_dma source(%dma_start3A_260 : memref<16x2304xf32, #tpu.memory_space<hbm>>) target(%arg6 : memref<16x2304xf32, #tpu.memory_space<vmem>>) target_semaphore(%run_scoped3A : memref<!tpu.dma_semaphore, #tpu.memory_space<semaphore_mem>>)
      %dma_wait3A_261 = arith.constant 0 : i32
      %dma_wait3A_262 = tpu.memref_slice %arg2[%add3A_50, %dma_wait3A_261] : memref<8192x2304xf32, #tpu.memory_space<hbm>> -> memref<16x2304xf32, #tpu.memory_space<hbm>>
      %dma_wait3A_263 = arith.constant 0 : i32
      %dma_wait3A_264 = tpu.memref_slice %arg2[%add3A_50, %dma_wait3A_263] : memref<8192x2304xf32, #tpu.memory_space<hbm>> -> memref<16x2304xf32, #tpu.memory_space<hbm>>
      tpu.wait_dma2 semaphore(%run_scoped3A : memref<!tpu.dma_semaphore, #tpu.memory_space<semaphore_mem>>) src(%dma_wait3A_264 : memref<16x2304xf32, #tpu.memory_space<hbm>>) dst(%arg6 : memref<16x2304xf32, #tpu.memory_space<vmem>>)
      tpu.yield
    }) : () -> ()
    %dma_start3A_51 = arith.constant 3 : i32
    %dma_start3A_52 = arith.constant 0 : i32
    %dma_start3A_53 = tpu.memref_slice %arg5[%dma_start3A_51, %dma_start3A_52] : memref<16x16xi32, #tpu.memory_space<vmem>> -> memref<1x16xi32, #tpu.memory_space<vmem>>
    %dma_start3A_54 = tpu.memref_squeeze %dma_start3A_53 : memref<1x16xi32, #tpu.memory_space<vmem>> -> memref<16xi32, #tpu.memory_space<vmem>>
    %dma_start3A_55 = arith.constant 0 : i32
    %dma_start3A_56 = arith.constant 0 : i32
    %dma_start3A_57 = tpu.memref_slice %arg4[%dma_start3A_55, %dma_start3A_56] : memref<8192x2304xf32, #tpu.memory_space<hbm>> -> memref<8192x2304xf32, #tpu.memory_space<hbm>>
    tpu.enqueue_indirect_dma source(%arg6 : memref<16x2304xf32, #tpu.memory_space<vmem>>) target(%dma_start3A_57 : memref<8192x2304xf32, #tpu.memory_space<hbm>>) offsets(%dma_start3A_54 : memref<16xi32, #tpu.memory_space<vmem>>) semaphore(%arg7 : memref<!tpu.dma_semaphore, #tpu.memory_space<semaphore_mem>>)
    %dma_wait3A_58 = arith.constant 3 : i32
    %dma_wait3A_59 = arith.constant 0 : i32
    %dma_wait3A_60 = tpu.memref_slice %arg5[%dma_wait3A_58, %dma_wait3A_59] : memref<16x16xi32, #tpu.memory_space<vmem>> -> memref<1x16xi32, #tpu.memory_space<vmem>>
    %dma_wait3A_61 = tpu.memref_squeeze %dma_wait3A_60 : memref<1x16xi32, #tpu.memory_space<vmem>> -> memref<16xi32, #tpu.memory_space<vmem>>
    %dma_wait3A_62 = arith.constant 0 : i32
    %dma_wait3A_63 = arith.constant 0 : i32
    %dma_wait3A_64 = tpu.memref_slice %arg4[%dma_wait3A_62, %dma_wait3A_63] : memref<8192x2304xf32, #tpu.memory_space<hbm>> -> memref<8192x2304xf32, #tpu.memory_space<hbm>>
    tpu.wait_indirect_dma semaphore(%arg7 : memref<!tpu.dma_semaphore, #tpu.memory_space<semaphore_mem>>) src(%arg6 : memref<16x2304xf32, #tpu.memory_space<vmem>>) dst(%dma_wait3A_64 : memref<8192x2304xf32, #tpu.memory_space<hbm>>)
    %add3A_65 = arith.constant 64 : i32
    %add3A_66 = arith.addi %mul3A_2, %add3A_65 : i32
    "tpu.region"() ({
      %run_scoped3A = tpu.sem_alloc : memref<!tpu.dma_semaphore, #tpu.memory_space<semaphore_mem>>
      %dma_start3A_257 = arith.constant 0 : i32
      %dma_start3A_258 = tpu.memref_slice %arg2[%add3A_66, %dma_start3A_257] : memref<8192x2304xf32, #tpu.memory_space<hbm>> -> memref<16x2304xf32, #tpu.memory_space<hbm>>
      %dma_start3A_259 = arith.constant 0 : i32
      %dma_start3A_260 = tpu.memref_slice %arg2[%add3A_66, %dma_start3A_259] : memref<8192x2304xf32, #tpu.memory_space<hbm>> -> memref<16x2304xf32, #tpu.memory_space<hbm>>
      tpu.enqueue_dma source(%dma_start3A_260 : memref<16x2304xf32, #tpu.memory_space<hbm>>) target(%arg6 : memref<16x2304xf32, #tpu.memory_space<vmem>>) target_semaphore(%run_scoped3A : memref<!tpu.dma_semaphore, #tpu.memory_space<semaphore_mem>>)
      %dma_wait3A_261 = arith.constant 0 : i32
      %dma_wait3A_262 = tpu.memref_slice %arg2[%add3A_66, %dma_wait3A_261] : memref<8192x2304xf32, #tpu.memory_space<hbm>> -> memref<16x2304xf32, #tpu.memory_space<hbm>>
      %dma_wait3A_263 = arith.constant 0 : i32
      %dma_wait3A_264 = tpu.memref_slice %arg2[%add3A_66, %dma_wait3A_263] : memref<8192x2304xf32, #tpu.memory_space<hbm>> -> memref<16x2304xf32, #tpu.memory_space<hbm>>
      tpu.wait_dma2 semaphore(%run_scoped3A : memref<!tpu.dma_semaphore, #tpu.memory_space<semaphore_mem>>) src(%dma_wait3A_264 : memref<16x2304xf32, #tpu.memory_space<hbm>>) dst(%arg6 : memref<16x2304xf32, #tpu.memory_space<vmem>>)
      tpu.yield
    }) : () -> ()
    %dma_start3A_67 = arith.constant 4 : i32
    %dma_start3A_68 = arith.constant 0 : i32
    %dma_start3A_69 = tpu.memref_slice %arg5[%dma_start3A_67, %dma_start3A_68] : memref<16x16xi32, #tpu.memory_space<vmem>> -> memref<1x16xi32, #tpu.memory_space<vmem>>
    %dma_start3A_70 = tpu.memref_squeeze %dma_start3A_69 : memref<1x16xi32, #tpu.memory_space<vmem>> -> memref<16xi32, #tpu.memory_space<vmem>>
    %dma_start3A_71 = arith.constant 0 : i32
    %dma_start3A_72 = arith.constant 0 : i32
    %dma_start3A_73 = tpu.memref_slice %arg4[%dma_start3A_71, %dma_start3A_72] : memref<8192x2304xf32, #tpu.memory_space<hbm>> -> memref<8192x2304xf32, #tpu.memory_space<hbm>>
    tpu.enqueue_indirect_dma source(%arg6 : memref<16x2304xf32, #tpu.memory_space<vmem>>) target(%dma_start3A_73 : memref<8192x2304xf32, #tpu.memory_space<hbm>>) offsets(%dma_start3A_70 : memref<16xi32, #tpu.memory_space<vmem>>) semaphore(%arg7 : memref<!tpu.dma_semaphore, #tpu.memory_space<semaphore_mem>>)
    %dma_wait3A_74 = arith.constant 4 : i32
    %dma_wait3A_75 = arith.constant 0 : i32
    %dma_wait3A_76 = tpu.memref_slice %arg5[%dma_wait3A_74, %dma_wait3A_75] : memref<16x16xi32, #tpu.memory_space<vmem>> -> memref<1x16xi32, #tpu.memory_space<vmem>>
    %dma_wait3A_77 = tpu.memref_squeeze %dma_wait3A_76 : memref<1x16xi32, #tpu.memory_space<vmem>> -> memref<16xi32, #tpu.memory_space<vmem>>
    %dma_wait3A_78 = arith.constant 0 : i32
    %dma_wait3A_79 = arith.constant 0 : i32
    %dma_wait3A_80 = tpu.memref_slice %arg4[%dma_wait3A_78, %dma_wait3A_79] : memref<8192x2304xf32, #tpu.memory_space<hbm>> -> memref<8192x2304xf32, #tpu.memory_space<hbm>>
    tpu.wait_indirect_dma semaphore(%arg7 : memref<!tpu.dma_semaphore, #tpu.memory_space<semaphore_mem>>) src(%arg6 : memref<16x2304xf32, #tpu.memory_space<vmem>>) dst(%dma_wait3A_80 : memref<8192x2304xf32, #tpu.memory_space<hbm>>)
    %add3A_81 = arith.constant 80 : i32
    %add3A_82 = arith.addi %mul3A_2, %add3A_81 : i32
    "tpu.region"() ({
      %run_scoped3A = tpu.sem_alloc : memref<!tpu.dma_semaphore, #tpu.memory_space<semaphore_mem>>
      %dma_start3A_257 = arith.constant 0 : i32
      %dma_start3A_258 = tpu.memref_slice %arg2[%add3A_82, %dma_start3A_257] : memref<8192x2304xf32, #tpu.memory_space<hbm>> -> memref<16x2304xf32, #tpu.memory_space<hbm>>
      %dma_start3A_259 = arith.constant 0 : i32
      %dma_start3A_260 = tpu.memref_slice %arg2[%add3A_82, %dma_start3A_259] : memref<8192x2304xf32, #tpu.memory_space<hbm>> -> memref<16x2304xf32, #tpu.memory_space<hbm>>
      tpu.enqueue_dma source(%dma_start3A_260 : memref<16x2304xf32, #tpu.memory_space<hbm>>) target(%arg6 : memref<16x2304xf32, #tpu.memory_space<vmem>>) target_semaphore(%run_scoped3A : memref<!tpu.dma_semaphore, #tpu.memory_space<semaphore_mem>>)
      %dma_wait3A_261 = arith.constant 0 : i32
      %dma_wait3A_262 = tpu.memref_slice %arg2[%add3A_82, %dma_wait3A_261] : memref<8192x2304xf32, #tpu.memory_space<hbm>> -> memref<16x2304xf32, #tpu.memory_space<hbm>>
      %dma_wait3A_263 = arith.constant 0 : i32
      %dma_wait3A_264 = tpu.memref_slice %arg2[%add3A_82, %dma_wait3A_263] : memref<8192x2304xf32, #tpu.memory_space<hbm>> -> memref<16x2304xf32, #tpu.memory_space<hbm>>
      tpu.wait_dma2 semaphore(%run_scoped3A : memref<!tpu.dma_semaphore, #tpu.memory_space<semaphore_mem>>) src(%dma_wait3A_264 : memref<16x2304xf32, #tpu.memory_space<hbm>>) dst(%arg6 : memref<16x2304xf32, #tpu.memory_space<vmem>>)
      tpu.yield
    }) : () -> ()
    %dma_start3A_83 = arith.constant 5 : i32
    %dma_start3A_84 = arith.constant 0 : i32
    %dma_start3A_85 = tpu.memref_slice %arg5[%dma_start3A_83, %dma_start3A_84] : memref<16x16xi32, #tpu.memory_space<vmem>> -> memref<1x16xi32, #tpu.memory_space<vmem>>
    %dma_start3A_86 = tpu.memref_squeeze %dma_start3A_85 : memref<1x16xi32, #tpu.memory_space<vmem>> -> memref<16xi32, #tpu.memory_space<vmem>>
    %dma_start3A_87 = arith.constant 0 : i32
    %dma_start3A_88 = arith.constant 0 : i32
    %dma_start3A_89 = tpu.memref_slice %arg4[%dma_start3A_87, %dma_start3A_88] : memref<8192x2304xf32, #tpu.memory_space<hbm>> -> memref<8192x2304xf32, #tpu.memory_space<hbm>>
    tpu.enqueue_indirect_dma source(%arg6 : memref<16x2304xf32, #tpu.memory_space<vmem>>) target(%dma_start3A_89 : memref<8192x2304xf32, #tpu.memory_space<hbm>>) offsets(%dma_start3A_86 : memref<16xi32, #tpu.memory_space<vmem>>) semaphore(%arg7 : memref<!tpu.dma_semaphore, #tpu.memory_space<semaphore_mem>>)
    %dma_wait3A_90 = arith.constant 5 : i32
    %dma_wait3A_91 = arith.constant 0 : i32
    %dma_wait3A_92 = tpu.memref_slice %arg5[%dma_wait3A_90, %dma_wait3A_91] : memref<16x16xi32, #tpu.memory_space<vmem>> -> memref<1x16xi32, #tpu.memory_space<vmem>>
    %dma_wait3A_93 = tpu.memref_squeeze %dma_wait3A_92 : memref<1x16xi32, #tpu.memory_space<vmem>> -> memref<16xi32, #tpu.memory_space<vmem>>
    %dma_wait3A_94 = arith.constant 0 : i32
    %dma_wait3A_95 = arith.constant 0 : i32
    %dma_wait3A_96 = tpu.memref_slice %arg4[%dma_wait3A_94, %dma_wait3A_95] : memref<8192x2304xf32, #tpu.memory_space<hbm>> -> memref<8192x2304xf32, #tpu.memory_space<hbm>>
    tpu.wait_indirect_dma semaphore(%arg7 : memref<!tpu.dma_semaphore, #tpu.memory_space<semaphore_mem>>) src(%arg6 : memref<16x2304xf32, #tpu.memory_space<vmem>>) dst(%dma_wait3A_96 : memref<8192x2304xf32, #tpu.memory_space<hbm>>)
    %add3A_97 = arith.constant 96 : i32
    %add3A_98 = arith.addi %mul3A_2, %add3A_97 : i32
    "tpu.region"() ({
      %run_scoped3A = tpu.sem_alloc : memref<!tpu.dma_semaphore, #tpu.memory_space<semaphore_mem>>
      %dma_start3A_257 = arith.constant 0 : i32
      %dma_start3A_258 = tpu.memref_slice %arg2[%add3A_98, %dma_start3A_257] : memref<8192x2304xf32, #tpu.memory_space<hbm>> -> memref<16x2304xf32, #tpu.memory_space<hbm>>
      %dma_start3A_259 = arith.constant 0 : i32
      %dma_start3A_260 = tpu.memref_slice %arg2[%add3A_98, %dma_start3A_259] : memref<8192x2304xf32, #tpu.memory_space<hbm>> -> memref<16x2304xf32, #tpu.memory_space<hbm>>
      tpu.enqueue_dma source(%dma_start3A_260 : memref<16x2304xf32, #tpu.memory_space<hbm>>) target(%arg6 : memref<16x2304xf32, #tpu.memory_space<vmem>>) target_semaphore(%run_scoped3A : memref<!tpu.dma_semaphore, #tpu.memory_space<semaphore_mem>>)
      %dma_wait3A_261 = arith.constant 0 : i32
      %dma_wait3A_262 = tpu.memref_slice %arg2[%add3A_98, %dma_wait3A_261] : memref<8192x2304xf32, #tpu.memory_space<hbm>> -> memref<16x2304xf32, #tpu.memory_space<hbm>>
      %dma_wait3A_263 = arith.constant 0 : i32
      %dma_wait3A_264 = tpu.memref_slice %arg2[%add3A_98, %dma_wait3A_263] : memref<8192x2304xf32, #tpu.memory_space<hbm>> -> memref<16x2304xf32, #tpu.memory_space<hbm>>
      tpu.wait_dma2 semaphore(%run_scoped3A : memref<!tpu.dma_semaphore, #tpu.memory_space<semaphore_mem>>) src(%dma_wait3A_264 : memref<16x2304xf32, #tpu.memory_space<hbm>>) dst(%arg6 : memref<16x2304xf32, #tpu.memory_space<vmem>>)
      tpu.yield
    }) : () -> ()
    %dma_start3A_99 = arith.constant 6 : i32
    %dma_start3A_100 = arith.constant 0 : i32
    %dma_start3A_101 = tpu.memref_slice %arg5[%dma_start3A_99, %dma_start3A_100] : memref<16x16xi32, #tpu.memory_space<vmem>> -> memref<1x16xi32, #tpu.memory_space<vmem>>
    %dma_start3A_102 = tpu.memref_squeeze %dma_start3A_101 : memref<1x16xi32, #tpu.memory_space<vmem>> -> memref<16xi32, #tpu.memory_space<vmem>>
    %dma_start3A_103 = arith.constant 0 : i32
    %dma_start3A_104 = arith.constant 0 : i32
    %dma_start3A_105 = tpu.memref_slice %arg4[%dma_start3A_103, %dma_start3A_104] : memref<8192x2304xf32, #tpu.memory_space<hbm>> -> memref<8192x2304xf32, #tpu.memory_space<hbm>>
    tpu.enqueue_indirect_dma source(%arg6 : memref<16x2304xf32, #tpu.memory_space<vmem>>) target(%dma_start3A_105 : memref<8192x2304xf32, #tpu.memory_space<hbm>>) offsets(%dma_start3A_102 : memref<16xi32, #tpu.memory_space<vmem>>) semaphore(%arg7 : memref<!tpu.dma_semaphore, #tpu.memory_space<semaphore_mem>>)
    %dma_wait3A_106 = arith.constant 6 : i32
    %dma_wait3A_107 = arith.constant 0 : i32
    %dma_wait3A_108 = tpu.memref_slice %arg5[%dma_wait3A_106, %dma_wait3A_107] : memref<16x16xi32, #tpu.memory_space<vmem>> -> memref<1x16xi32, #tpu.memory_space<vmem>>
    %dma_wait3A_109 = tpu.memref_squeeze %dma_wait3A_108 : memref<1x16xi32, #tpu.memory_space<vmem>> -> memref<16xi32, #tpu.memory_space<vmem>>
    %dma_wait3A_110 = arith.constant 0 : i32
    %dma_wait3A_111 = arith.constant 0 : i32
    %dma_wait3A_112 = tpu.memref_slice %arg4[%dma_wait3A_110, %dma_wait3A_111] : memref<8192x2304xf32, #tpu.memory_space<hbm>> -> memref<8192x2304xf32, #tpu.memory_space<hbm>>
    tpu.wait_indirect_dma semaphore(%arg7 : memref<!tpu.dma_semaphore, #tpu.memory_space<semaphore_mem>>) src(%arg6 : memref<16x2304xf32, #tpu.memory_space<vmem>>) dst(%dma_wait3A_112 : memref<8192x2304xf32, #tpu.memory_space<hbm>>)
    %add3A_113 = arith.constant 112 : i32
    %add3A_114 = arith.addi %mul3A_2, %add3A_113 : i32
    "tpu.region"() ({
      %run_scoped3A = tpu.sem_alloc : memref<!tpu.dma_semaphore, #tpu.memory_space<semaphore_mem>>
      %dma_start3A_257 = arith.constant 0 : i32
      %dma_start3A_258 = tpu.memref_slice %arg2[%add3A_114, %dma_start3A_257] : memref<8192x2304xf32, #tpu.memory_space<hbm>> -> memref<16x2304xf32, #tpu.memory_space<hbm>>
      %dma_start3A_259 = arith.constant 0 : i32
      %dma_start3A_260 = tpu.memref_slice %arg2[%add3A_114, %dma_start3A_259] : memref<8192x2304xf32, #tpu.memory_space<hbm>> -> memref<16x2304xf32, #tpu.memory_space<hbm>>
      tpu.enqueue_dma source(%dma_start3A_260 : memref<16x2304xf32, #tpu.memory_space<hbm>>) target(%arg6 : memref<16x2304xf32, #tpu.memory_space<vmem>>) target_semaphore(%run_scoped3A : memref<!tpu.dma_semaphore, #tpu.memory_space<semaphore_mem>>)
      %dma_wait3A_261 = arith.constant 0 : i32
      %dma_wait3A_262 = tpu.memref_slice %arg2[%add3A_114, %dma_wait3A_261] : memref<8192x2304xf32, #tpu.memory_space<hbm>> -> memref<16x2304xf32, #tpu.memory_space<hbm>>
      %dma_wait3A_263 = arith.constant 0 : i32
      %dma_wait3A_264 = tpu.memref_slice %arg2[%add3A_114, %dma_wait3A_263] : memref<8192x2304xf32, #tpu.memory_space<hbm>> -> memref<16x2304xf32, #tpu.memory_space<hbm>>
      tpu.wait_dma2 semaphore(%run_scoped3A : memref<!tpu.dma_semaphore, #tpu.memory_space<semaphore_mem>>) src(%dma_wait3A_264 : memref<16x2304xf32, #tpu.memory_space<hbm>>) dst(%arg6 : memref<16x2304xf32, #tpu.memory_space<vmem>>)
      tpu.yield
    }) : () -> ()
    %dma_start3A_115 = arith.constant 7 : i32
    %dma_start3A_116 = arith.constant 0 : i32
    %dma_start3A_117 = tpu.memref_slice %arg5[%dma_start3A_115, %dma_start3A_116] : memref<16x16xi32, #tpu.memory_space<vmem>> -> memref<1x16xi32, #tpu.memory_space<vmem>>
    %dma_start3A_118 = tpu.memref_squeeze %dma_start3A_117 : memref<1x16xi32, #tpu.memory_space<vmem>> -> memref<16xi32, #tpu.memory_space<vmem>>
    %dma_start3A_119 = arith.constant 0 : i32
    %dma_start3A_120 = arith.constant 0 : i32
    %dma_start3A_121 = tpu.memref_slice %arg4[%dma_start3A_119, %dma_start3A_120] : memref<8192x2304xf32, #tpu.memory_space<hbm>> -> memref<8192x2304xf32, #tpu.memory_space<hbm>>
    tpu.enqueue_indirect_dma source(%arg6 : memref<16x2304xf32, #tpu.memory_space<vmem>>) target(%dma_start3A_121 : memref<8192x2304xf32, #tpu.memory_space<hbm>>) offsets(%dma_start3A_118 : memref<16xi32, #tpu.memory_space<vmem>>) semaphore(%arg7 : memref<!tpu.dma_semaphore, #tpu.memory_space<semaphore_mem>>)
    %dma_wait3A_122 = arith.constant 7 : i32
    %dma_wait3A_123 = arith.constant 0 : i32
    %dma_wait3A_124 = tpu.memref_slice %arg5[%dma_wait3A_122, %dma_wait3A_123] : memref<16x16xi32, #tpu.memory_space<vmem>> -> memref<1x16xi32, #tpu.memory_space<vmem>>
    %dma_wait3A_125 = tpu.memref_squeeze %dma_wait3A_124 : memref<1x16xi32, #tpu.memory_space<vmem>> -> memref<16xi32, #tpu.memory_space<vmem>>
    %dma_wait3A_126 = arith.constant 0 : i32
    %dma_wait3A_127 = arith.constant 0 : i32
    %dma_wait3A_128 = tpu.memref_slice %arg4[%dma_wait3A_126, %dma_wait3A_127] : memref<8192x2304xf32, #tpu.memory_space<hbm>> -> memref<8192x2304xf32, #tpu.memory_space<hbm>>
    tpu.wait_indirect_dma semaphore(%arg7 : memref<!tpu.dma_semaphore, #tpu.memory_space<semaphore_mem>>) src(%arg6 : memref<16x2304xf32, #tpu.memory_space<vmem>>) dst(%dma_wait3A_128 : memref<8192x2304xf32, #tpu.memory_space<hbm>>)
    %add3A_129 = arith.constant 128 : i32
    %add3A_130 = arith.addi %mul3A_2, %add3A_129 : i32
    "tpu.region"() ({
      %run_scoped3A = tpu.sem_alloc : memref<!tpu.dma_semaphore, #tpu.memory_space<semaphore_mem>>
      %dma_start3A_257 = arith.constant 0 : i32
      %dma_start3A_258 = tpu.memref_slice %arg2[%add3A_130, %dma_start3A_257] : memref<8192x2304xf32, #tpu.memory_space<hbm>> -> memref<16x2304xf32, #tpu.memory_space<hbm>>
      %dma_start3A_259 = arith.constant 0 : i32
      %dma_start3A_260 = tpu.memref_slice %arg2[%add3A_130, %dma_start3A_259] : memref<8192x2304xf32, #tpu.memory_space<hbm>> -> memref<16x2304xf32, #tpu.memory_space<hbm>>
      tpu.enqueue_dma source(%dma_start3A_260 : memref<16x2304xf32, #tpu.memory_space<hbm>>) target(%arg6 : memref<16x2304xf32, #tpu.memory_space<vmem>>) target_semaphore(%run_scoped3A : memref<!tpu.dma_semaphore, #tpu.memory_space<semaphore_mem>>)
      %dma_wait3A_261 = arith.constant 0 : i32
      %dma_wait3A_262 = tpu.memref_slice %arg2[%add3A_130, %dma_wait3A_261] : memref<8192x2304xf32, #tpu.memory_space<hbm>> -> memref<16x2304xf32, #tpu.memory_space<hbm>>
      %dma_wait3A_263 = arith.constant 0 : i32
      %dma_wait3A_264 = tpu.memref_slice %arg2[%add3A_130, %dma_wait3A_263] : memref<8192x2304xf32, #tpu.memory_space<hbm>> -> memref<16x2304xf32, #tpu.memory_space<hbm>>
      tpu.wait_dma2 semaphore(%run_scoped3A : memref<!tpu.dma_semaphore, #tpu.memory_space<semaphore_mem>>) src(%dma_wait3A_264 : memref<16x2304xf32, #tpu.memory_space<hbm>>) dst(%arg6 : memref<16x2304xf32, #tpu.memory_space<vmem>>)
      tpu.yield
    }) : () -> ()
    %dma_start3A_131 = arith.constant 8 : i32
    %dma_start3A_132 = arith.constant 0 : i32
    %dma_start3A_133 = tpu.memref_slice %arg5[%dma_start3A_131, %dma_start3A_132] : memref<16x16xi32, #tpu.memory_space<vmem>> -> memref<1x16xi32, #tpu.memory_space<vmem>>
    %dma_start3A_134 = tpu.memref_squeeze %dma_start3A_133 : memref<1x16xi32, #tpu.memory_space<vmem>> -> memref<16xi32, #tpu.memory_space<vmem>>
    %dma_start3A_135 = arith.constant 0 : i32
    %dma_start3A_136 = arith.constant 0 : i32
    %dma_start3A_137 = tpu.memref_slice %arg4[%dma_start3A_135, %dma_start3A_136] : memref<8192x2304xf32, #tpu.memory_space<hbm>> -> memref<8192x2304xf32, #tpu.memory_space<hbm>>
    tpu.enqueue_indirect_dma source(%arg6 : memref<16x2304xf32, #tpu.memory_space<vmem>>) target(%dma_start3A_137 : memref<8192x2304xf32, #tpu.memory_space<hbm>>) offsets(%dma_start3A_134 : memref<16xi32, #tpu.memory_space<vmem>>) semaphore(%arg7 : memref<!tpu.dma_semaphore, #tpu.memory_space<semaphore_mem>>)
    %dma_wait3A_138 = arith.constant 8 : i32
    %dma_wait3A_139 = arith.constant 0 : i32
    %dma_wait3A_140 = tpu.memref_slice %arg5[%dma_wait3A_138, %dma_wait3A_139] : memref<16x16xi32, #tpu.memory_space<vmem>> -> memref<1x16xi32, #tpu.memory_space<vmem>>
    %dma_wait3A_141 = tpu.memref_squeeze %dma_wait3A_140 : memref<1x16xi32, #tpu.memory_space<vmem>> -> memref<16xi32, #tpu.memory_space<vmem>>
    %dma_wait3A_142 = arith.constant 0 : i32
    %dma_wait3A_143 = arith.constant 0 : i32
    %dma_wait3A_144 = tpu.memref_slice %arg4[%dma_wait3A_142, %dma_wait3A_143] : memref<8192x2304xf32, #tpu.memory_space<hbm>> -> memref<8192x2304xf32, #tpu.memory_space<hbm>>
    tpu.wait_indirect_dma semaphore(%arg7 : memref<!tpu.dma_semaphore, #tpu.memory_space<semaphore_mem>>) src(%arg6 : memref<16x2304xf32, #tpu.memory_space<vmem>>) dst(%dma_wait3A_144 : memref<8192x2304xf32, #tpu.memory_space<hbm>>)
    %add3A_145 = arith.constant 144 : i32
    %add3A_146 = arith.addi %mul3A_2, %add3A_145 : i32
    "tpu.region"() ({
      %run_scoped3A = tpu.sem_alloc : memref<!tpu.dma_semaphore, #tpu.memory_space<semaphore_mem>>
      %dma_start3A_257 = arith.constant 0 : i32
      %dma_start3A_258 = tpu.memref_slice %arg2[%add3A_146, %dma_start3A_257] : memref<8192x2304xf32, #tpu.memory_space<hbm>> -> memref<16x2304xf32, #tpu.memory_space<hbm>>
      %dma_start3A_259 = arith.constant 0 : i32
      %dma_start3A_260 = tpu.memref_slice %arg2[%add3A_146, %dma_start3A_259] : memref<8192x2304xf32, #tpu.memory_space<hbm>> -> memref<16x2304xf32, #tpu.memory_space<hbm>>
      tpu.enqueue_dma source(%dma_start3A_260 : memref<16x2304xf32, #tpu.memory_space<hbm>>) target(%arg6 : memref<16x2304xf32, #tpu.memory_space<vmem>>) target_semaphore(%run_scoped3A : memref<!tpu.dma_semaphore, #tpu.memory_space<semaphore_mem>>)
      %dma_wait3A_261 = arith.constant 0 : i32
      %dma_wait3A_262 = tpu.memref_slice %arg2[%add3A_146, %dma_wait3A_261] : memref<8192x2304xf32, #tpu.memory_space<hbm>> -> memref<16x2304xf32, #tpu.memory_space<hbm>>
      %dma_wait3A_263 = arith.constant 0 : i32
      %dma_wait3A_264 = tpu.memref_slice %arg2[%add3A_146, %dma_wait3A_263] : memref<8192x2304xf32, #tpu.memory_space<hbm>> -> memref<16x2304xf32, #tpu.memory_space<hbm>>
      tpu.wait_dma2 semaphore(%run_scoped3A : memref<!tpu.dma_semaphore, #tpu.memory_space<semaphore_mem>>) src(%dma_wait3A_264 : memref<16x2304xf32, #tpu.memory_space<hbm>>) dst(%arg6 : memref<16x2304xf32, #tpu.memory_space<vmem>>)
      tpu.yield
    }) : () -> ()
    %dma_start3A_147 = arith.constant 9 : i32
    %dma_start3A_148 = arith.constant 0 : i32
    %dma_start3A_149 = tpu.memref_slice %arg5[%dma_start3A_147, %dma_start3A_148] : memref<16x16xi32, #tpu.memory_space<vmem>> -> memref<1x16xi32, #tpu.memory_space<vmem>>
    %dma_start3A_150 = tpu.memref_squeeze %dma_start3A_149 : memref<1x16xi32, #tpu.memory_space<vmem>> -> memref<16xi32, #tpu.memory_space<vmem>>
    %dma_start3A_151 = arith.constant 0 : i32
    %dma_start3A_152 = arith.constant 0 : i32
    %dma_start3A_153 = tpu.memref_slice %arg4[%dma_start3A_151, %dma_start3A_152] : memref<8192x2304xf32, #tpu.memory_space<hbm>> -> memref<8192x2304xf32, #tpu.memory_space<hbm>>
    tpu.enqueue_indirect_dma source(%arg6 : memref<16x2304xf32, #tpu.memory_space<vmem>>) target(%dma_start3A_153 : memref<8192x2304xf32, #tpu.memory_space<hbm>>) offsets(%dma_start3A_150 : memref<16xi32, #tpu.memory_space<vmem>>) semaphore(%arg7 : memref<!tpu.dma_semaphore, #tpu.memory_space<semaphore_mem>>)
    %dma_wait3A_154 = arith.constant 9 : i32
    %dma_wait3A_155 = arith.constant 0 : i32
    %dma_wait3A_156 = tpu.memref_slice %arg5[%dma_wait3A_154, %dma_wait3A_155] : memref<16x16xi32, #tpu.memory_space<vmem>> -> memref<1x16xi32, #tpu.memory_space<vmem>>
    %dma_wait3A_157 = tpu.memref_squeeze %dma_wait3A_156 : memref<1x16xi32, #tpu.memory_space<vmem>> -> memref<16xi32, #tpu.memory_space<vmem>>
    %dma_wait3A_158 = arith.constant 0 : i32
    %dma_wait3A_159 = arith.constant 0 : i32
    %dma_wait3A_160 = tpu.memref_slice %arg4[%dma_wait3A_158, %dma_wait3A_159] : memref<8192x2304xf32, #tpu.memory_space<hbm>> -> memref<8192x2304xf32, #tpu.memory_space<hbm>>
    tpu.wait_indirect_dma semaphore(%arg7 : memref<!tpu.dma_semaphore, #tpu.memory_space<semaphore_mem>>) src(%arg6 : memref<16x2304xf32, #tpu.memory_space<vmem>>) dst(%dma_wait3A_160 : memref<8192x2304xf32, #tpu.memory_space<hbm>>)
    %add3A_161 = arith.constant 160 : i32
    %add3A_162 = arith.addi %mul3A_2, %add3A_161 : i32
    "tpu.region"() ({
      %run_scoped3A = tpu.sem_alloc : memref<!tpu.dma_semaphore, #tpu.memory_space<semaphore_mem>>
      %dma_start3A_257 = arith.constant 0 : i32
      %dma_start3A_258 = tpu.memref_slice %arg2[%add3A_162, %dma_start3A_257] : memref<8192x2304xf32, #tpu.memory_space<hbm>> -> memref<16x2304xf32, #tpu.memory_space<hbm>>
      %dma_start3A_259 = arith.constant 0 : i32
      %dma_start3A_260 = tpu.memref_slice %arg2[%add3A_162, %dma_start3A_259] : memref<8192x2304xf32, #tpu.memory_space<hbm>> -> memref<16x2304xf32, #tpu.memory_space<hbm>>
      tpu.enqueue_dma source(%dma_start3A_260 : memref<16x2304xf32, #tpu.memory_space<hbm>>) target(%arg6 : memref<16x2304xf32, #tpu.memory_space<vmem>>) target_semaphore(%run_scoped3A : memref<!tpu.dma_semaphore, #tpu.memory_space<semaphore_mem>>)
      %dma_wait3A_261 = arith.constant 0 : i32
      %dma_wait3A_262 = tpu.memref_slice %arg2[%add3A_162, %dma_wait3A_261] : memref<8192x2304xf32, #tpu.memory_space<hbm>> -> memref<16x2304xf32, #tpu.memory_space<hbm>>
      %dma_wait3A_263 = arith.constant 0 : i32
      %dma_wait3A_264 = tpu.memref_slice %arg2[%add3A_162, %dma_wait3A_263] : memref<8192x2304xf32, #tpu.memory_space<hbm>> -> memref<16x2304xf32, #tpu.memory_space<hbm>>
      tpu.wait_dma2 semaphore(%run_scoped3A : memref<!tpu.dma_semaphore, #tpu.memory_space<semaphore_mem>>) src(%dma_wait3A_264 : memref<16x2304xf32, #tpu.memory_space<hbm>>) dst(%arg6 : memref<16x2304xf32, #tpu.memory_space<vmem>>)
      tpu.yield
    }) : () -> ()
    %dma_start3A_163 = arith.constant 10 : i32
    %dma_start3A_164 = arith.constant 0 : i32
    %dma_start3A_165 = tpu.memref_slice %arg5[%dma_start3A_163, %dma_start3A_164] : memref<16x16xi32, #tpu.memory_space<vmem>> -> memref<1x16xi32, #tpu.memory_space<vmem>>
    %dma_start3A_166 = tpu.memref_squeeze %dma_start3A_165 : memref<1x16xi32, #tpu.memory_space<vmem>> -> memref<16xi32, #tpu.memory_space<vmem>>
    %dma_start3A_167 = arith.constant 0 : i32
    %dma_start3A_168 = arith.constant 0 : i32
    %dma_start3A_169 = tpu.memref_slice %arg4[%dma_start3A_167, %dma_start3A_168] : memref<8192x2304xf32, #tpu.memory_space<hbm>> -> memref<8192x2304xf32, #tpu.memory_space<hbm>>
    tpu.enqueue_indirect_dma source(%arg6 : memref<16x2304xf32, #tpu.memory_space<vmem>>) target(%dma_start3A_169 : memref<8192x2304xf32, #tpu.memory_space<hbm>>) offsets(%dma_start3A_166 : memref<16xi32, #tpu.memory_space<vmem>>) semaphore(%arg7 : memref<!tpu.dma_semaphore, #tpu.memory_space<semaphore_mem>>)
    %dma_wait3A_170 = arith.constant 10 : i32
    %dma_wait3A_171 = arith.constant 0 : i32
    %dma_wait3A_172 = tpu.memref_slice %arg5[%dma_wait3A_170, %dma_wait3A_171] : memref<16x16xi32, #tpu.memory_space<vmem>> -> memref<1x16xi32, #tpu.memory_space<vmem>>
    %dma_wait3A_173 = tpu.memref_squeeze %dma_wait3A_172 : memref<1x16xi32, #tpu.memory_space<vmem>> -> memref<16xi32, #tpu.memory_space<vmem>>
    %dma_wait3A_174 = arith.constant 0 : i32
    %dma_wait3A_175 = arith.constant 0 : i32
    %dma_wait3A_176 = tpu.memref_slice %arg4[%dma_wait3A_174, %dma_wait3A_175] : memref<8192x2304xf32, #tpu.memory_space<hbm>> -> memref<8192x2304xf32, #tpu.memory_space<hbm>>
    tpu.wait_indirect_dma semaphore(%arg7 : memref<!tpu.dma_semaphore, #tpu.memory_space<semaphore_mem>>) src(%arg6 : memref<16x2304xf32, #tpu.memory_space<vmem>>) dst(%dma_wait3A_176 : memref<8192x2304xf32, #tpu.memory_space<hbm>>)
    %add3A_177 = arith.constant 176 : i32
    %add3A_178 = arith.addi %mul3A_2, %add3A_177 : i32
    "tpu.region"() ({
      %run_scoped3A = tpu.sem_alloc : memref<!tpu.dma_semaphore, #tpu.memory_space<semaphore_mem>>
      %dma_start3A_257 = arith.constant 0 : i32
      %dma_start3A_258 = tpu.memref_slice %arg2[%add3A_178, %dma_start3A_257] : memref<8192x2304xf32, #tpu.memory_space<hbm>> -> memref<16x2304xf32, #tpu.memory_space<hbm>>
      %dma_start3A_259 = arith.constant 0 : i32
      %dma_start3A_260 = tpu.memref_slice %arg2[%add3A_178, %dma_start3A_259] : memref<8192x2304xf32, #tpu.memory_space<hbm>> -> memref<16x2304xf32, #tpu.memory_space<hbm>>
      tpu.enqueue_dma source(%dma_start3A_260 : memref<16x2304xf32, #tpu.memory_space<hbm>>) target(%arg6 : memref<16x2304xf32, #tpu.memory_space<vmem>>) target_semaphore(%run_scoped3A : memref<!tpu.dma_semaphore, #tpu.memory_space<semaphore_mem>>)
      %dma_wait3A_261 = arith.constant 0 : i32
      %dma_wait3A_262 = tpu.memref_slice %arg2[%add3A_178, %dma_wait3A_261] : memref<8192x2304xf32, #tpu.memory_space<hbm>> -> memref<16x2304xf32, #tpu.memory_space<hbm>>
      %dma_wait3A_263 = arith.constant 0 : i32
      %dma_wait3A_264 = tpu.memref_slice %arg2[%add3A_178, %dma_wait3A_263] : memref<8192x2304xf32, #tpu.memory_space<hbm>> -> memref<16x2304xf32, #tpu.memory_space<hbm>>
      tpu.wait_dma2 semaphore(%run_scoped3A : memref<!tpu.dma_semaphore, #tpu.memory_space<semaphore_mem>>) src(%dma_wait3A_264 : memref<16x2304xf32, #tpu.memory_space<hbm>>) dst(%arg6 : memref<16x2304xf32, #tpu.memory_space<vmem>>)
      tpu.yield
    }) : () -> ()
    %dma_start3A_179 = arith.constant 11 : i32
    %dma_start3A_180 = arith.constant 0 : i32
    %dma_start3A_181 = tpu.memref_slice %arg5[%dma_start3A_179, %dma_start3A_180] : memref<16x16xi32, #tpu.memory_space<vmem>> -> memref<1x16xi32, #tpu.memory_space<vmem>>
    %dma_start3A_182 = tpu.memref_squeeze %dma_start3A_181 : memref<1x16xi32, #tpu.memory_space<vmem>> -> memref<16xi32, #tpu.memory_space<vmem>>
    %dma_start3A_183 = arith.constant 0 : i32
    %dma_start3A_184 = arith.constant 0 : i32
    %dma_start3A_185 = tpu.memref_slice %arg4[%dma_start3A_183, %dma_start3A_184] : memref<8192x2304xf32, #tpu.memory_space<hbm>> -> memref<8192x2304xf32, #tpu.memory_space<hbm>>
    tpu.enqueue_indirect_dma source(%arg6 : memref<16x2304xf32, #tpu.memory_space<vmem>>) target(%dma_start3A_185 : memref<8192x2304xf32, #tpu.memory_space<hbm>>) offsets(%dma_start3A_182 : memref<16xi32, #tpu.memory_space<vmem>>) semaphore(%arg7 : memref<!tpu.dma_semaphore, #tpu.memory_space<semaphore_mem>>)
    %dma_wait3A_186 = arith.constant 11 : i32
    %dma_wait3A_187 = arith.constant 0 : i32
    %dma_wait3A_188 = tpu.memref_slice %arg5[%dma_wait3A_186, %dma_wait3A_187] : memref<16x16xi32, #tpu.memory_space<vmem>> -> memref<1x16xi32, #tpu.memory_space<vmem>>
    %dma_wait3A_189 = tpu.memref_squeeze %dma_wait3A_188 : memref<1x16xi32, #tpu.memory_space<vmem>> -> memref<16xi32, #tpu.memory_space<vmem>>
    %dma_wait3A_190 = arith.constant 0 : i32
    %dma_wait3A_191 = arith.constant 0 : i32
    %dma_wait3A_192 = tpu.memref_slice %arg4[%dma_wait3A_190, %dma_wait3A_191] : memref<8192x2304xf32, #tpu.memory_space<hbm>> -> memref<8192x2304xf32, #tpu.memory_space<hbm>>
    tpu.wait_indirect_dma semaphore(%arg7 : memref<!tpu.dma_semaphore, #tpu.memory_space<semaphore_mem>>) src(%arg6 : memref<16x2304xf32, #tpu.memory_space<vmem>>) dst(%dma_wait3A_192 : memref<8192x2304xf32, #tpu.memory_space<hbm>>)
    %add3A_193 = arith.constant 192 : i32
    %add3A_194 = arith.addi %mul3A_2, %add3A_193 : i32
    "tpu.region"() ({
      %run_scoped3A = tpu.sem_alloc : memref<!tpu.dma_semaphore, #tpu.memory_space<semaphore_mem>>
      %dma_start3A_257 = arith.constant 0 : i32
      %dma_start3A_258 = tpu.memref_slice %arg2[%add3A_194, %dma_start3A_257] : memref<8192x2304xf32, #tpu.memory_space<hbm>> -> memref<16x2304xf32, #tpu.memory_space<hbm>>
      %dma_start3A_259 = arith.constant 0 : i32
      %dma_start3A_260 = tpu.memref_slice %arg2[%add3A_194, %dma_start3A_259] : memref<8192x2304xf32, #tpu.memory_space<hbm>> -> memref<16x2304xf32, #tpu.memory_space<hbm>>
      tpu.enqueue_dma source(%dma_start3A_260 : memref<16x2304xf32, #tpu.memory_space<hbm>>) target(%arg6 : memref<16x2304xf32, #tpu.memory_space<vmem>>) target_semaphore(%run_scoped3A : memref<!tpu.dma_semaphore, #tpu.memory_space<semaphore_mem>>)
      %dma_wait3A_261 = arith.constant 0 : i32
      %dma_wait3A_262 = tpu.memref_slice %arg2[%add3A_194, %dma_wait3A_261] : memref<8192x2304xf32, #tpu.memory_space<hbm>> -> memref<16x2304xf32, #tpu.memory_space<hbm>>
      %dma_wait3A_263 = arith.constant 0 : i32
      %dma_wait3A_264 = tpu.memref_slice %arg2[%add3A_194, %dma_wait3A_263] : memref<8192x2304xf32, #tpu.memory_space<hbm>> -> memref<16x2304xf32, #tpu.memory_space<hbm>>
      tpu.wait_dma2 semaphore(%run_scoped3A : memref<!tpu.dma_semaphore, #tpu.memory_space<semaphore_mem>>) src(%dma_wait3A_264 : memref<16x2304xf32, #tpu.memory_space<hbm>>) dst(%arg6 : memref<16x2304xf32, #tpu.memory_space<vmem>>)
      tpu.yield
    }) : () -> ()
    %dma_start3A_195 = arith.constant 12 : i32
    %dma_start3A_196 = arith.constant 0 : i32
    %dma_start3A_197 = tpu.memref_slice %arg5[%dma_start3A_195, %dma_start3A_196] : memref<16x16xi32, #tpu.memory_space<vmem>> -> memref<1x16xi32, #tpu.memory_space<vmem>>
    %dma_start3A_198 = tpu.memref_squeeze %dma_start3A_197 : memref<1x16xi32, #tpu.memory_space<vmem>> -> memref<16xi32, #tpu.memory_space<vmem>>
    %dma_start3A_199 = arith.constant 0 : i32
    %dma_start3A_200 = arith.constant 0 : i32
    %dma_start3A_201 = tpu.memref_slice %arg4[%dma_start3A_199, %dma_start3A_200] : memref<8192x2304xf32, #tpu.memory_space<hbm>> -> memref<8192x2304xf32, #tpu.memory_space<hbm>>
    tpu.enqueue_indirect_dma source(%arg6 : memref<16x2304xf32, #tpu.memory_space<vmem>>) target(%dma_start3A_201 : memref<8192x2304xf32, #tpu.memory_space<hbm>>) offsets(%dma_start3A_198 : memref<16xi32, #tpu.memory_space<vmem>>) semaphore(%arg7 : memref<!tpu.dma_semaphore, #tpu.memory_space<semaphore_mem>>)
    %dma_wait3A_202 = arith.constant 12 : i32
    %dma_wait3A_203 = arith.constant 0 : i32
    %dma_wait3A_204 = tpu.memref_slice %arg5[%dma_wait3A_202, %dma_wait3A_203] : memref<16x16xi32, #tpu.memory_space<vmem>> -> memref<1x16xi32, #tpu.memory_space<vmem>>
    %dma_wait3A_205 = tpu.memref_squeeze %dma_wait3A_204 : memref<1x16xi32, #tpu.memory_space<vmem>> -> memref<16xi32, #tpu.memory_space<vmem>>
    %dma_wait3A_206 = arith.constant 0 : i32
    %dma_wait3A_207 = arith.constant 0 : i32
    %dma_wait3A_208 = tpu.memref_slice %arg4[%dma_wait3A_206, %dma_wait3A_207] : memref<8192x2304xf32, #tpu.memory_space<hbm>> -> memref<8192x2304xf32, #tpu.memory_space<hbm>>
    tpu.wait_indirect_dma semaphore(%arg7 : memref<!tpu.dma_semaphore, #tpu.memory_space<semaphore_mem>>) src(%arg6 : memref<16x2304xf32, #tpu.memory_space<vmem>>) dst(%dma_wait3A_208 : memref<8192x2304xf32, #tpu.memory_space<hbm>>)
    %add3A_209 = arith.constant 208 : i32
    %add3A_210 = arith.addi %mul3A_2, %add3A_209 : i32
    "tpu.region"() ({
      %run_scoped3A = tpu.sem_alloc : memref<!tpu.dma_semaphore, #tpu.memory_space<semaphore_mem>>
      %dma_start3A_257 = arith.constant 0 : i32
      %dma_start3A_258 = tpu.memref_slice %arg2[%add3A_210, %dma_start3A_257] : memref<8192x2304xf32, #tpu.memory_space<hbm>> -> memref<16x2304xf32, #tpu.memory_space<hbm>>
      %dma_start3A_259 = arith.constant 0 : i32
      %dma_start3A_260 = tpu.memref_slice %arg2[%add3A_210, %dma_start3A_259] : memref<8192x2304xf32, #tpu.memory_space<hbm>> -> memref<16x2304xf32, #tpu.memory_space<hbm>>
      tpu.enqueue_dma source(%dma_start3A_260 : memref<16x2304xf32, #tpu.memory_space<hbm>>) target(%arg6 : memref<16x2304xf32, #tpu.memory_space<vmem>>) target_semaphore(%run_scoped3A : memref<!tpu.dma_semaphore, #tpu.memory_space<semaphore_mem>>)
      %dma_wait3A_261 = arith.constant 0 : i32
      %dma_wait3A_262 = tpu.memref_slice %arg2[%add3A_210, %dma_wait3A_261] : memref<8192x2304xf32, #tpu.memory_space<hbm>> -> memref<16x2304xf32, #tpu.memory_space<hbm>>
      %dma_wait3A_263 = arith.constant 0 : i32
      %dma_wait3A_264 = tpu.memref_slice %arg2[%add3A_210, %dma_wait3A_263] : memref<8192x2304xf32, #tpu.memory_space<hbm>> -> memref<16x2304xf32, #tpu.memory_space<hbm>>
      tpu.wait_dma2 semaphore(%run_scoped3A : memref<!tpu.dma_semaphore, #tpu.memory_space<semaphore_mem>>) src(%dma_wait3A_264 : memref<16x2304xf32, #tpu.memory_space<hbm>>) dst(%arg6 : memref<16x2304xf32, #tpu.memory_space<vmem>>)
      tpu.yield
    }) : () -> ()
    %dma_start3A_211 = arith.constant 13 : i32
    %dma_start3A_212 = arith.constant 0 : i32
    %dma_start3A_213 = tpu.memref_slice %arg5[%dma_start3A_211, %dma_start3A_212] : memref<16x16xi32, #tpu.memory_space<vmem>> -> memref<1x16xi32, #tpu.memory_space<vmem>>
    %dma_start3A_214 = tpu.memref_squeeze %dma_start3A_213 : memref<1x16xi32, #tpu.memory_space<vmem>> -> memref<16xi32, #tpu.memory_space<vmem>>
    %dma_start3A_215 = arith.constant 0 : i32
    %dma_start3A_216 = arith.constant 0 : i32
    %dma_start3A_217 = tpu.memref_slice %arg4[%dma_start3A_215, %dma_start3A_216] : memref<8192x2304xf32, #tpu.memory_space<hbm>> -> memref<8192x2304xf32, #tpu.memory_space<hbm>>
    tpu.enqueue_indirect_dma source(%arg6 : memref<16x2304xf32, #tpu.memory_space<vmem>>) target(%dma_start3A_217 : memref<8192x2304xf32, #tpu.memory_space<hbm>>) offsets(%dma_start3A_214 : memref<16xi32, #tpu.memory_space<vmem>>) semaphore(%arg7 : memref<!tpu.dma_semaphore, #tpu.memory_space<semaphore_mem>>)
    %dma_wait3A_218 = arith.constant 13 : i32
    %dma_wait3A_219 = arith.constant 0 : i32
    %dma_wait3A_220 = tpu.memref_slice %arg5[%dma_wait3A_218, %dma_wait3A_219] : memref<16x16xi32, #tpu.memory_space<vmem>> -> memref<1x16xi32, #tpu.memory_space<vmem>>
    %dma_wait3A_221 = tpu.memref_squeeze %dma_wait3A_220 : memref<1x16xi32, #tpu.memory_space<vmem>> -> memref<16xi32, #tpu.memory_space<vmem>>
    %dma_wait3A_222 = arith.constant 0 : i32
    %dma_wait3A_223 = arith.constant 0 : i32
    %dma_wait3A_224 = tpu.memref_slice %arg4[%dma_wait3A_222, %dma_wait3A_223] : memref<8192x2304xf32, #tpu.memory_space<hbm>> -> memref<8192x2304xf32, #tpu.memory_space<hbm>>
    tpu.wait_indirect_dma semaphore(%arg7 : memref<!tpu.dma_semaphore, #tpu.memory_space<semaphore_mem>>) src(%arg6 : memref<16x2304xf32, #tpu.memory_space<vmem>>) dst(%dma_wait3A_224 : memref<8192x2304xf32, #tpu.memory_space<hbm>>)
    %add3A_225 = arith.constant 224 : i32
    %add3A_226 = arith.addi %mul3A_2, %add3A_225 : i32
    "tpu.region"() ({
      %run_scoped3A = tpu.sem_alloc : memref<!tpu.dma_semaphore, #tpu.memory_space<semaphore_mem>>
      %dma_start3A_257 = arith.constant 0 : i32
      %dma_start3A_258 = tpu.memref_slice %arg2[%add3A_226, %dma_start3A_257] : memref<8192x2304xf32, #tpu.memory_space<hbm>> -> memref<16x2304xf32, #tpu.memory_space<hbm>>
      %dma_start3A_259 = arith.constant 0 : i32
      %dma_start3A_260 = tpu.memref_slice %arg2[%add3A_226, %dma_start3A_259] : memref<8192x2304xf32, #tpu.memory_space<hbm>> -> memref<16x2304xf32, #tpu.memory_space<hbm>>
      tpu.enqueue_dma source(%dma_start3A_260 : memref<16x2304xf32, #tpu.memory_space<hbm>>) target(%arg6 : memref<16x2304xf32, #tpu.memory_space<vmem>>) target_semaphore(%run_scoped3A : memref<!tpu.dma_semaphore, #tpu.memory_space<semaphore_mem>>)
      %dma_wait3A_261 = arith.constant 0 : i32
      %dma_wait3A_262 = tpu.memref_slice %arg2[%add3A_226, %dma_wait3A_261] : memref<8192x2304xf32, #tpu.memory_space<hbm>> -> memref<16x2304xf32, #tpu.memory_space<hbm>>
      %dma_wait3A_263 = arith.constant 0 : i32
      %dma_wait3A_264 = tpu.memref_slice %arg2[%add3A_226, %dma_wait3A_263] : memref<8192x2304xf32, #tpu.memory_space<hbm>> -> memref<16x2304xf32, #tpu.memory_space<hbm>>
      tpu.wait_dma2 semaphore(%run_scoped3A : memref<!tpu.dma_semaphore, #tpu.memory_space<semaphore_mem>>) src(%dma_wait3A_264 : memref<16x2304xf32, #tpu.memory_space<hbm>>) dst(%arg6 : memref<16x2304xf32, #tpu.memory_space<vmem>>)
      tpu.yield
    }) : () -> ()
    %dma_start3A_227 = arith.constant 14 : i32
    %dma_start3A_228 = arith.constant 0 : i32
    %dma_start3A_229 = tpu.memref_slice %arg5[%dma_start3A_227, %dma_start3A_228] : memref<16x16xi32, #tpu.memory_space<vmem>> -> memref<1x16xi32, #tpu.memory_space<vmem>>
    %dma_start3A_230 = tpu.memref_squeeze %dma_start3A_229 : memref<1x16xi32, #tpu.memory_space<vmem>> -> memref<16xi32, #tpu.memory_space<vmem>>
    %dma_start3A_231 = arith.constant 0 : i32
    %dma_start3A_232 = arith.constant 0 : i32
    %dma_start3A_233 = tpu.memref_slice %arg4[%dma_start3A_231, %dma_start3A_232] : memref<8192x2304xf32, #tpu.memory_space<hbm>> -> memref<8192x2304xf32, #tpu.memory_space<hbm>>
    tpu.enqueue_indirect_dma source(%arg6 : memref<16x2304xf32, #tpu.memory_space<vmem>>) target(%dma_start3A_233 : memref<8192x2304xf32, #tpu.memory_space<hbm>>) offsets(%dma_start3A_230 : memref<16xi32, #tpu.memory_space<vmem>>) semaphore(%arg7 : memref<!tpu.dma_semaphore, #tpu.memory_space<semaphore_mem>>)
    %dma_wait3A_234 = arith.constant 14 : i32
    %dma_wait3A_235 = arith.constant 0 : i32
    %dma_wait3A_236 = tpu.memref_slice %arg5[%dma_wait3A_234, %dma_wait3A_235] : memref<16x16xi32, #tpu.memory_space<vmem>> -> memref<1x16xi32, #tpu.memory_space<vmem>>
    %dma_wait3A_237 = tpu.memref_squeeze %dma_wait3A_236 : memref<1x16xi32, #tpu.memory_space<vmem>> -> memref<16xi32, #tpu.memory_space<vmem>>
    %dma_wait3A_238 = arith.constant 0 : i32
    %dma_wait3A_239 = arith.constant 0 : i32
    %dma_wait3A_240 = tpu.memref_slice %arg4[%dma_wait3A_238, %dma_wait3A_239] : memref<8192x2304xf32, #tpu.memory_space<hbm>> -> memref<8192x2304xf32, #tpu.memory_space<hbm>>
    tpu.wait_indirect_dma semaphore(%arg7 : memref<!tpu.dma_semaphore, #tpu.memory_space<semaphore_mem>>) src(%arg6 : memref<16x2304xf32, #tpu.memory_space<vmem>>) dst(%dma_wait3A_240 : memref<8192x2304xf32, #tpu.memory_space<hbm>>)
    %add3A_241 = arith.constant 240 : i32
    %add3A_242 = arith.addi %mul3A_2, %add3A_241 : i32
    "tpu.region"() ({
      %run_scoped3A = tpu.sem_alloc : memref<!tpu.dma_semaphore, #tpu.memory_space<semaphore_mem>>
      %dma_start3A_257 = arith.constant 0 : i32
      %dma_start3A_258 = tpu.memref_slice %arg2[%add3A_242, %dma_start3A_257] : memref<8192x2304xf32, #tpu.memory_space<hbm>> -> memref<16x2304xf32, #tpu.memory_space<hbm>>
      %dma_start3A_259 = arith.constant 0 : i32
      %dma_start3A_260 = tpu.memref_slice %arg2[%add3A_242, %dma_start3A_259] : memref<8192x2304xf32, #tpu.memory_space<hbm>> -> memref<16x2304xf32, #tpu.memory_space<hbm>>
      tpu.enqueue_dma source(%dma_start3A_260 : memref<16x2304xf32, #tpu.memory_space<hbm>>) target(%arg6 : memref<16x2304xf32, #tpu.memory_space<vmem>>) target_semaphore(%run_scoped3A : memref<!tpu.dma_semaphore, #tpu.memory_space<semaphore_mem>>)
      %dma_wait3A_261 = arith.constant 0 : i32
      %dma_wait3A_262 = tpu.memref_slice %arg2[%add3A_242, %dma_wait3A_261] : memref<8192x2304xf32, #tpu.memory_space<hbm>> -> memref<16x2304xf32, #tpu.memory_space<hbm>>
      %dma_wait3A_263 = arith.constant 0 : i32
      %dma_wait3A_264 = tpu.memref_slice %arg2[%add3A_242, %dma_wait3A_263] : memref<8192x2304xf32, #tpu.memory_space<hbm>> -> memref<16x2304xf32, #tpu.memory_space<hbm>>
      tpu.wait_dma2 semaphore(%run_scoped3A : memref<!tpu.dma_semaphore, #tpu.memory_space<semaphore_mem>>) src(%dma_wait3A_264 : memref<16x2304xf32, #tpu.memory_space<hbm>>) dst(%arg6 : memref<16x2304xf32, #tpu.memory_space<vmem>>)
      tpu.yield
    }) : () -> ()
    %dma_start3A_243 = arith.constant 15 : i32
    %dma_start3A_244 = arith.constant 0 : i32
    %dma_start3A_245 = tpu.memref_slice %arg5[%dma_start3A_243, %dma_start3A_244] : memref<16x16xi32, #tpu.memory_space<vmem>> -> memref<1x16xi32, #tpu.memory_space<vmem>>
    %dma_start3A_246 = tpu.memref_squeeze %dma_start3A_245 : memref<1x16xi32, #tpu.memory_space<vmem>> -> memref<16xi32, #tpu.memory_space<vmem>>
    %dma_start3A_247 = arith.constant 0 : i32
    %dma_start3A_248 = arith.constant 0 : i32
    %dma_start3A_249 = tpu.memref_slice %arg4[%dma_start3A_247, %dma_start3A_248] : memref<8192x2304xf32, #tpu.memory_space<hbm>> -> memref<8192x2304xf32, #tpu.memory_space<hbm>>
    tpu.enqueue_indirect_dma source(%arg6 : memref<16x2304xf32, #tpu.memory_space<vmem>>) target(%dma_start3A_249 : memref<8192x2304xf32, #tpu.memory_space<hbm>>) offsets(%dma_start3A_246 : memref<16xi32, #tpu.memory_space<vmem>>) semaphore(%arg7 : memref<!tpu.dma_semaphore, #tpu.memory_space<semaphore_mem>>)
    %dma_wait3A_250 = arith.constant 15 : i32
    %dma_wait3A_251 = arith.constant 0 : i32
    %dma_wait3A_252 = tpu.memref_slice %arg5[%dma_wait3A_250, %dma_wait3A_251] : memref<16x16xi32, #tpu.memory_space<vmem>> -> memref<1x16xi32, #tpu.memory_space<vmem>>
    %dma_wait3A_253 = tpu.memref_squeeze %dma_wait3A_252 : memref<1x16xi32, #tpu.memory_space<vmem>> -> memref<16xi32, #tpu.memory_space<vmem>>
    %dma_wait3A_254 = arith.constant 0 : i32
    %dma_wait3A_255 = arith.constant 0 : i32
    %dma_wait3A_256 = tpu.memref_slice %arg4[%dma_wait3A_254, %dma_wait3A_255] : memref<8192x2304xf32, #tpu.memory_space<hbm>> -> memref<8192x2304xf32, #tpu.memory_space<hbm>>
    tpu.wait_indirect_dma semaphore(%arg7 : memref<!tpu.dma_semaphore, #tpu.memory_space<semaphore_mem>>) src(%arg6 : memref<16x2304xf32, #tpu.memory_space<vmem>>) dst(%dma_wait3A_256 : memref<8192x2304xf32, #tpu.memory_space<hbm>>)
    return
  }
}

module attributes {stable_mosaic.version = 14 : i64} {
  func.func @_rank_body(%arg0: i32, %arg1: memref<1x1024x64xf32, #tpu.memory_space<vmem>>, %arg2: memref<1x64x1024xf32, #tpu.memory_space<vmem>>, %arg3: memref<1x1x1024xi32, #tpu.memory_space<vmem>>) attributes {dimension_semantics = [#tpu.dimension_semantics<arbitrary>], iteration_bounds = array<i64: 8>, scalar_prefetch = 0 : i64, scratch_operands = 0 : i64, tpu.core_type = #tpu.core_type<tc>, window_params = [{transform_indices = @transform_0, window_bounds = array<i64: 1, 1024, 64>}, {transform_indices = @transform_1, window_bounds = array<i64: 1, 64, 1024>}, {transform_indices = @transform_2, window_bounds = array<i64: 1, 1, 1024>}]} {
    %get3A = arith.constant 0 : index
    %get3A_0 = arith.constant 0 : index
    %get3A_1 = arith.constant 0 : index
    %get3A_2 = vector.load %arg1[%get3A, %get3A_0, %get3A_1] : memref<1x1024x64xf32, #tpu.memory_space<vmem>>, vector<1x1024x64xf32>
    %get3A_3 = vector.shape_cast %get3A_2 : vector<1x1024x64xf32> to vector<1024x64xf32>
    %get3A_4 = arith.constant 0 : index
    %get3A_5 = arith.constant 0 : index
    %get3A_6 = arith.constant 0 : index
    %get3A_7 = vector.load %arg2[%get3A_4, %get3A_5, %get3A_6] : memref<1x64x1024xf32, #tpu.memory_space<vmem>>, vector<1x64x1024xf32>
    %get3A_8 = vector.shape_cast %get3A_7 : vector<1x64x1024xf32> to vector<64x1024xf32>
    %reduce_max3A = arith.constant dense<0xFF800000> : vector<1024xf32>
    %reduce_max3A_9 = vector.multi_reduction <maximumf>, %get3A_3, %reduce_max3A [1] : vector<1024x64xf32> to vector<1024xf32>
    %broadcast_in_dim3A = vector.shape_cast %reduce_max3A_9 : vector<1024xf32> to vector<1024x1xf32>
    %iota3A = tpu.iota {dimensions = array<i32: 1>} : vector<1024x64xi32>
    %eq3A = vector.broadcast %broadcast_in_dim3A : vector<1024x1xf32> to vector<1024x64xf32>
    %eq3A_10 = arith.cmpf oeq, %get3A_3, %eq3A : vector<1024x64xf32>
    %jit3A = arith.constant 64 : i32
    %broadcast_in_dim3A_11 = vector.broadcast %jit3A : i32 to vector<1024x64xi32>
    %select_n3A = arith.select %eq3A_10, %iota3A, %broadcast_in_dim3A_11 : vector<1024x64xi1>, vector<1024x64xi32>
    %reduce_min3A = arith.constant dense<2147483647> : vector<1024xi32>
    %reduce_min3A_12 = vector.multi_reduction <minsi>, %select_n3A, %reduce_min3A [1] : vector<1024x64xi32> to vector<1024xi32>
    %broadcast_in_dim3A_13 = vector.shape_cast %reduce_min3A_12 : vector<1024xi32> to vector<1024x1xi32>
    %reduce_max3A_14 = arith.constant dense<0xFF800000> : vector<1024xf32>
    %reduce_max3A_15 = vector.multi_reduction <maximumf>, %get3A_8, %reduce_max3A_14 [0] : vector<64x1024xf32> to vector<1024xf32>
    %broadcast_in_dim3A_16 = vector.shape_cast %reduce_max3A_15 : vector<1024xf32> to vector<1x1024xf32>
    %iota3A_17 = tpu.iota {dimensions = array<i32: 0>} : vector<64x1024xi32>
    %eq3A_18 = vector.broadcast %broadcast_in_dim3A_16 : vector<1x1024xf32> to vector<64x1024xf32>
    %eq3A_19 = arith.cmpf oeq, %get3A_8, %eq3A_18 : vector<64x1024xf32>
    %jit3A_20 = arith.constant 64 : i32
    %broadcast_in_dim3A_21 = vector.broadcast %jit3A_20 : i32 to vector<64x1024xi32>
    %select_n3A_22 = arith.select %eq3A_19, %iota3A_17, %broadcast_in_dim3A_21 : vector<64x1024xi1>, vector<64x1024xi32>
    %reduce_min3A_23 = arith.constant dense<2147483647> : vector<1024xi32>
    %reduce_min3A_24 = vector.multi_reduction <minsi>, %select_n3A_22, %reduce_min3A_23 [0] : vector<64x1024xi32> to vector<1024xi32>
    %broadcast_in_dim3A_25 = vector.shape_cast %reduce_min3A_24 : vector<1024xi32> to vector<1x1024xi32>
    %mul3A = arith.constant 1024 : i32
    %mul3A_26 = vector.broadcast %mul3A : i32 to vector<1024x1xi32>
    %mul3A_27 = arith.muli %broadcast_in_dim3A_13, %mul3A_26 : vector<1024x1xi32>
    %iota3A_28 = tpu.iota {dimensions = array<i32: 0>} : vector<1024x1xi32>
    %add3A = arith.addi %mul3A_27, %iota3A_28 : vector<1024x1xi32>
    %mul3A_29 = arith.constant 1024 : i32
    %mul3A_30 = vector.broadcast %mul3A_29 : i32 to vector<1x1024xi32>
    %mul3A_31 = arith.muli %broadcast_in_dim3A_25, %mul3A_30 : vector<1x1024xi32>
    %iota3A_32 = tpu.iota {dimensions = array<i32: 1>} : vector<1x1024xi32>
    %add3A_33 = arith.addi %mul3A_31, %iota3A_32 : vector<1x1024xi32>
    %gt3A = vector.broadcast %add3A_33 : vector<1x1024xi32> to vector<1024x1024xi32>
    %gt3A_34 = vector.broadcast %add3A : vector<1024x1xi32> to vector<1024x1024xi32>
    %gt3A_35 = arith.cmpi sgt, %gt3A, %gt3A_34 : vector<1024x1024xi32>
    %convert_element_type3A = arith.extui %gt3A_35 : vector<1024x1024xi1> to vector<1024x1024xi32>
    %convert_element_type3A_36 = arith.sitofp %convert_element_type3A : vector<1024x1024xi32> to vector<1024x1024xf32>
    %reduce_sum3A = arith.constant dense<0.000000e+00> : vector<1024xf32>
    %reduce_sum3A_37 = vector.multi_reduction <add>, %convert_element_type3A_36, %reduce_sum3A [0] : vector<1024x1024xf32> to vector<1024xf32>
    %broadcast_in_dim3A_38 = vector.shape_cast %reduce_sum3A_37 : vector<1024xf32> to vector<1x1024xf32>
    %convert_element_type3A_39 = arith.fptosi %broadcast_in_dim3A_38 : vector<1x1024xf32> to vector<1x1024xi32>
    %mul3A_40 = arith.constant 1024 : i32
    %mul3A_41 = arith.muli %arg0, %mul3A_40 : i32
    %add3A_42 = vector.broadcast %mul3A_41 : i32 to vector<1x1024xi32>
    %add3A_43 = arith.addi %convert_element_type3A_39, %add3A_42 : vector<1x1024xi32>
    %reshape3A = vector.shape_cast %add3A_43 : vector<1x1024xi32> to vector<1x1x1024xi32>
    %swap3A = arith.constant 0 : index
    %swap3A_44 = arith.constant 0 : index
    %swap3A_45 = arith.constant 0 : index
    %swap3A_46 = vector.load %arg3[%swap3A, %swap3A_44, %swap3A_45] : memref<1x1x1024xi32, #tpu.memory_space<vmem>>, vector<1x1x1024xi32>
    tpu.vector_store %arg3[%swap3A, %swap3A_44, %swap3A_45], %reshape3A {strides = array<i32>} : memref<1x1x1024xi32, #tpu.memory_space<vmem>>, vector<1x1x1024xi32>,
    return
  }
  func.func @transform_0(%arg0: i32) -> (i32, i32, i32) {
    %c0_i32 = arith.constant 0 : i32
    %c0_i32_0 = arith.constant 0 : i32
    %c0_i32_1 = arith.constant 0 : i32
    return %arg0, %c0_i32, %c0_i32_0 : i32, i32, i32
  }
  func.func @transform_1(%arg0: i32) -> (i32, i32, i32) {
    %c0_i32 = arith.constant 0 : i32
    %c0_i32_0 = arith.constant 0 : i32
    %c0_i32_1 = arith.constant 0 : i32
    return %arg0, %c0_i32, %c0_i32_0 : i32, i32, i32
  }
  func.func @transform_2(%arg0: i32) -> (i32, i32, i32) {
    %c0_i32 = arith.constant 0 : i32
    %c0_i32_0 = arith.constant 0 : i32
    %c0_i32_1 = arith.constant 0 : i32
    return %arg0, %c0_i32, %c0_i32_0 : i32, i32, i32
  }
}

module attributes {stable_mosaic.version = 14 : i64} {
  func.func @_attn_body(%arg0: i32, %arg1: memref<1x1xf32, #tpu.memory_space<vmem>>, %arg2: memref<1x128x2304xf32, #tpu.memory_space<vmem>>, %arg3: memref<768x768xf32, #tpu.memory_space<vmem>>, %arg4: memref<1x768xf32, #tpu.memory_space<vmem>>, %arg5: memref<1x128x768xf32, #tpu.memory_space<vmem>>) attributes {dimension_semantics = [#tpu.dimension_semantics<arbitrary>], iteration_bounds = array<i64: 64>, scalar_prefetch = 0 : i64, scratch_operands = 0 : i64, tpu.core_type = #tpu.core_type<tc>, window_params = [{pipeline_mode = #tpu.pipeline_mode<synchronous>, transform_indices = @transform_0, window_bounds = array<i64: 1, 1>}, {transform_indices = @transform_1, window_bounds = array<i64: 1, 128, 2304>}, {pipeline_mode = #tpu.pipeline_mode<synchronous>, transform_indices = @transform_2, window_bounds = array<i64: 768, 768>}, {pipeline_mode = #tpu.pipeline_mode<synchronous>, transform_indices = @transform_3, window_bounds = array<i64: 1, 768>}, {transform_indices = @transform_4, window_bounds = array<i64: 1, 128, 768>}]} {
    %get3A = arith.constant 0 : index
    %get3A_0 = arith.constant 0 : index
    %get3A_1 = vector.load %arg1[%get3A, %get3A_0] : memref<1x1xf32, #tpu.memory_space<vmem>>, vector<1x1xf32>
    %get3A_2 = vector.extract %get3A_1[0, 0] : f32 from vector<1x1xf32>
    %min3A = arith.constant 4.60517025 : f32
    %min3A_3 = arith.minimumf %get3A_2, %min3A : f32
    %exp3A = math.exp %min3A_3 : f32
    %get3A_4 = arith.constant 0 : index
    %get3A_5 = arith.constant 0 : index
    %get3A_6 = arith.constant 0 : index
    %get3A_7 = vector.load %arg2[%get3A_4, %get3A_5, %get3A_6] : memref<1x128x2304xf32, #tpu.memory_space<vmem>>, vector<1x128x2304xf32>
    %get3A_8 = vector.shape_cast %get3A_7 : vector<1x128x2304xf32> to vector<128x2304xf32>
    %slice3A = vector.extract_strided_slice %get3A_8 {offsets = [0, 0], sizes = [128, 64], strides = [1, 1]} : vector<128x2304xf32> to vector<128x64xf32>
    %slice3A_9 = vector.extract_strided_slice %get3A_8 {offsets = [0, 768], sizes = [128, 64], strides = [1, 1]} : vector<128x2304xf32> to vector<128x64xf32>
    %slice3A_10 = vector.extract_strided_slice %get3A_8 {offsets = [0, 1536], sizes = [128, 64], strides = [1, 1]} : vector<128x2304xf32> to vector<128x64xf32>
    %dot_general3A = arith.constant dense<0.000000e+00> : vector<128x128xf32>
    %dot_general3A_11 = tpu.matmul %slice3A, %slice3A_9, %dot_general3A {dimension_numbers = #tpu.dot_dimension_numbers<[1], [1], [0], [0], [0, 0, 1, 0], [], []>, transpose_lhs_hint = false} : vector<128x64xf32>, vector<128x64xf32>, vector<128x128xf32> -> vector<128x128xf32>
    %mul3A = vector.broadcast %exp3A : f32 to vector<128x128xf32>
    %mul3A_12 = arith.mulf %dot_general3A_11, %mul3A : vector<128x128xf32>
    %reduce_max3A = arith.constant dense<0xFF800000> : vector<128xf32>
    %reduce_max3A_13 = vector.multi_reduction <maximumf>, %mul3A_12, %reduce_max3A [1] : vector<128x128xf32> to vector<128xf32>
    %broadcast_in_dim3A = vector.shape_cast %reduce_max3A_13 : vector<128xf32> to vector<128x1xf32>
    %sub3A = vector.broadcast %broadcast_in_dim3A : vector<128x1xf32> to vector<128x128xf32>
    %sub3A_14 = arith.subf %mul3A_12, %sub3A : vector<128x128xf32>
    %exp3A_15 = math.exp %sub3A_14 : vector<128x128xf32>
    %reduce_sum3A = arith.constant dense<0.000000e+00> : vector<128xf32>
    %reduce_sum3A_16 = vector.multi_reduction <add>, %exp3A_15, %reduce_sum3A [1] : vector<128x128xf32> to vector<128xf32>
    %broadcast_in_dim3A_17 = vector.shape_cast %reduce_sum3A_16 : vector<128xf32> to vector<128x1xf32>
    %div3A = vector.broadcast %broadcast_in_dim3A_17 : vector<128x1xf32> to vector<128x128xf32>
    %div3A_18 = arith.divf %exp3A_15, %div3A : vector<128x128xf32>
    %dot_general3A_19 = arith.constant dense<0.000000e+00> : vector<128x64xf32>
    %dot_general3A_20 = tpu.matmul %div3A_18, %slice3A_10, %dot_general3A_19 {dimension_numbers = #tpu.dot_dimension_numbers<[1], [0], [0], [1], [0, 0, 1, 1], [], []>, transpose_lhs_hint = false} : vector<128x128xf32>, vector<128x64xf32>, vector<128x64xf32> -> vector<128x64xf32>
    %slice3A_21 = vector.extract_strided_slice %get3A_8 {offsets = [0, 64], sizes = [128, 64], strides = [1, 1]} : vector<128x2304xf32> to vector<128x64xf32>
    %slice3A_22 = vector.extract_strided_slice %get3A_8 {offsets = [0, 832], sizes = [128, 64], strides = [1, 1]} : vector<128x2304xf32> to vector<128x64xf32>
    %slice3A_23 = vector.extract_strided_slice %get3A_8 {offsets = [0, 1600], sizes = [128, 64], strides = [1, 1]} : vector<128x2304xf32> to vector<128x64xf32>
    %dot_general3A_24 = arith.constant dense<0.000000e+00> : vector<128x128xf32>
    %dot_general3A_25 = tpu.matmul %slice3A_21, %slice3A_22, %dot_general3A_24 {dimension_numbers = #tpu.dot_dimension_numbers<[1], [1], [0], [0], [0, 0, 1, 0], [], []>, transpose_lhs_hint = false} : vector<128x64xf32>, vector<128x64xf32>, vector<128x128xf32> -> vector<128x128xf32>
    %mul3A_26 = vector.broadcast %exp3A : f32 to vector<128x128xf32>
    %mul3A_27 = arith.mulf %dot_general3A_25, %mul3A_26 : vector<128x128xf32>
    %reduce_max3A_28 = arith.constant dense<0xFF800000> : vector<128xf32>
    %reduce_max3A_29 = vector.multi_reduction <maximumf>, %mul3A_27, %reduce_max3A_28 [1] : vector<128x128xf32> to vector<128xf32>
    %broadcast_in_dim3A_30 = vector.shape_cast %reduce_max3A_29 : vector<128xf32> to vector<128x1xf32>
    %sub3A_31 = vector.broadcast %broadcast_in_dim3A_30 : vector<128x1xf32> to vector<128x128xf32>
    %sub3A_32 = arith.subf %mul3A_27, %sub3A_31 : vector<128x128xf32>
    %exp3A_33 = math.exp %sub3A_32 : vector<128x128xf32>
    %reduce_sum3A_34 = arith.constant dense<0.000000e+00> : vector<128xf32>
    %reduce_sum3A_35 = vector.multi_reduction <add>, %exp3A_33, %reduce_sum3A_34 [1] : vector<128x128xf32> to vector<128xf32>
    %broadcast_in_dim3A_36 = vector.shape_cast %reduce_sum3A_35 : vector<128xf32> to vector<128x1xf32>
    %div3A_37 = vector.broadcast %broadcast_in_dim3A_36 : vector<128x1xf32> to vector<128x128xf32>
    %div3A_38 = arith.divf %exp3A_33, %div3A_37 : vector<128x128xf32>
    %dot_general3A_39 = arith.constant dense<0.000000e+00> : vector<128x64xf32>
    %dot_general3A_40 = tpu.matmul %div3A_38, %slice3A_23, %dot_general3A_39 {dimension_numbers = #tpu.dot_dimension_numbers<[1], [0], [0], [1], [0, 0, 1, 1], [], []>, transpose_lhs_hint = false} : vector<128x128xf32>, vector<128x64xf32>, vector<128x64xf32> -> vector<128x64xf32>
    %slice3A_41 = vector.extract_strided_slice %get3A_8 {offsets = [0, 128], sizes = [128, 64], strides = [1, 1]} : vector<128x2304xf32> to vector<128x64xf32>
    %slice3A_42 = vector.extract_strided_slice %get3A_8 {offsets = [0, 896], sizes = [128, 64], strides = [1, 1]} : vector<128x2304xf32> to vector<128x64xf32>
    %slice3A_43 = vector.extract_strided_slice %get3A_8 {offsets = [0, 1664], sizes = [128, 64], strides = [1, 1]} : vector<128x2304xf32> to vector<128x64xf32>
    %dot_general3A_44 = arith.constant dense<0.000000e+00> : vector<128x128xf32>
    %dot_general3A_45 = tpu.matmul %slice3A_41, %slice3A_42, %dot_general3A_44 {dimension_numbers = #tpu.dot_dimension_numbers<[1], [1], [0], [0], [0, 0, 1, 0], [], []>, transpose_lhs_hint = false} : vector<128x64xf32>, vector<128x64xf32>, vector<128x128xf32> -> vector<128x128xf32>
    %mul3A_46 = vector.broadcast %exp3A : f32 to vector<128x128xf32>
    %mul3A_47 = arith.mulf %dot_general3A_45, %mul3A_46 : vector<128x128xf32>
    %reduce_max3A_48 = arith.constant dense<0xFF800000> : vector<128xf32>
    %reduce_max3A_49 = vector.multi_reduction <maximumf>, %mul3A_47, %reduce_max3A_48 [1] : vector<128x128xf32> to vector<128xf32>
    %broadcast_in_dim3A_50 = vector.shape_cast %reduce_max3A_49 : vector<128xf32> to vector<128x1xf32>
    %sub3A_51 = vector.broadcast %broadcast_in_dim3A_50 : vector<128x1xf32> to vector<128x128xf32>
    %sub3A_52 = arith.subf %mul3A_47, %sub3A_51 : vector<128x128xf32>
    %exp3A_53 = math.exp %sub3A_52 : vector<128x128xf32>
    %reduce_sum3A_54 = arith.constant dense<0.000000e+00> : vector<128xf32>
    %reduce_sum3A_55 = vector.multi_reduction <add>, %exp3A_53, %reduce_sum3A_54 [1] : vector<128x128xf32> to vector<128xf32>
    %broadcast_in_dim3A_56 = vector.shape_cast %reduce_sum3A_55 : vector<128xf32> to vector<128x1xf32>
    %div3A_57 = vector.broadcast %broadcast_in_dim3A_56 : vector<128x1xf32> to vector<128x128xf32>
    %div3A_58 = arith.divf %exp3A_53, %div3A_57 : vector<128x128xf32>
    %dot_general3A_59 = arith.constant dense<0.000000e+00> : vector<128x64xf32>
    %dot_general3A_60 = tpu.matmul %div3A_58, %slice3A_43, %dot_general3A_59 {dimension_numbers = #tpu.dot_dimension_numbers<[1], [0], [0], [1], [0, 0, 1, 1], [], []>, transpose_lhs_hint = false} : vector<128x128xf32>, vector<128x64xf32>, vector<128x64xf32> -> vector<128x64xf32>
    %slice3A_61 = vector.extract_strided_slice %get3A_8 {offsets = [0, 192], sizes = [128, 64], strides = [1, 1]} : vector<128x2304xf32> to vector<128x64xf32>
    %slice3A_62 = vector.extract_strided_slice %get3A_8 {offsets = [0, 960], sizes = [128, 64], strides = [1, 1]} : vector<128x2304xf32> to vector<128x64xf32>
    %slice3A_63 = vector.extract_strided_slice %get3A_8 {offsets = [0, 1728], sizes = [128, 64], strides = [1, 1]} : vector<128x2304xf32> to vector<128x64xf32>
    %dot_general3A_64 = arith.constant dense<0.000000e+00> : vector<128x128xf32>
    %dot_general3A_65 = tpu.matmul %slice3A_61, %slice3A_62, %dot_general3A_64 {dimension_numbers = #tpu.dot_dimension_numbers<[1], [1], [0], [0], [0, 0, 1, 0], [], []>, transpose_lhs_hint = false} : vector<128x64xf32>, vector<128x64xf32>, vector<128x128xf32> -> vector<128x128xf32>
    %mul3A_66 = vector.broadcast %exp3A : f32 to vector<128x128xf32>
    %mul3A_67 = arith.mulf %dot_general3A_65, %mul3A_66 : vector<128x128xf32>
    %reduce_max3A_68 = arith.constant dense<0xFF800000> : vector<128xf32>
    %reduce_max3A_69 = vector.multi_reduction <maximumf>, %mul3A_67, %reduce_max3A_68 [1] : vector<128x128xf32> to vector<128xf32>
    %broadcast_in_dim3A_70 = vector.shape_cast %reduce_max3A_69 : vector<128xf32> to vector<128x1xf32>
    %sub3A_71 = vector.broadcast %broadcast_in_dim3A_70 : vector<128x1xf32> to vector<128x128xf32>
    %sub3A_72 = arith.subf %mul3A_67, %sub3A_71 : vector<128x128xf32>
    %exp3A_73 = math.exp %sub3A_72 : vector<128x128xf32>
    %reduce_sum3A_74 = arith.constant dense<0.000000e+00> : vector<128xf32>
    %reduce_sum3A_75 = vector.multi_reduction <add>, %exp3A_73, %reduce_sum3A_74 [1] : vector<128x128xf32> to vector<128xf32>
    %broadcast_in_dim3A_76 = vector.shape_cast %reduce_sum3A_75 : vector<128xf32> to vector<128x1xf32>
    %div3A_77 = vector.broadcast %broadcast_in_dim3A_76 : vector<128x1xf32> to vector<128x128xf32>
    %div3A_78 = arith.divf %exp3A_73, %div3A_77 : vector<128x128xf32>
    %dot_general3A_79 = arith.constant dense<0.000000e+00> : vector<128x64xf32>
    %dot_general3A_80 = tpu.matmul %div3A_78, %slice3A_63, %dot_general3A_79 {dimension_numbers = #tpu.dot_dimension_numbers<[1], [0], [0], [1], [0, 0, 1, 1], [], []>, transpose_lhs_hint = false} : vector<128x128xf32>, vector<128x64xf32>, vector<128x64xf32> -> vector<128x64xf32>
    %slice3A_81 = vector.extract_strided_slice %get3A_8 {offsets = [0, 256], sizes = [128, 64], strides = [1, 1]} : vector<128x2304xf32> to vector<128x64xf32>
    %slice3A_82 = vector.extract_strided_slice %get3A_8 {offsets = [0, 1024], sizes = [128, 64], strides = [1, 1]} : vector<128x2304xf32> to vector<128x64xf32>
    %slice3A_83 = vector.extract_strided_slice %get3A_8 {offsets = [0, 1792], sizes = [128, 64], strides = [1, 1]} : vector<128x2304xf32> to vector<128x64xf32>
    %dot_general3A_84 = arith.constant dense<0.000000e+00> : vector<128x128xf32>
    %dot_general3A_85 = tpu.matmul %slice3A_81, %slice3A_82, %dot_general3A_84 {dimension_numbers = #tpu.dot_dimension_numbers<[1], [1], [0], [0], [0, 0, 1, 0], [], []>, transpose_lhs_hint = false} : vector<128x64xf32>, vector<128x64xf32>, vector<128x128xf32> -> vector<128x128xf32>
    %mul3A_86 = vector.broadcast %exp3A : f32 to vector<128x128xf32>
    %mul3A_87 = arith.mulf %dot_general3A_85, %mul3A_86 : vector<128x128xf32>
    %reduce_max3A_88 = arith.constant dense<0xFF800000> : vector<128xf32>
    %reduce_max3A_89 = vector.multi_reduction <maximumf>, %mul3A_87, %reduce_max3A_88 [1] : vector<128x128xf32> to vector<128xf32>
    %broadcast_in_dim3A_90 = vector.shape_cast %reduce_max3A_89 : vector<128xf32> to vector<128x1xf32>
    %sub3A_91 = vector.broadcast %broadcast_in_dim3A_90 : vector<128x1xf32> to vector<128x128xf32>
    %sub3A_92 = arith.subf %mul3A_87, %sub3A_91 : vector<128x128xf32>
    %exp3A_93 = math.exp %sub3A_92 : vector<128x128xf32>
    %reduce_sum3A_94 = arith.constant dense<0.000000e+00> : vector<128xf32>
    %reduce_sum3A_95 = vector.multi_reduction <add>, %exp3A_93, %reduce_sum3A_94 [1] : vector<128x128xf32> to vector<128xf32>
    %broadcast_in_dim3A_96 = vector.shape_cast %reduce_sum3A_95 : vector<128xf32> to vector<128x1xf32>
    %div3A_97 = vector.broadcast %broadcast_in_dim3A_96 : vector<128x1xf32> to vector<128x128xf32>
    %div3A_98 = arith.divf %exp3A_93, %div3A_97 : vector<128x128xf32>
    %dot_general3A_99 = arith.constant dense<0.000000e+00> : vector<128x64xf32>
    %dot_general3A_100 = tpu.matmul %div3A_98, %slice3A_83, %dot_general3A_99 {dimension_numbers = #tpu.dot_dimension_numbers<[1], [0], [0], [1], [0, 0, 1, 1], [], []>, transpose_lhs_hint = false} : vector<128x128xf32>, vector<128x64xf32>, vector<128x64xf32> -> vector<128x64xf32>
    %slice3A_101 = vector.extract_strided_slice %get3A_8 {offsets = [0, 320], sizes = [128, 64], strides = [1, 1]} : vector<128x2304xf32> to vector<128x64xf32>
    %slice3A_102 = vector.extract_strided_slice %get3A_8 {offsets = [0, 1088], sizes = [128, 64], strides = [1, 1]} : vector<128x2304xf32> to vector<128x64xf32>
    %slice3A_103 = vector.extract_strided_slice %get3A_8 {offsets = [0, 1856], sizes = [128, 64], strides = [1, 1]} : vector<128x2304xf32> to vector<128x64xf32>
    %dot_general3A_104 = arith.constant dense<0.000000e+00> : vector<128x128xf32>
    %dot_general3A_105 = tpu.matmul %slice3A_101, %slice3A_102, %dot_general3A_104 {dimension_numbers = #tpu.dot_dimension_numbers<[1], [1], [0], [0], [0, 0, 1, 0], [], []>, transpose_lhs_hint = false} : vector<128x64xf32>, vector<128x64xf32>, vector<128x128xf32> -> vector<128x128xf32>
    %mul3A_106 = vector.broadcast %exp3A : f32 to vector<128x128xf32>
    %mul3A_107 = arith.mulf %dot_general3A_105, %mul3A_106 : vector<128x128xf32>
    %reduce_max3A_108 = arith.constant dense<0xFF800000> : vector<128xf32>
    %reduce_max3A_109 = vector.multi_reduction <maximumf>, %mul3A_107, %reduce_max3A_108 [1] : vector<128x128xf32> to vector<128xf32>
    %broadcast_in_dim3A_110 = vector.shape_cast %reduce_max3A_109 : vector<128xf32> to vector<128x1xf32>
    %sub3A_111 = vector.broadcast %broadcast_in_dim3A_110 : vector<128x1xf32> to vector<128x128xf32>
    %sub3A_112 = arith.subf %mul3A_107, %sub3A_111 : vector<128x128xf32>
    %exp3A_113 = math.exp %sub3A_112 : vector<128x128xf32>
    %reduce_sum3A_114 = arith.constant dense<0.000000e+00> : vector<128xf32>
    %reduce_sum3A_115 = vector.multi_reduction <add>, %exp3A_113, %reduce_sum3A_114 [1] : vector<128x128xf32> to vector<128xf32>
    %broadcast_in_dim3A_116 = vector.shape_cast %reduce_sum3A_115 : vector<128xf32> to vector<128x1xf32>
    %div3A_117 = vector.broadcast %broadcast_in_dim3A_116 : vector<128x1xf32> to vector<128x128xf32>
    %div3A_118 = arith.divf %exp3A_113, %div3A_117 : vector<128x128xf32>
    %dot_general3A_119 = arith.constant dense<0.000000e+00> : vector<128x64xf32>
    %dot_general3A_120 = tpu.matmul %div3A_118, %slice3A_103, %dot_general3A_119 {dimension_numbers = #tpu.dot_dimension_numbers<[1], [0], [0], [1], [0, 0, 1, 1], [], []>, transpose_lhs_hint = false} : vector<128x128xf32>, vector<128x64xf32>, vector<128x64xf32> -> vector<128x64xf32>
    %slice3A_121 = vector.extract_strided_slice %get3A_8 {offsets = [0, 384], sizes = [128, 64], strides = [1, 1]} : vector<128x2304xf32> to vector<128x64xf32>
    %slice3A_122 = vector.extract_strided_slice %get3A_8 {offsets = [0, 1152], sizes = [128, 64], strides = [1, 1]} : vector<128x2304xf32> to vector<128x64xf32>
    %slice3A_123 = vector.extract_strided_slice %get3A_8 {offsets = [0, 1920], sizes = [128, 64], strides = [1, 1]} : vector<128x2304xf32> to vector<128x64xf32>
    %dot_general3A_124 = arith.constant dense<0.000000e+00> : vector<128x128xf32>
    %dot_general3A_125 = tpu.matmul %slice3A_121, %slice3A_122, %dot_general3A_124 {dimension_numbers = #tpu.dot_dimension_numbers<[1], [1], [0], [0], [0, 0, 1, 0], [], []>, transpose_lhs_hint = false} : vector<128x64xf32>, vector<128x64xf32>, vector<128x128xf32> -> vector<128x128xf32>
    %mul3A_126 = vector.broadcast %exp3A : f32 to vector<128x128xf32>
    %mul3A_127 = arith.mulf %dot_general3A_125, %mul3A_126 : vector<128x128xf32>
    %reduce_max3A_128 = arith.constant dense<0xFF800000> : vector<128xf32>
    %reduce_max3A_129 = vector.multi_reduction <maximumf>, %mul3A_127, %reduce_max3A_128 [1] : vector<128x128xf32> to vector<128xf32>
    %broadcast_in_dim3A_130 = vector.shape_cast %reduce_max3A_129 : vector<128xf32> to vector<128x1xf32>
    %sub3A_131 = vector.broadcast %broadcast_in_dim3A_130 : vector<128x1xf32> to vector<128x128xf32>
    %sub3A_132 = arith.subf %mul3A_127, %sub3A_131 : vector<128x128xf32>
    %exp3A_133 = math.exp %sub3A_132 : vector<128x128xf32>
    %reduce_sum3A_134 = arith.constant dense<0.000000e+00> : vector<128xf32>
    %reduce_sum3A_135 = vector.multi_reduction <add>, %exp3A_133, %reduce_sum3A_134 [1] : vector<128x128xf32> to vector<128xf32>
    %broadcast_in_dim3A_136 = vector.shape_cast %reduce_sum3A_135 : vector<128xf32> to vector<128x1xf32>
    %div3A_137 = vector.broadcast %broadcast_in_dim3A_136 : vector<128x1xf32> to vector<128x128xf32>
    %div3A_138 = arith.divf %exp3A_133, %div3A_137 : vector<128x128xf32>
    %dot_general3A_139 = arith.constant dense<0.000000e+00> : vector<128x64xf32>
    %dot_general3A_140 = tpu.matmul %div3A_138, %slice3A_123, %dot_general3A_139 {dimension_numbers = #tpu.dot_dimension_numbers<[1], [0], [0], [1], [0, 0, 1, 1], [], []>, transpose_lhs_hint = false} : vector<128x128xf32>, vector<128x64xf32>, vector<128x64xf32> -> vector<128x64xf32>
    %slice3A_141 = vector.extract_strided_slice %get3A_8 {offsets = [0, 448], sizes = [128, 64], strides = [1, 1]} : vector<128x2304xf32> to vector<128x64xf32>
    %slice3A_142 = vector.extract_strided_slice %get3A_8 {offsets = [0, 1216], sizes = [128, 64], strides = [1, 1]} : vector<128x2304xf32> to vector<128x64xf32>
    %slice3A_143 = vector.extract_strided_slice %get3A_8 {offsets = [0, 1984], sizes = [128, 64], strides = [1, 1]} : vector<128x2304xf32> to vector<128x64xf32>
    %dot_general3A_144 = arith.constant dense<0.000000e+00> : vector<128x128xf32>
    %dot_general3A_145 = tpu.matmul %slice3A_141, %slice3A_142, %dot_general3A_144 {dimension_numbers = #tpu.dot_dimension_numbers<[1], [1], [0], [0], [0, 0, 1, 0], [], []>, transpose_lhs_hint = false} : vector<128x64xf32>, vector<128x64xf32>, vector<128x128xf32> -> vector<128x128xf32>
    %mul3A_146 = vector.broadcast %exp3A : f32 to vector<128x128xf32>
    %mul3A_147 = arith.mulf %dot_general3A_145, %mul3A_146 : vector<128x128xf32>
    %reduce_max3A_148 = arith.constant dense<0xFF800000> : vector<128xf32>
    %reduce_max3A_149 = vector.multi_reduction <maximumf>, %mul3A_147, %reduce_max3A_148 [1] : vector<128x128xf32> to vector<128xf32>
    %broadcast_in_dim3A_150 = vector.shape_cast %reduce_max3A_149 : vector<128xf32> to vector<128x1xf32>
    %sub3A_151 = vector.broadcast %broadcast_in_dim3A_150 : vector<128x1xf32> to vector<128x128xf32>
    %sub3A_152 = arith.subf %mul3A_147, %sub3A_151 : vector<128x128xf32>
    %exp3A_153 = math.exp %sub3A_152 : vector<128x128xf32>
    %reduce_sum3A_154 = arith.constant dense<0.000000e+00> : vector<128xf32>
    %reduce_sum3A_155 = vector.multi_reduction <add>, %exp3A_153, %reduce_sum3A_154 [1] : vector<128x128xf32> to vector<128xf32>
    %broadcast_in_dim3A_156 = vector.shape_cast %reduce_sum3A_155 : vector<128xf32> to vector<128x1xf32>
    %div3A_157 = vector.broadcast %broadcast_in_dim3A_156 : vector<128x1xf32> to vector<128x128xf32>
    %div3A_158 = arith.divf %exp3A_153, %div3A_157 : vector<128x128xf32>
    %dot_general3A_159 = arith.constant dense<0.000000e+00> : vector<128x64xf32>
    %dot_general3A_160 = tpu.matmul %div3A_158, %slice3A_143, %dot_general3A_159 {dimension_numbers = #tpu.dot_dimension_numbers<[1], [0], [0], [1], [0, 0, 1, 1], [], []>, transpose_lhs_hint = false} : vector<128x128xf32>, vector<128x64xf32>, vector<128x64xf32> -> vector<128x64xf32>
    %slice3A_161 = vector.extract_strided_slice %get3A_8 {offsets = [0, 512], sizes = [128, 64], strides = [1, 1]} : vector<128x2304xf32> to vector<128x64xf32>
    %slice3A_162 = vector.extract_strided_slice %get3A_8 {offsets = [0, 1280], sizes = [128, 64], strides = [1, 1]} : vector<128x2304xf32> to vector<128x64xf32>
    %slice3A_163 = vector.extract_strided_slice %get3A_8 {offsets = [0, 2048], sizes = [128, 64], strides = [1, 1]} : vector<128x2304xf32> to vector<128x64xf32>
    %dot_general3A_164 = arith.constant dense<0.000000e+00> : vector<128x128xf32>
    %dot_general3A_165 = tpu.matmul %slice3A_161, %slice3A_162, %dot_general3A_164 {dimension_numbers = #tpu.dot_dimension_numbers<[1], [1], [0], [0], [0, 0, 1, 0], [], []>, transpose_lhs_hint = false} : vector<128x64xf32>, vector<128x64xf32>, vector<128x128xf32> -> vector<128x128xf32>
    %mul3A_166 = vector.broadcast %exp3A : f32 to vector<128x128xf32>
    %mul3A_167 = arith.mulf %dot_general3A_165, %mul3A_166 : vector<128x128xf32>
    %reduce_max3A_168 = arith.constant dense<0xFF800000> : vector<128xf32>
    %reduce_max3A_169 = vector.multi_reduction <maximumf>, %mul3A_167, %reduce_max3A_168 [1] : vector<128x128xf32> to vector<128xf32>
    %broadcast_in_dim3A_170 = vector.shape_cast %reduce_max3A_169 : vector<128xf32> to vector<128x1xf32>
    %sub3A_171 = vector.broadcast %broadcast_in_dim3A_170 : vector<128x1xf32> to vector<128x128xf32>
    %sub3A_172 = arith.subf %mul3A_167, %sub3A_171 : vector<128x128xf32>
    %exp3A_173 = math.exp %sub3A_172 : vector<128x128xf32>
    %reduce_sum3A_174 = arith.constant dense<0.000000e+00> : vector<128xf32>
    %reduce_sum3A_175 = vector.multi_reduction <add>, %exp3A_173, %reduce_sum3A_174 [1] : vector<128x128xf32> to vector<128xf32>
    %broadcast_in_dim3A_176 = vector.shape_cast %reduce_sum3A_175 : vector<128xf32> to vector<128x1xf32>
    %div3A_177 = vector.broadcast %broadcast_in_dim3A_176 : vector<128x1xf32> to vector<128x128xf32>
    %div3A_178 = arith.divf %exp3A_173, %div3A_177 : vector<128x128xf32>
    %dot_general3A_179 = arith.constant dense<0.000000e+00> : vector<128x64xf32>
    %dot_general3A_180 = tpu.matmul %div3A_178, %slice3A_163, %dot_general3A_179 {dimension_numbers = #tpu.dot_dimension_numbers<[1], [0], [0], [1], [0, 0, 1, 1], [], []>, transpose_lhs_hint = false} : vector<128x128xf32>, vector<128x64xf32>, vector<128x64xf32> -> vector<128x64xf32>
    %slice3A_181 = vector.extract_strided_slice %get3A_8 {offsets = [0, 576], sizes = [128, 64], strides = [1, 1]} : vector<128x2304xf32> to vector<128x64xf32>
    %slice3A_182 = vector.extract_strided_slice %get3A_8 {offsets = [0, 1344], sizes = [128, 64], strides = [1, 1]} : vector<128x2304xf32> to vector<128x64xf32>
    %slice3A_183 = vector.extract_strided_slice %get3A_8 {offsets = [0, 2112], sizes = [128, 64], strides = [1, 1]} : vector<128x2304xf32> to vector<128x64xf32>
    %dot_general3A_184 = arith.constant dense<0.000000e+00> : vector<128x128xf32>
    %dot_general3A_185 = tpu.matmul %slice3A_181, %slice3A_182, %dot_general3A_184 {dimension_numbers = #tpu.dot_dimension_numbers<[1], [1], [0], [0], [0, 0, 1, 0], [], []>, transpose_lhs_hint = false} : vector<128x64xf32>, vector<128x64xf32>, vector<128x128xf32> -> vector<128x128xf32>
    %mul3A_186 = vector.broadcast %exp3A : f32 to vector<128x128xf32>
    %mul3A_187 = arith.mulf %dot_general3A_185, %mul3A_186 : vector<128x128xf32>
    %reduce_max3A_188 = arith.constant dense<0xFF800000> : vector<128xf32>
    %reduce_max3A_189 = vector.multi_reduction <maximumf>, %mul3A_187, %reduce_max3A_188 [1] : vector<128x128xf32> to vector<128xf32>
    %broadcast_in_dim3A_190 = vector.shape_cast %reduce_max3A_189 : vector<128xf32> to vector<128x1xf32>
    %sub3A_191 = vector.broadcast %broadcast_in_dim3A_190 : vector<128x1xf32> to vector<128x128xf32>
    %sub3A_192 = arith.subf %mul3A_187, %sub3A_191 : vector<128x128xf32>
    %exp3A_193 = math.exp %sub3A_192 : vector<128x128xf32>
    %reduce_sum3A_194 = arith.constant dense<0.000000e+00> : vector<128xf32>
    %reduce_sum3A_195 = vector.multi_reduction <add>, %exp3A_193, %reduce_sum3A_194 [1] : vector<128x128xf32> to vector<128xf32>
    %broadcast_in_dim3A_196 = vector.shape_cast %reduce_sum3A_195 : vector<128xf32> to vector<128x1xf32>
    %div3A_197 = vector.broadcast %broadcast_in_dim3A_196 : vector<128x1xf32> to vector<128x128xf32>
    %div3A_198 = arith.divf %exp3A_193, %div3A_197 : vector<128x128xf32>
    %dot_general3A_199 = arith.constant dense<0.000000e+00> : vector<128x64xf32>
    %dot_general3A_200 = tpu.matmul %div3A_198, %slice3A_183, %dot_general3A_199 {dimension_numbers = #tpu.dot_dimension_numbers<[1], [0], [0], [1], [0, 0, 1, 1], [], []>, transpose_lhs_hint = false} : vector<128x128xf32>, vector<128x64xf32>, vector<128x64xf32> -> vector<128x64xf32>
    %slice3A_201 = vector.extract_strided_slice %get3A_8 {offsets = [0, 640], sizes = [128, 64], strides = [1, 1]} : vector<128x2304xf32> to vector<128x64xf32>
    %slice3A_202 = vector.extract_strided_slice %get3A_8 {offsets = [0, 1408], sizes = [128, 64], strides = [1, 1]} : vector<128x2304xf32> to vector<128x64xf32>
    %slice3A_203 = vector.extract_strided_slice %get3A_8 {offsets = [0, 2176], sizes = [128, 64], strides = [1, 1]} : vector<128x2304xf32> to vector<128x64xf32>
    %dot_general3A_204 = arith.constant dense<0.000000e+00> : vector<128x128xf32>
    %dot_general3A_205 = tpu.matmul %slice3A_201, %slice3A_202, %dot_general3A_204 {dimension_numbers = #tpu.dot_dimension_numbers<[1], [1], [0], [0], [0, 0, 1, 0], [], []>, transpose_lhs_hint = false} : vector<128x64xf32>, vector<128x64xf32>, vector<128x128xf32> -> vector<128x128xf32>
    %mul3A_206 = vector.broadcast %exp3A : f32 to vector<128x128xf32>
    %mul3A_207 = arith.mulf %dot_general3A_205, %mul3A_206 : vector<128x128xf32>
    %reduce_max3A_208 = arith.constant dense<0xFF800000> : vector<128xf32>
    %reduce_max3A_209 = vector.multi_reduction <maximumf>, %mul3A_207, %reduce_max3A_208 [1] : vector<128x128xf32> to vector<128xf32>
    %broadcast_in_dim3A_210 = vector.shape_cast %reduce_max3A_209 : vector<128xf32> to vector<128x1xf32>
    %sub3A_211 = vector.broadcast %broadcast_in_dim3A_210 : vector<128x1xf32> to vector<128x128xf32>
    %sub3A_212 = arith.subf %mul3A_207, %sub3A_211 : vector<128x128xf32>
    %exp3A_213 = math.exp %sub3A_212 : vector<128x128xf32>
    %reduce_sum3A_214 = arith.constant dense<0.000000e+00> : vector<128xf32>
    %reduce_sum3A_215 = vector.multi_reduction <add>, %exp3A_213, %reduce_sum3A_214 [1] : vector<128x128xf32> to vector<128xf32>
    %broadcast_in_dim3A_216 = vector.shape_cast %reduce_sum3A_215 : vector<128xf32> to vector<128x1xf32>
    %div3A_217 = vector.broadcast %broadcast_in_dim3A_216 : vector<128x1xf32> to vector<128x128xf32>
    %div3A_218 = arith.divf %exp3A_213, %div3A_217 : vector<128x128xf32>
    %dot_general3A_219 = arith.constant dense<0.000000e+00> : vector<128x64xf32>
    %dot_general3A_220 = tpu.matmul %div3A_218, %slice3A_203, %dot_general3A_219 {dimension_numbers = #tpu.dot_dimension_numbers<[1], [0], [0], [1], [0, 0, 1, 1], [], []>, transpose_lhs_hint = false} : vector<128x128xf32>, vector<128x64xf32>, vector<128x64xf32> -> vector<128x64xf32>
    %slice3A_221 = vector.extract_strided_slice %get3A_8 {offsets = [0, 704], sizes = [128, 64], strides = [1, 1]} : vector<128x2304xf32> to vector<128x64xf32>
    %slice3A_222 = vector.extract_strided_slice %get3A_8 {offsets = [0, 1472], sizes = [128, 64], strides = [1, 1]} : vector<128x2304xf32> to vector<128x64xf32>
    %slice3A_223 = vector.extract_strided_slice %get3A_8 {offsets = [0, 2240], sizes = [128, 64], strides = [1, 1]} : vector<128x2304xf32> to vector<128x64xf32>
    %dot_general3A_224 = arith.constant dense<0.000000e+00> : vector<128x128xf32>
    %dot_general3A_225 = tpu.matmul %slice3A_221, %slice3A_222, %dot_general3A_224 {dimension_numbers = #tpu.dot_dimension_numbers<[1], [1], [0], [0], [0, 0, 1, 0], [], []>, transpose_lhs_hint = false} : vector<128x64xf32>, vector<128x64xf32>, vector<128x128xf32> -> vector<128x128xf32>
    %mul3A_226 = vector.broadcast %exp3A : f32 to vector<128x128xf32>
    %mul3A_227 = arith.mulf %dot_general3A_225, %mul3A_226 : vector<128x128xf32>
    %reduce_max3A_228 = arith.constant dense<0xFF800000> : vector<128xf32>
    %reduce_max3A_229 = vector.multi_reduction <maximumf>, %mul3A_227, %reduce_max3A_228 [1] : vector<128x128xf32> to vector<128xf32>
    %broadcast_in_dim3A_230 = vector.shape_cast %reduce_max3A_229 : vector<128xf32> to vector<128x1xf32>
    %sub3A_231 = vector.broadcast %broadcast_in_dim3A_230 : vector<128x1xf32> to vector<128x128xf32>
    %sub3A_232 = arith.subf %mul3A_227, %sub3A_231 : vector<128x128xf32>
    %exp3A_233 = math.exp %sub3A_232 : vector<128x128xf32>
    %reduce_sum3A_234 = arith.constant dense<0.000000e+00> : vector<128xf32>
    %reduce_sum3A_235 = vector.multi_reduction <add>, %exp3A_233, %reduce_sum3A_234 [1] : vector<128x128xf32> to vector<128xf32>
    %broadcast_in_dim3A_236 = vector.shape_cast %reduce_sum3A_235 : vector<128xf32> to vector<128x1xf32>
    %div3A_237 = vector.broadcast %broadcast_in_dim3A_236 : vector<128x1xf32> to vector<128x128xf32>
    %div3A_238 = arith.divf %exp3A_233, %div3A_237 : vector<128x128xf32>
    %dot_general3A_239 = arith.constant dense<0.000000e+00> : vector<128x64xf32>
    %dot_general3A_240 = tpu.matmul %div3A_238, %slice3A_223, %dot_general3A_239 {dimension_numbers = #tpu.dot_dimension_numbers<[1], [0], [0], [1], [0, 0, 1, 1], [], []>, transpose_lhs_hint = false} : vector<128x128xf32>, vector<128x64xf32>, vector<128x64xf32> -> vector<128x64xf32>
    %concatenate3A = tpu.concatenate %dot_general3A_20, %dot_general3A_40, %dot_general3A_60, %dot_general3A_80, %dot_general3A_100, %dot_general3A_120, %dot_general3A_140, %dot_general3A_160, %dot_general3A_180, %dot_general3A_200, %dot_general3A_220, %dot_general3A_240 in 1 : vector<128x64xf32>, vector<128x64xf32>, vector<128x64xf32>, vector<128x64xf32>, vector<128x64xf32>, vector<128x64xf32>, vector<128x64xf32>, vector<128x64xf32>, vector<128x64xf32>, vector<128x64xf32>, vector<128x64xf32>, vector<128x64xf32> -> vector<128x768xf32>
    %get3A_241 = arith.constant 0 : index
    %get3A_242 = arith.constant 0 : index
    %get3A_243 = vector.load %arg3[%get3A_241, %get3A_242] : memref<768x768xf32, #tpu.memory_space<vmem>>, vector<768x768xf32>
    %dot_general3A_244 = arith.constant dense<0.000000e+00> : vector<128x768xf32>
    %dot_general3A_245 = tpu.matmul %concatenate3A, %get3A_243, %dot_general3A_244 {dimension_numbers = #tpu.dot_dimension_numbers<[1], [1], [0], [0], [0, 0, 1, 0], [], []>, transpose_lhs_hint = false} : vector<128x768xf32>, vector<768x768xf32>, vector<128x768xf32> -> vector<128x768xf32>
    %get3A_246 = arith.constant 0 : index
    %get3A_247 = arith.constant 0 : index
    %get3A_248 = vector.load %arg4[%get3A_246, %get3A_247] : memref<1x768xf32, #tpu.memory_space<vmem>>, vector<1x768xf32>
    %add3A = vector.broadcast %get3A_248 : vector<1x768xf32> to vector<128x768xf32>
    %add3A_249 = arith.addf %dot_general3A_245, %add3A : vector<128x768xf32>
    %swap3A = arith.constant 0 : index
    %swap3A_250 = arith.constant 0 : index
    %swap3A_251 = arith.constant 0 : index
    %swap3A_252 = vector.load %arg5[%swap3A, %swap3A_250, %swap3A_251] : memref<1x128x768xf32, #tpu.memory_space<vmem>>, vector<1x128x768xf32>
    %swap3A_253 = vector.shape_cast %swap3A_252 : vector<1x128x768xf32> to vector<128x768xf32>
    %swap3A_254 = vector.shape_cast %add3A_249 : vector<128x768xf32> to vector<1x128x768xf32>
    tpu.vector_store %arg5[%swap3A, %swap3A_250, %swap3A_251], %swap3A_254 {strides = array<i32>} : memref<1x128x768xf32, #tpu.memory_space<vmem>>, vector<1x128x768xf32>,
    return
  }
  func.func @transform_0(%arg0: i32) -> (i32, i32) {
    %c0_i32 = arith.constant 0 : i32
    %c0_i32_0 = arith.constant 0 : i32
    %c0_i32_1 = arith.constant 0 : i32
    return %c0_i32, %c0_i32_0 : i32, i32
  }
  func.func @transform_1(%arg0: i32) -> (i32, i32, i32) {
    %c0_i32 = arith.constant 0 : i32
    %c0_i32_0 = arith.constant 0 : i32
    %c0_i32_1 = arith.constant 0 : i32
    return %arg0, %c0_i32, %c0_i32_0 : i32, i32, i32
  }
  func.func @transform_2(%arg0: i32) -> (i32, i32) {
    %c0_i32 = arith.constant 0 : i32
    %c0_i32_0 = arith.constant 0 : i32
    %c0_i32_1 = arith.constant 0 : i32
    return %c0_i32, %c0_i32_0 : i32, i32
  }
  func.func @transform_3(%arg0: i32) -> (i32, i32) {
    %c0_i32 = arith.constant 0 : i32
    %c0_i32_0 = arith.constant 0 : i32
    %c0_i32_1 = arith.constant 0 : i32
    return %c0_i32, %c0_i32_0 : i32, i32
  }
  func.func @transform_4(%arg0: i32) -> (i32, i32, i32) {
    %c0_i32 = arith.constant 0 : i32
    %c0_i32_0 = arith.constant 0 : i32
    %c0_i32_1 = arith.constant 0 : i32
    return %arg0, %c0_i32, %c0_i32_0 : i32, i32, i32
  }
}

</mosaic_0001>

<sc_bundles>
// kernel: kernel.6.cloned.1.call-start
scs
__scs_entry_jumppad:
0x0: {  	(pc) =	sbr.rel $0x88, $3  }
0x1: {  	(tag) =	ssettag $0x0;
	lr =	simm.s32 $0x1  }
0x2: {  	[smem:$0x3F9C] =	sst lr;
	_ =	strace $0xD0000000  }
0x3: {  	_ = 	snop  }
0x4: {  	_ = 	snop  }
0x5: {  	_ = 	snop  }
0x6: {  	_ = 	snop  }
0x7: {  	_ = 	snop  }
__scs_overlays_trampoline_lowered:
0x8: {  	[smem:$0x3FAB] =	sst s0  }
0x9: {  	[smem:$0x3FAC] =	sst s1  }
0xa: {  	[smem:$0x3FAD] =	sst s2  }
0xb: {  	[smem:$0x3FAE] =	sst s3  }
0xc: {  	[smem:$0x3FAF] =	sst s4  }
0xd: {  	[smem:$0x3FB0] =	sst s5  }
0xe: {  	[smem:$0x3FB1] =	sst s6  }
0xf: {  	[smem:$0x3FB2] =	sst s7  }
0x10: {  	[smem:$0x3FB3] =	sst s8  }
0x11: {  	[smem:$0x3FB4] =	sst s9;
	s0 =	simm.s32 @!p0 $0x0  }
0x12: {  	s1 =	sld [smem:$0x3F9A];
	s0 =	simm.s32 @p0 $0x1  }
0x13: {  	[smem:$0x3FB5] =	sst s0;
	s0 =	simm.s32 @!p1 $0x0  }
0x14: {  	s2 =	sld [smem:$0x3F99];
	s0 =	simm.s32 @p1 $0x1  }
0x15: {  	[smem:$0x3FB6] =	sst s0;
	s0 =	simm.s32 @!p2 $0x0  }
0x16: {  	s3 =	sld [smem:$0x3FDB];
	s0 =	simm.s32 @p2 $0x1  }
0x17: {  	s4 =	simm.s32 $0x1BF5;
	[smem:$0x3FB8] =	sst s0  }
0x18: {  	s0 =	sld [smem:$0x3F9B];
	_ =	swait.ge [sflag:s4], $0x0  }
0x19: {  	s7 =	sld [smem:$0x3F9C]  }
0x1a: {  	s8 =	sadd.s32 $0xFFFFE003, lr  }
0x1b: {  	s9 =	sadd.s32 $0xFFFFFEF7, lr;
	s5 =	simm.s32 $0xFFFFFFFF;
	p2 =	slt.u32 s8, $0xFFFFF086  }
0x1c: {  	p1 =	slt.u32 s9, $0xF7A;
	s5 =	simm.s32 @!p2 $0x0  }
0x1d: {  	s5 =	simm.s32 @p1 $0x1;
	p0 =	seq.s32 s7, s2  }
0x1e: {  	s7 =	smul.u32 @!p0 $0xF7A, s2;
	p2 =	seq.s32 @!p0 s5, $0x0  }
0x1f: {  	s9 =	smul.u32 $0xF7A, s1;
	s8 =	simm.s32 @!p0 $0x1BF5;
	p2 =	por !p2, p0  }
0x20: {  	[sflag:s8] =	ssyncset.s32 @!p0 $0xFFFFF086;
	s6 =	sadd.s32 @!p0 s3, s7;
	s7 =	simm.s32 @!p0 $0x108  }
0x21: {  	s3 =	sadd.s32 s3, s9;
	s6 =	sadd.s32 @!p0 $0x88, s6;
	s7 =	simm.s32 @p2 $0x1082  }
0x22: {  	[simem:s7], [sflag:s8] =	dma.local @!p0 [hbm:s6], $0xF7A  }
0x23: {  	s9 =	sor.u32 $0xD0000000, s2;
	s6 =	simm.s32 $0x108;
	_ =	swait.ge @!p0 [sflag:s8], $0x0  }
0x24: {  	s3 =	sadd.s32 $0x88, s3;
	s6 =	simm.s32 @!p1 $0x1082;
	[sflag:s4] =	ssyncset.s32 $0xFFFFF086  }
0x25: {  	[simem:s6], [sflag:s4] =	dma.local [hbm:s3], $0xF7A  }
0x26: {  	[smem:$0x3F9C] =	sst s1;
	(tag) =	ssettag s2;
	_ =	strace s9  }
0x27: {  	s1 =	sld [smem:$0x3FAC]  }
0x28: {  	s2 =	sld [smem:$0x3FAD]  }
0x29: {  	s4 =	sld [smem:$0x3FAF]  }
0x2a: {  	p0 =	seq.s32 s5, $0x0;
	s5 =	sld [smem:$0x3FB0]  }
0x2b: {  	s6 =	sld [smem:$0x3FB1]  }
0x2c: {  	s7 =	sld [smem:$0x3FB2]  }
0x2d: {  	s3 =	simm.s32 $0x108;
	s8 =	sld [smem:$0x3FB3]  }
0x2e: {  	s3 =	simm.s32 @!p0 $0x1082;
	s9 =	sld [smem:$0x3FB4]  }
0x2f: {  	lr =	sadd.s32 s0, s3;
	s0 =	sld [smem:$0x3FAB]  }
0x30: {  	s3 =	sld [smem:$0x3FAE]  }
0x31: {  	[smem:$0x3FB7] =	sst s10  }
0x32: {  	s10 =	sld [smem:$0x3FB5];
	_ =	sdelay $0x3  }
0x33: {  	p0 =	seq.s32 s10, $0x1;
	s10 =	sld [smem:$0x3FB7];
	_ =	sdelay $0x3  }
0x34: {  	[smem:$0x3FB7] =	sst s10  }
0x35: {  	s10 =	sld [smem:$0x3FB6];
	_ =	sdelay $0x3  }
0x36: {  	p1 =	seq.s32 s10, $0x1;
	s10 =	sld [smem:$0x3FB7];
	_ =	sdelay $0x3  }
0x37: {  	[smem:$0x3FB7] =	sst s10  }
0x38: {  	s10 =	sld [smem:$0x3FB8]  }
0x39: {  	_ = 	snop;
	(pc) =	sbr.ind lr, $3  }
0x3a: {  	_ = 	snop  }
0x3b: {  	_ = 	snop  }
0x3c: {  	p2 =	seq.s32 s10, $0x1;
	s10 =	sld [smem:$0x3FB7]  }
0x3d: {  	_ =	shalt  }
0x3e: {  	_ =	shalt  }
0x3f: {  	_ =	shalt  }
0x40: {  	_ =	shalt  }
0x41: {  	_ =	shalt  }
0x42: {  	_ =	shalt  }
0x43: {  	_ =	shalt  }
0x44: {  	_ =	shalt  }
0x45: {  	_ =	shalt  }
0x46: {  	_ =	shalt  }
0x47: {  	_ =	shalt  }
0x48: {  	_ =	shalt  }
0x49: {  	_ =	shalt  }
0x4a: {  	_ =	shalt  }
0x4b: {  	_ =	shalt  }
0x4c: {  	_ =	shalt  }
0x4d: {  	_ =	shalt  }
0x4e: {  	_ =	shalt  }
0x4f: {  	_ =	shalt  }
0x50: {  	_ =	shalt  }
0x51: {  	_ =	shalt  }
0x52: {  	_ =	shalt  }
0x53: {  	_ =	shalt  }
0x54: {  	_ =	shalt  }
0x55: {  	_ =	shalt  }
0x56: {  	_ =	shalt  }
0x57: {  	_ =	shalt  }
0x58: {  	_ =	shalt  }
0x59: {  	_ =	shalt  }
0x5a: {  	_ =	shalt  }
0x5b: {  	_ =	shalt  }
0x5c: {  	_ =	shalt  }
0x5d: {  	_ =	shalt  }
0x5e: {  	_ =	shalt  }
0x5f: {  	_ =	shalt  }
0x60: {  	_ =	shalt  }
0x61: {  	_ =	shalt  }
0x62: {  	_ =	shalt  }
0x63: {  	_ =	shalt  }
0x64: {  	_ =	shalt  }
0x65: {  	_ =	shalt  }
0x66: {  	_ =	shalt  }
0x67: {  	_ =	shalt  }
0x68: {  	_ =	shalt  }
0x69: {  	_ =	shalt  }
0x6a: {  	_ =	shalt  }
0x6b: {  	_ =	shalt  }
0x6c: {  	_ =	shalt  }
0x6d: {  	_ =	shalt  }
0x6e: {  	_ =	shalt  }
0x6f: {  	_ =	shalt  }
0x70: {  	_ =	shalt  }
0x71: {  	_ =	shalt  }
0x72: {  	_ =	shalt  }
0x73: {  	_ =	shalt  }
0x74: {  	_ =	shalt  }
0x75: {  	_ =	shalt  }
0x76: {  	_ =	shalt  }
0x77: {  	_ =	shalt  }
0x78: {  	_ =	shalt  }
0x79: {  	_ =	shalt  }
0x7a: {  	_ =	shalt  }
0x7b: {  	_ =	shalt  }
0x7c: {  	_ =	shalt  }
0x7d: {  	_ =	shalt  }
0x7e: {  	_ =	shalt  }
0x7f: {  	_ =	shalt  }
0x80: {  	_ =	shalt  }
0x81: {  	_ =	shalt  }
0x82: {  	_ =	shalt  }
0x83: {  	_ =	shalt  }
0x84: {  	_ =	shalt  }
0x85: {  	_ =	shalt  }
0x86: {  	_ =	shalt  }
0x87: {  	_ =	shalt  }
.Lfunc_end0:
.L_simem_size_0:
called_computation_lowered:
.L_overlay_start_0:
0x88: {  	s2 =	sld [smem:$0x3FD9]  }
0x89: {  	s3 =	sld [smem:$0x3FFE];
	_ =	sdelay $0x1  }
0x8a: {  	s1 =	srdreg.scid  }
0x8b: {  	s0 =	sand.u32 $0x1, s1  }
0x8c: {  	s17 =	sshll.u32 s0, $0xA;
	s2 =	sadd.s32 s3, s2  }
0x8d: {  	s2 =	sadd.s32 s2, s17  }
0x8e: {  	[smem:$0x3FC3] =	sst s2  }
0x8f: {  	_ = 	snop  }
0x90: {  	s2 =	sld [smem:$0x3FC9]  }
0x91: {  	s18 =	sld [smem:$0x3FD0];
	(tm) =	ssettm $0x1  }
0x92: {  	s4 =	sld [smem:$0x3FFB];
	_ =	sdelay $0x3  }
0x93: {  	_ =	strace s4  }
0x94: {  	s4 =	sld [smem:$0x3FFC];
	_ =	sdelay $0x3  }
0x95: {  	_ =	strace s4  }
0x96: {  	s4 =	sld [smem:$0x3FFD];
	_ =	sdelay $0x3  }
0x97: {  	_ =	strace s4  }
0x98: {  	_ =	strace $0x8FFFFFFF  }
0x99: {  	s19 =	sld [smem:$0x3FDB];
	_ =	sdelay $0x1  }
0x9a: {  	s5 =	simm.s32 $_scs_section_size  }
0x9b: {  	s6 =	simm.s32 $_size__tile_overlayer_lowered;
	s7 =	simm.s32 $_tile_overlayer_lowered  }
0x9c: {  	s22 =	simm.s32 $0x1BFF;
	s21 =	sshll.u32 s7, $0x1;
	s4 =	sadd.s32 s5, s19  }
0x9d: {  	s8 =	simm.s32 $0x0;
	s20 =	sshll.u32 s6, $0x1;
	s6 =	sadd.s32 s21, s4  }
0x9e: {  	[timem:s8], [sflag:s22] =	dma.local [hbm:s6], s20  }
0x9f: {  	_ =	swait.ge [sflag:s22], s20  }
0xa0: {  	s5 =	ssub.s32 $0x0, s20;
	[sflag:s22] =	ssyncset.done $0x0  }
0xa1: {  	[sflag:s22] =	ssyncadd.s32 s5;
	_ =	sdelay $0x1  }
0xa2: {  	s23 =	simm.s32 $0x1B8B  }
0xa3: {  	_ =	swait.ge [sflag:s23], $0x1  }
0xa4: {  	[sflag:s23] =	ssyncset.done $0x0  }
0xa5: {  	s25 =	simm.s32 $0x1B8E;
	s24 =	sld [smem:$0x3FFE];
	[sflag:s23] =	ssyncadd.s32 $0xFFFFFFFF  }
0xa6: {  	s26 =	simm.s32 $execute0_lowered;
	[smem:$0x3FD2] =	sst s25  }
0xa7: {  	s6 =	sshll.u32 s26, $0x1;
	_ =	strace $0x80000046;
	[dreg:$0x1] =	wrdreg $0xFFFFFFFF  }
0xa8: {  	s28 =	simm.s32 $_size_execute0_lowered;
	s4 =	sadd.s32 s4, s6;
	[dreg:$0x0] =	wrdreg $0x0  }
0xa9: {  	s6 =	sshll.u32 s28, $0x1;
	[dreg:$0x2] =	wrdreg s4  }
0xaa: {  	[dreg:$0x3] =	wrdreg s6  }
0xab: {  	[dreg:$0x4] =	wrdreg $0xC0  }
0xac: {  	_ =	task [dreg:s8], $0x5FFFF  }
0xad: {  	[dreg:$0x1] =	wrdreg $0xFFFFFFFF  }
0xae: {  	[dreg:$0x0] =	wrdreg $0x60  }
0xaf: {  	[dreg:$0x2] =	wrdreg s2  }
0xb0: {  	[dreg:$0x3] =	wrdreg s18  }
0xb1: {  	[dreg:$0x4] =	wrdreg s24  }
0xb2: {  	[dreg:$0x5] =	wrdreg $0x9  }
0xb3: {  	_ =	task.clear_ibuf [dreg:s8], $0x6FFFF;
	_ =	strace $0x90000046  }
0xb4: {  	s29 =	simm.s32 $0x9;
	_ =	strace $0x80000048  }
0xb5: {  	_ =	swait.ge [sflag:s29], $0x1  }
0xb6: {  	[sflag:s29] =	ssyncadd.s32 $0xFFFFFFFF  }
0xb7: {  	_ =	strace $0x90000048  }
0xb8: {  	_ =	sfence  }
0xb9: {  	s30 =	sld [smem:$0x0];
	_ =	sdelay $0x2  }
0xba: {  	s31 =	sshll.u32 s1, $0xD;
	s1 =	sshrl.u32 s1, $0x2  }
0xbb: {  	s3 =	sand.u32 $0x4000, s31;
	s1 =	sadd.s32 s1, s30  }
0xbc: {  	s0 =	sor.u32 s3, s0;
	s1 =	sshll.u32 s1, $0x11  }
0xbd: {  	s0 =	sor.u32 s1, s0  }
0xbe: {  	s0 =	sadd.s32 $0x8F2B, s0  }
0xbf: {  	[sflag:s0] =	ssyncadd.remote.s32 $0x1  }
0xc0: {  	_ =	sfence.sel $0xFFFF  }
0xc1: {  	[dreg:$0x0] =	wrdreg $0xFFFFFFFF;
	(pc) =	sbr.abs _section_cstart, $3  }
0xc2: {  	[dreg:$0x1] =	wrdreg $0xFFFFFFFF  }
0xc3: {  	_ =	task.clear_ibuf [dreg:s8], $0x2FFFF;
	_ =	strace $0x9FFFFFFF  }
0xc4: {  	(tm) =	ssettm $0x7FFFFFFF  }
0xc5: {  	_ =	shalt  }
tec
execute0_lowered:
.L_overlay_start_1:
0x0: {  	(tag) =	ssettag $0x1  }
0x1: {  	s0 =	rddreg [dreg:$0x0]  }
0x2: {  	s1 =	srdreg.scid;
	s2 =	stileid.u32  }
0x3: {  	s3 =	rddreg [dreg:$0x1];
	s1 =	sand.u32 $0x1, s1;
	s2 =	sshll.u32 s2, $0x1  }
0x4: {  	s12 =	rddreg [dreg:$0x2];
	s4 =	sor.u32 s1, s2  }
0x5: {  	s28 =	simm.s32 $0x6800;
	s2 =	simm.s32 $0x0;
	s5 =	smul.u32 $0x12000, s4  }
0x6: {  	[smem:$0x7FF] =	sst s2;
	s6 =	smul.u32 $0x90000, s4;
	s4 =	sshll.u32 s4, $0x8  }
0x7: {  	s29 =	simm.s32 $0x7000;
	_ =	strace $0x80000047;
	s3 =	sadd.s32 s3, s4  }
0x8: {  	s5 =	sadd.s32 s0, s5;
	s10 =	sshrl.u32 s6, $0x3;
	[dreg:$0x4] =	wrdreg s3  }
0x9: {  	[dreg:$0x14] =	wrdreg s5;
	s11 =	sadd.s32 $0x1200, s5;
	s0 =	sadd.s32 s0, s10  }
0xa: {  	s30 =	simm.s32 $0x7800;
	[dreg:$0x5] =	wrdreg s11;
	s13 =	sadd.s32 $0x2400, s0  }
0xb: {  	s31 =	simm.s32 $0x8000;
	s14 =	sadd.s32 $0x3600, s0;
	[dreg:$0x6] =	wrdreg s13  }
0xc: {  	s7 =	sadd.s32 $0xD00, s12;
	s15 =	sadd.s32 $0x4800, s0;
	[dreg:$0x7] =	wrdreg s14  }
0xd: {  	s8 =	sadd.s32 $0xE00, s12;
	s16 =	sadd.s32 $0x5A00, s0;
	[dreg:$0x8] =	wrdreg s15  }
0xe: {  	s9 =	sadd.s32 $0xF00, s12;
	s17 =	sadd.s32 $0x6C00, s0;
	[dreg:$0x9] =	wrdreg s16  }
0xf: {  	s1 =	ssub.s32 $0x2, s1;
	s18 =	sadd.s32 $0x7E00, s0;
	[dreg:$0xa] =	wrdreg s17  }
0x10: {  	s19 =	sshrl.u32 s1, $0x1;
	s20 =	sadd.s32 $0x9000, s0;
	[dreg:$0xb] =	wrdreg s18  }
0x11: {  	s4 =	sadd.s32 $0xA00, s12;
	s21 =	sadd.s32 $0xA200, s0;
	[dreg:$0xc] =	wrdreg s20  }
0x12: {  	s1 =	ssub.s32 s1, s19;
	s22 =	sadd.s32 $0xB400, s0;
	[dreg:$0xd] =	wrdreg s21  }
0x13: {  	s19 =	simm.s32 $0x2800;
	s23 =	sadd.s32 $0xC600, s0;
	[dreg:$0xe] =	wrdreg s22  }
0x14: {  	s6 =	sadd.s32 $0xC00, s12;
	s24 =	sadd.s32 $0xD800, s0;
	[dreg:$0xf] =	wrdreg s23  }
0x15: {  	s3 =	simm.s32 $0x1;
	s25 =	sadd.s32 $0xEA00, s0;
	[dreg:$0x10] =	wrdreg s24  }
0x16: {  	s5 =	sadd.s32 $0xB00, s12;
	s26 =	sadd.s32 $0xFC00, s0;
	[dreg:$0x11] =	wrdreg s25  }
0x17: {  	s10 =	sadd.s32 $0x1000, s12;
	s0 =	sadd.s32 $0x10E00, s0;
	[dreg:$0x12] =	wrdreg s26  }
0x18: {  	s11 =	sadd.s32 $0x1100, s12;
	s12 =	sadd.s32 $0x1200, s12;
	[dreg:$0x13] =	wrdreg s0  }
0x19: {  	s13 =	smax.u32 s1, $0x1;
	s14 =	simm.s32 $0x2;
	s15 =	simm.s32 $0x800  }
0x1a: {  	s16 =	simm.s32 $0x1000;
	s17 =	simm.s32 $0x1800;
	s18 =	simm.s32 $0x2000  }
0x1b: {  	v2 =	vlaneseq.u32;
	s20 =	simm.s32 $0x3000;
	s21 =	simm.s32 $0x3800;
	s22 =	simm.s32 $0x4000  }
0x1c: {  	vm0 =	vmmov $0xffff;
	v1 =	vshrl.u32 v2, $0x3;
	s23 =	simm.s32 $0x4800;
	s24 =	simm.s32 $0x5000;
	s25 =	simm.s32 $0x5800  }
0x1d: {  	v0 =	vand.u32 $0x7, v2;
	v2 =	vor.u32 $0x8, v2;
	v1 =	vmul.u32 $0x8, v1;
	s26 =	simm.s32 $0x6000;
	s1 =	simm.s32 $0x8800;
	s0 =	simm.s32 $0x9000  }
.LBB2_1:
0x1e: {  	[dreg:$0x15] =	wrdreg s13  }
0x1f: {  	s13 =	rddreg [dreg:$0x4]  }
0x20: {  	[tilespmem:s2], [sflag:$0x2] =	stream.linear.gather [hbm4b:s13+s2], $0x800, $0x38;
	[tilespmem:$0x9800] =	vst v63  }
0x21: {  	_ =	swait.ge [sflag:s14], $0x800  }
0x22: {  	[sflag:s14] =	ssyncset.done $0x0  }
0x23: {  	s13 =	rddreg [dreg:$0x14];
	[sflag:s14] =	ssyncadd.s32 $0xFFFFF800  }
0x24: {  	[tilespmem:s15], [sflag:$0x2] =	stream.linear.gather [hbm4b:s13+s2], $0x9000, $0x38;
	[tilespmem:$0x9800] =	vst v63  }
0x25: {  	_ =	swait.ge [sflag:s14], $0x9000  }
0x26: {  	[sflag:s14] =	ssyncset.done $0x0  }
0x27: {  	[sflag:s14] =	ssyncadd.s32 $0xFFFF7000  }
0x28: {  	v3 =	vld [tilespmem:$0x0];
	_ =	sdelay $0x4  }
0x29: {  	v4 =	vshrl.u32 v3, $0x3  }
0x2a: {  	v4 =	vmul.u32 $0x90, v4  }
0x2b: {  	v3 =	vand.u32 $0x7, v3  }
0x2c: {  	v3 =	vor.u32 v3, v4  }
0x2d: {  	v4 =	vperm.xlane v3, v0;
	_ =	sdelay $0x1  }
0x2e: {  	v4 =	vadd.s32 v1, v4;
	_ =	sdelay $0x4  }
0x2f: {  	[hbm4b:s4+s2] =	stream.indirect_vreg.scatter [tilespmem:s15], [sflag:$0x1], $0x80, v4, vm0, $0xb8;
	[tilespmem:$0x9800] =	vst v63  }
0x30: {  	_ = 	snop  }
0x31: {  	[hbm4b:s5+s2] =	stream.indirect_vreg.scatter [tilespmem:s16], [sflag:$0x1], $0x80, v4, vm0, $0xb8;
	[tilespmem:$0x9800] =	vst v63  }
0x32: {  	_ = 	snop  }
0x33: {  	[hbm4b:s6+s2] =	stream.indirect_vreg.scatter [tilespmem:s17], [sflag:$0x1], $0x80, v4, vm0, $0xb8;
	[tilespmem:$0x9800] =	vst v63  }
0x34: {  	_ = 	snop  }
0x35: {  	[hbm4b:s7+s2] =	stream.indirect_vreg.scatter [tilespmem:s18], [sflag:$0x1], $0x80, v4, vm0, $0xb8;
	[tilespmem:$0x9800] =	vst v63  }
0x36: {  	_ = 	snop  }
0x37: {  	[hbm4b:s8+s2] =	stream.indirect_vreg.scatter [tilespmem:s19], [sflag:$0x1], $0x80, v4, vm0, $0xb8;
	[tilespmem:$0x9800] =	vst v63  }
0x38: {  	_ = 	snop  }
0x39: {  	[hbm4b:s9+s2] =	stream.indirect_vreg.scatter [tilespmem:s20], [sflag:$0x1], $0x80, v4, vm0, $0xb8;
	[tilespmem:$0x9800] =	vst v63  }
0x3a: {  	v3 =	vperm.xlane v3, v2  }
0x3b: {  	[hbm4b:s10+s2] =	stream.indirect_vreg.scatter [tilespmem:s21], [sflag:$0x1], $0x80, v4, vm0, $0xb8;
	[tilespmem:$0x9800] =	vst v63  }
0x3c: {  	v3 =	vadd.s32 v1, v3  }
0x3d: {  	[hbm4b:s11+s2] =	stream.indirect_vreg.scatter [tilespmem:s22], [sflag:$0x1], $0x80, v4, vm0, $0xb8;
	[tilespmem:$0x9800] =	vst v63  }
0x3e: {  	_ = 	snop  }
0x3f: {  	[hbm4b:s12+s2] =	stream.indirect_vreg.scatter [tilespmem:s23], [sflag:$0x1], $0x80, v4, vm0, $0xb8;
	[tilespmem:$0x9800] =	vst v63  }
0x40: {  	_ = 	snop  }
0x41: {  	[hbm4b:s4+s2] =	stream.indirect_vreg.scatter [tilespmem:s24], [sflag:$0x1], $0x80, v3, vm0, $0xb8;
	[tilespmem:$0x9800] =	vst v63  }
0x42: {  	_ = 	snop  }
0x43: {  	[hbm4b:s5+s2] =	stream.indirect_vreg.scatter [tilespmem:s25], [sflag:$0x1], $0x80, v3, vm0, $0xb8;
	[tilespmem:$0x9800] =	vst v63  }
0x44: {  	_ = 	snop  }
0x45: {  	[hbm4b:s6+s2] =	stream.indirect_vreg.scatter [tilespmem:s26], [sflag:$0x1], $0x80, v3, vm0, $0xb8;
	[tilespmem:$0x9800] =	vst v63  }
0x46: {  	_ = 	snop  }
0x47: {  	[hbm4b:s7+s2] =	stream.indirect_vreg.scatter [tilespmem:s28], [sflag:$0x1], $0x80, v3, vm0, $0xb8;
	[tilespmem:$0x9800] =	vst v63  }
0x48: {  	_ = 	snop  }
0x49: {  	[hbm4b:s8+s2] =	stream.indirect_vreg.scatter [tilespmem:s29], [sflag:$0x1], $0x80, v3, vm0, $0xb8;
	[tilespmem:$0x9800] =	vst v63  }
0x4a: {  	_ = 	snop  }
0x4b: {  	[hbm4b:s9+s2] =	stream.indirect_vreg.scatter [tilespmem:s30], [sflag:$0x1], $0x80, v3, vm0, $0xb8;
	[tilespmem:$0x9800] =	vst v63  }
0x4c: {  	_ = 	snop  }
0x4d: {  	[hbm4b:s10+s2] =	stream.indirect_vreg.scatter [tilespmem:s31], [sflag:$0x1], $0x80, v3, vm0, $0xb8;
	[tilespmem:$0x9800] =	vst v63  }
0x4e: {  	_ = 	snop  }
0x4f: {  	[hbm4b:s11+s2] =	stream.indirect_vreg.scatter [tilespmem:s1], [sflag:$0x1], $0x80, v3, vm0, $0xb8;
	[tilespmem:$0x9800] =	vst v63  }
0x50: {  	_ = 	snop  }
0x51: {  	[hbm4b:s12+s2] =	stream.indirect_vreg.scatter [tilespmem:s0], [sflag:$0x1], $0x80, v3, vm0, $0xb8;
	[tilespmem:$0x9800] =	vst v63  }
0x52: {  	_ =	swait.ge [sflag:s3], $0x9000  }
0x53: {  	[sflag:s3] =	ssyncset.done $0x0  }
0x54: {  	s13 =	rddreg [dreg:$0x5];
	[sflag:s3] =	ssyncadd.s32 $0xFFFF7000  }
0x55: {  	[tilespmem:s15], [sflag:$0x2] =	stream.linear.gather [hbm4b:s13+s2], $0x9000, $0x38;
	[tilespmem:$0x9800] =	vst v63  }
0x56: {  	_ =	swait.ge [sflag:s14], $0x9000  }
0x57: {  	[sflag:s14] =	ssyncset.done $0x0  }
0x58: {  	[sflag:s14] =	ssyncadd.s32 $0xFFFF7000  }
0x59: {  	v3 =	vld [tilespmem:$0x80];
	_ =	sdelay $0x4  }
0x5a: {  	v49 =	vshrl.u32 v3, $0x3  }
0x5b: {  	v4 =	vmul.u32 $0x90, v49  }
0x5c: {  	v3 =	vand.u32 $0x7, v3  }
0x5d: {  	v3 =	vor.u32 v3, v4  }
0x5e: {  	v4 =	vperm.xlane v3, v0;
	_ =	sdelay $0x1  }
0x5f: {  	v4 =	vadd.s32 v1, v4;
	_ =	sdelay $0x4  }
0x60: {  	[hbm4b:s4+s2] =	stream.indirect_vreg.scatter [tilespmem:s15], [sflag:$0x1], $0x80, v4, vm0, $0xb8;
	[tilespmem:$0x9800] =	vst v63  }
0x61: {  	_ = 	snop  }
0x62: {  	[hbm4b:s5+s2] =	stream.indirect_vreg.scatter [tilespmem:s16], [sflag:$0x1], $0x80, v4, vm0, $0xb8;
	[tilespmem:$0x9800] =	vst v63  }
0x63: {  	_ = 	snop  }
0x64: {  	[hbm4b:s6+s2] =	stream.indirect_vreg.scatter [tilespmem:s17], [sflag:$0x1], $0x80, v4, vm0, $0xb8;
	[tilespmem:$0x9800] =	vst v63  }
0x65: {  	_ = 	snop  }
0x66: {  	[hbm4b:s7+s2] =	stream.indirect_vreg.scatter [tilespmem:s18], [sflag:$0x1], $0x80, v4, vm0, $0xb8;
	[tilespmem:$0x9800] =	vst v63  }
0x67: {  	_ = 	snop  }
0x68: {  	[hbm4b:s8+s2] =	stream.indirect_vreg.scatter [tilespmem:s19], [sflag:$0x1], $0x80, v4, vm0, $0xb8;
	[tilespmem:$0x9800] =	vst v63  }
0x69: {  	_ = 	snop  }
0x6a: {  	[hbm4b:s9+s2] =	stream.indirect_vreg.scatter [tilespmem:s20], [sflag:$0x1], $0x80, v4, vm0, $0xb8;
	[tilespmem:$0x9800] =	vst v63  }
0x6b: {  	v3 =	vperm.xlane v3, v2  }
0x6c: {  	[hbm4b:s10+s2] =	stream.indirect_vreg.scatter [tilespmem:s21], [sflag:$0x1], $0x80, v4, vm0, $0xb8;
	[tilespmem:$0x9800] =	vst v63  }
0x6d: {  	v3 =	vadd.s32 v1, v3  }
0x6e: {  	[hbm4b:s11+s2] =	stream.indirect_vreg.scatter [tilespmem:s22], [sflag:$0x1], $0x80, v4, vm0, $0xb8;
	[tilespmem:$0x9800] =	vst v63  }
0x6f: {  	_ = 	snop  }
0x70: {  	[hbm4b:s12+s2] =	stream.indirect_vreg.scatter [tilespmem:s23], [sflag:$0x1], $0x80, v4, vm0, $0xb8;
	[tilespmem:$0x9800] =	vst v63  }
0x71: {  	_ = 	snop  }
0x72: {  	[hbm4b:s4+s2] =	stream.indirect_vreg.scatter [tilespmem:s24], [sflag:$0x1], $0x80, v3, vm0, $0xb8;
	[tilespmem:$0x9800] =	vst v63  }
0x73: {  	_ = 	snop  }
0x74: {  	[hbm4b:s5+s2] =	stream.indirect_vreg.scatter [tilespmem:s25], [sflag:$0x1], $0x80, v3, vm0, $0xb8;
	[tilespmem:$0x9800] =	vst v63  }
0x75: {  	_ = 	snop  }
0x76: {  	[hbm4b:s6+s2] =	stream.indirect_vreg.scatter [tilespmem:s26], [sflag:$0x1], $0x80, v3, vm0, $0xb8;
	[tilespmem:$0x9800] =	vst v63  }
0x77: {  	_ = 	snop  }
0x78: {  	[hbm4b:s7+s2] =	stream.indirect_vreg.scatter [tilespmem:s28], [sflag:$0x1], $0x80, v3, vm0, $0xb8;
	[tilespmem:$0x9800] =	vst v63  }
0x79: {  	_ = 	snop  }
0x7a: {  	[hbm4b:s8+s2] =	stream.indirect_vreg.scatter [tilespmem:s29], [sflag:$0x1], $0x80, v3, vm0, $0xb8;
	[tilespmem:$0x9800] =	vst v63  }
0x7b: {  	_ = 	snop  }
0x7c: {  	[hbm4b:s9+s2] =	stream.indirect_vreg.scatter [tilespmem:s30], [sflag:$0x1], $0x80, v3, vm0, $0xb8;
	[tilespmem:$0x9800] =	vst v63  }
0x7d: {  	_ = 	snop  }
0x7e: {  	[hbm4b:s10+s2] =	stream.indirect_vreg.scatter [tilespmem:s31], [sflag:$0x1], $0x80, v3, vm0, $0xb8;
	[tilespmem:$0x9800] =	vst v63  }
0x7f: {  	_ = 	snop  }
0x80: {  	[hbm4b:s11+s2] =	stream.indirect_vreg.scatter [tilespmem:s1], [sflag:$0x1], $0x80, v3, vm0, $0xb8;
	[tilespmem:$0x9800] =	vst v63  }
0x81: {  	_ = 	snop  }
0x82: {  	[hbm4b:s12+s2] =	stream.indirect_vreg.scatter [tilespmem:s0], [sflag:$0x1], $0x80, v3, vm0, $0xb8;
	[tilespmem:$0x9800] =	vst v63  }
0x83: {  	_ =	swait.ge [sflag:s3], $0x9000  }
0x84: {  	[sflag:s3] =	ssyncset.done $0x0  }
0x85: {  	s13 =	rddreg [dreg:$0x6];
	[sflag:s3] =	ssyncadd.s32 $0xFFFF7000  }
0x86: {  	[tilespmem:s15], [sflag:$0x2] =	stream.linear.gather [hbm4b:s13+s2], $0x9000, $0x38;
	[tilespmem:$0x9800] =	vst v63  }
0x87: {  	_ =	swait.ge [sflag:s14], $0x9000  }
0x88: {  	[sflag:s14] =	ssyncset.done $0x0  }
0x89: {  	[sflag:s14] =	ssyncadd.s32 $0xFFFF7000  }
0x8a: {  	v3 =	vld [tilespmem:$0x100];
	_ =	sdelay $0x4  }
0x8b: {  	v50 =	vshrl.u32 v3, $0x3  }
0x8c: {  	v4 =	vmul.u32 $0x90, v50  }
0x8d: {  	v3 =	vand.u32 $0x7, v3  }
0x8e: {  	v3 =	vor.u32 v3, v4  }
0x8f: {  	v4 =	vperm.xlane v3, v0;
	_ =	sdelay $0x1  }
0x90: {  	v4 =	vadd.s32 v1, v4;
	_ =	sdelay $0x4  }
0x91: {  	[hbm4b:s4+s2] =	stream.indirect_vreg.scatter [tilespmem:s15], [sflag:$0x1], $0x80, v4, vm0, $0xb8;
	[tilespmem:$0x9800] =	vst v63  }
0x92: {  	_ = 	snop  }
0x93: {  	[hbm4b:s5+s2] =	stream.indirect_vreg.scatter [tilespmem:s16], [sflag:$0x1], $0x80, v4, vm0, $0xb8;
	[tilespmem:$0x9800] =	vst v63  }
0x94: {  	_ = 	snop  }
0x95: {  	[hbm4b:s6+s2] =	stream.indirect_vreg.scatter [tilespmem:s17], [sflag:$0x1], $0x80, v4, vm0, $0xb8;
	[tilespmem:$0x9800] =	vst v63  }
0x96: {  	_ = 	snop  }
0x97: {  	[hbm4b:s7+s2] =	stream.indirect_vreg.scatter [tilespmem:s18], [sflag:$0x1], $0x80, v4, vm0, $0xb8;
	[tilespmem:$0x9800] =	vst v63  }
0x98: {  	_ = 	snop  }
0x99: {  	[hbm4b:s8+s2] =	stream.indirect_vreg.scatter [tilespmem:s19], [sflag:$0x1], $0x80, v4, vm0, $0xb8;
	[tilespmem:$0x9800] =	vst v63  }
0x9a: {  	_ = 	snop  }
0x9b: {  	[hbm4b:s9+s2] =	stream.indirect_vreg.scatter [tilespmem:s20], [sflag:$0x1], $0x80, v4, vm0, $0xb8;
	[tilespmem:$0x9800] =	vst v63  }
0x9c: {  	v3 =	vperm.xlane v3, v2  }
0x9d: {  	[hbm4b:s10+s2] =	stream.indirect_vreg.scatter [tilespmem:s21], [sflag:$0x1], $0x80, v4, vm0, $0xb8;
	[tilespmem:$0x9800] =	vst v63  }
0x9e: {  	v3 =	vadd.s32 v1, v3  }
0x9f: {  	[hbm4b:s11+s2] =	stream.indirect_vreg.scatter [tilespmem:s22], [sflag:$0x1], $0x80, v4, vm0, $0xb8;
	[tilespmem:$0x9800] =	vst v63  }
0xa0: {  	_ = 	snop  }
0xa1: {  	[hbm4b:s12+s2] =	stream.indirect_vreg.scatter [tilespmem:s23], [sflag:$0x1], $0x80, v4, vm0, $0xb8;
	[tilespmem:$0x9800] =	vst v63  }
0xa2: {  	_ = 	snop  }
0xa3: {  	[hbm4b:s4+s2] =	stream.indirect_vreg.scatter [tilespmem:s24], [sflag:$0x1], $0x80, v3, vm0, $0xb8;
	[tilespmem:$0x9800] =	vst v63  }
0xa4: {  	_ = 	snop  }
0xa5: {  	[hbm4b:s5+s2] =	stream.indirect_vreg.scatter [tilespmem:s25], [sflag:$0x1], $0x80, v3, vm0, $0xb8;
	[tilespmem:$0x9800] =	vst v63  }
0xa6: {  	_ = 	snop  }
0xa7: {  	[hbm4b:s6+s2] =	stream.indirect_vreg.scatter [tilespmem:s26], [sflag:$0x1], $0x80, v3, vm0, $0xb8;
	[tilespmem:$0x9800] =	vst v63  }
0xa8: {  	_ = 	snop  }
0xa9: {  	[hbm4b:s7+s2] =	stream.indirect_vreg.scatter [tilespmem:s28], [sflag:$0x1], $0x80, v3, vm0, $0xb8;
	[tilespmem:$0x9800] =	vst v63  }
0xaa: {  	_ = 	snop  }
0xab: {  	[hbm4b:s8+s2] =	stream.indirect_vreg.scatter [tilespmem:s29], [sflag:$0x1], $0x80, v3, vm0, $0xb8;
	[tilespmem:$0x9800] =	vst v63  }
0xac: {  	_ = 	snop  }
0xad: {  	[hbm4b:s9+s2] =	stream.indirect_vreg.scatter [tilespmem:s30], [sflag:$0x1], $0x80, v3, vm0, $0xb8;
	[tilespmem:$0x9800] =	vst v63  }
0xae: {  	_ = 	snop  }
0xaf: {  	[hbm4b:s10+s2] =	stream.indirect_vreg.scatter [tilespmem:s31], [sflag:$0x1], $0x80, v3, vm0, $0xb8;
	[tilespmem:$0x9800] =	vst v63  }
0xb0: {  	_ = 	snop  }
0xb1: {  	[hbm4b:s11+s2] =	stream.indirect_vreg.scatter [tilespmem:s1], [sflag:$0x1], $0x80, v3, vm0, $0xb8;
	[tilespmem:$0x9800] =	vst v63  }
0xb2: {  	_ = 	snop  }
0xb3: {  	[hbm4b:s12+s2] =	stream.indirect_vreg.scatter [tilespmem:s0], [sflag:$0x1], $0x80, v3, vm0, $0xb8;
	[tilespmem:$0x9800] =	vst v63  }
0xb4: {  	_ =	swait.ge [sflag:s3], $0x9000  }
0xb5: {  	[sflag:s3] =	ssyncset.done $0x0  }
0xb6: {  	s13 =	rddreg [dreg:$0x7];
	[sflag:s3] =	ssyncadd.s32 $0xFFFF7000  }
0xb7: {  	[tilespmem:s15], [sflag:$0x2] =	stream.linear.gather [hbm4b:s13+s2], $0x9000, $0x38;
	[tilespmem:$0x9800] =	vst v63  }
0xb8: {  	_ =	swait.ge [sflag:s14], $0x9000  }
0xb9: {  	[sflag:s14] =	ssyncset.done $0x0  }
0xba: {  	[sflag:s14] =	ssyncadd.s32 $0xFFFF7000  }
0xbb: {  	v3 =	vld [tilespmem:$0x180];
	_ =	sdelay $0x4  }
0xbc: {  	v51 =	vshrl.u32 v3, $0x3  }
0xbd: {  	v4 =	vmul.u32 $0x90, v51  }
0xbe: {  	v3 =	vand.u32 $0x7, v3  }
0xbf: {  	v3 =	vor.u32 v3, v4  }
0xc0: {  	v4 =	vperm.xlane v3, v0;
	_ =	sdelay $0x1  }
0xc1: {  	v4 =	vadd.s32 v1, v4;
	_ =	sdelay $0x4  }
0xc2: {  	[hbm4b:s4+s2] =	stream.indirect_vreg.scatter [tilespmem:s15], [sflag:$0x1], $0x80, v4, vm0, $0xb8;
	[tilespmem:$0x9800] =	vst v63  }
0xc3: {  	_ = 	snop  }
0xc4: {  	[hbm4b:s5+s2] =	stream.indirect_vreg.scatter [tilespmem:s16], [sflag:$0x1], $0x80, v4, vm0, $0xb8;
	[tilespmem:$0x9800] =	vst v63  }
0xc5: {  	_ = 	snop  }
0xc6: {  	[hbm4b:s6+s2] =	stream.indirect_vreg.scatter [tilespmem:s17], [sflag:$0x1], $0x80, v4, vm0, $0xb8;
	[tilespmem:$0x9800] =	vst v63  }
0xc7: {  	_ = 	snop  }
0xc8: {  	[hbm4b:s7+s2] =	stream.indirect_vreg.scatter [tilespmem:s18], [sflag:$0x1], $0x80, v4, vm0, $0xb8;
	[tilespmem:$0x9800] =	vst v63  }
0xc9: {  	_ = 	snop  }
0xca: {  	[hbm4b:s8+s2] =	stream.indirect_vreg.scatter [tilespmem:s19], [sflag:$0x1], $0x80, v4, vm0, $0xb8;
	[tilespmem:$0x9800] =	vst v63  }
0xcb: {  	_ = 	snop  }
0xcc: {  	[hbm4b:s9+s2] =	stream.indirect_vreg.scatter [tilespmem:s20], [sflag:$0x1], $0x80, v4, vm0, $0xb8;
	[tilespmem:$0x9800] =	vst v63  }
0xcd: {  	v3 =	vperm.xlane v3, v2  }
0xce: {  	[hbm4b:s10+s2] =	stream.indirect_vreg.scatter [tilespmem:s21], [sflag:$0x1], $0x80, v4, vm0, $0xb8;
	[tilespmem:$0x9800] =	vst v63  }
0xcf: {  	v3 =	vadd.s32 v1, v3  }
0xd0: {  	[hbm4b:s11+s2] =	stream.indirect_vreg.scatter [tilespmem:s22], [sflag:$0x1], $0x80, v4, vm0, $0xb8;
	[tilespmem:$0x9800] =	vst v63  }
0xd1: {  	_ = 	snop  }
0xd2: {  	[hbm4b:s12+s2] =	stream.indirect_vreg.scatter [tilespmem:s23], [sflag:$0x1], $0x80, v4, vm0, $0xb8;
	[tilespmem:$0x9800] =	vst v63  }
0xd3: {  	_ = 	snop  }
0xd4: {  	[hbm4b:s4+s2] =	stream.indirect_vreg.scatter [tilespmem:s24], [sflag:$0x1], $0x80, v3, vm0, $0xb8;
	[tilespmem:$0x9800] =	vst v63  }
0xd5: {  	_ = 	snop  }
0xd6: {  	[hbm4b:s5+s2] =	stream.indirect_vreg.scatter [tilespmem:s25], [sflag:$0x1], $0x80, v3, vm0, $0xb8;
	[tilespmem:$0x9800] =	vst v63  }
0xd7: {  	_ = 	snop  }
0xd8: {  	[hbm4b:s6+s2] =	stream.indirect_vreg.scatter [tilespmem:s26], [sflag:$0x1], $0x80, v3, vm0, $0xb8;
	[tilespmem:$0x9800] =	vst v63  }
0xd9: {  	_ = 	snop  }
0xda: {  	[hbm4b:s7+s2] =	stream.indirect_vreg.scatter [tilespmem:s28], [sflag:$0x1], $0x80, v3, vm0, $0xb8;
	[tilespmem:$0x9800] =	vst v63  }
0xdb: {  	_ = 	snop  }
0xdc: {  	[hbm4b:s8+s2] =	stream.indirect_vreg.scatter [tilespmem:s29], [sflag:$0x1], $0x80, v3, vm0, $0xb8;
	[tilespmem:$0x9800] =	vst v63  }
0xdd: {  	_ = 	snop  }
0xde: {  	[hbm4b:s9+s2] =	stream.indirect_vreg.scatter [tilespmem:s30], [sflag:$0x1], $0x80, v3, vm0, $0xb8;
	[tilespmem:$0x9800] =	vst v63  }
0xdf: {  	_ = 	snop  }
0xe0: {  	[hbm4b:s10+s2] =	stream.indirect_vreg.scatter [tilespmem:s31], [sflag:$0x1], $0x80, v3, vm0, $0xb8;
	[tilespmem:$0x9800] =	vst v63  }
0xe1: {  	_ = 	snop  }
0xe2: {  	[hbm4b:s11+s2] =	stream.indirect_vreg.scatter [tilespmem:s1], [sflag:$0x1], $0x80, v3, vm0, $0xb8;
	[tilespmem:$0x9800] =	vst v63  }
0xe3: {  	_ = 	snop  }
0xe4: {  	[hbm4b:s12+s2] =	stream.indirect_vreg.scatter [tilespmem:s0], [sflag:$0x1], $0x80, v3, vm0, $0xb8;
	[tilespmem:$0x9800] =	vst v63  }
0xe5: {  	_ =	swait.ge [sflag:s3], $0x9000  }
0xe6: {  	[sflag:s3] =	ssyncset.done $0x0  }
0xe7: {  	s13 =	rddreg [dreg:$0x8];
	[sflag:s3] =	ssyncadd.s32 $0xFFFF7000  }
0xe8: {  	[tilespmem:s15], [sflag:$0x2] =	stream.linear.gather [hbm4b:s13+s2], $0x9000, $0x38;
	[tilespmem:$0x9800] =	vst v63  }
0xe9: {  	_ =	swait.ge [sflag:s14], $0x9000  }
0xea: {  	[sflag:s14] =	ssyncset.done $0x0  }
0xeb: {  	[sflag:s14] =	ssyncadd.s32 $0xFFFF7000  }
0xec: {  	v3 =	vld [tilespmem:$0x200];
	_ =	sdelay $0x4  }
0xed: {  	v52 =	vshrl.u32 v3, $0x3  }
0xee: {  	v4 =	vmul.u32 $0x90, v52  }
0xef: {  	v3 =	vand.u32 $0x7, v3  }
0xf0: {  	v3 =	vor.u32 v3, v4  }
0xf1: {  	v4 =	vperm.xlane v3, v0;
	_ =	sdelay $0x1  }
0xf2: {  	v4 =	vadd.s32 v1, v4;
	_ =	sdelay $0x4  }
0xf3: {  	[hbm4b:s4+s2] =	stream.indirect_vreg.scatter [tilespmem:s15], [sflag:$0x1], $0x80, v4, vm0, $0xb8;
	[tilespmem:$0x9800] =	vst v63  }
0xf4: {  	_ = 	snop  }
0xf5: {  	[hbm4b:s5+s2] =	stream.indirect_vreg.scatter [tilespmem:s16], [sflag:$0x1], $0x80, v4, vm0, $0xb8;
	[tilespmem:$0x9800] =	vst v63  }
0xf6: {  	_ = 	snop  }
0xf7: {  	[hbm4b:s6+s2] =	stream.indirect_vreg.scatter [tilespmem:s17], [sflag:$0x1], $0x80, v4, vm0, $0xb8;
	[tilespmem:$0x9800] =	vst v63  }
0xf8: {  	_ = 	snop  }
0xf9: {  	[hbm4b:s7+s2] =	stream.indirect_vreg.scatter [tilespmem:s18], [sflag:$0x1], $0x80, v4, vm0, $0xb8;
	[tilespmem:$0x9800] =	vst v63  }
0xfa: {  	_ = 	snop  }
0xfb: {  	[hbm4b:s8+s2] =	stream.indirect_vreg.scatter [tilespmem:s19], [sflag:$0x1], $0x80, v4, vm0, $0xb8;
	[tilespmem:$0x9800] =	vst v63  }
0xfc: {  	_ = 	snop  }
0xfd: {  	[hbm4b:s9+s2] =	stream.indirect_vreg.scatter [tilespmem:s20], [sflag:$0x1], $0x80, v4, vm0, $0xb8;
	[tilespmem:$0x9800] =	vst v63  }
0xfe: {  	v3 =	vperm.xlane v3, v2  }
0xff: {  	[hbm4b:s10+s2] =	stream.indirect_vreg.scatter [tilespmem:s21], [sflag:$0x1], $0x80, v4, vm0, $0xb8;
	[tilespmem:$0x9800] =	vst v63  }
0x100: {  	v3 =	vadd.s32 v1, v3  }
0x101: {  	[hbm4b:s11+s2] =	stream.indirect_vreg.scatter [tilespmem:s22], [sflag:$0x1], $0x80, v4, vm0, $0xb8;
	[tilespmem:$0x9800] =	vst v63  }
0x102: {  	_ = 	snop  }
0x103: {  	[hbm4b:s12+s2] =	stream.indirect_vreg.scatter [tilespmem:s23], [sflag:$0x1], $0x80, v4, vm0, $0xb8;
	[tilespmem:$0x9800] =	vst v63  }
0x104: {  	_ = 	snop  }
0x105: {  	[hbm4b:s4+s2] =	stream.indirect_vreg.scatter [tilespmem:s24], [sflag:$0x1], $0x80, v3, vm0, $0xb8;
	[tilespmem:$0x9800] =	vst v63  }
0x106: {  	_ = 	snop  }
0x107: {  	[hbm4b:s5+s2] =	stream.indirect_vreg.scatter [tilespmem:s25], [sflag:$0x1], $0x80, v3, vm0, $0xb8;
	[tilespmem:$0x9800] =	vst v63  }
0x108: {  	_ = 	snop  }
0x109: {  	[hbm4b:s6+s2] =	stream.indirect_vreg.scatter [tilespmem:s26], [sflag:$0x1], $0x80, v3, vm0, $0xb8;
	[tilespmem:$0x9800] =	vst v63  }
0x10a: {  	_ = 	snop  }
0x10b: {  	[hbm4b:s7+s2] =	stream.indirect_vreg.scatter [tilespmem:s28], [sflag:$0x1], $0x80, v3, vm0, $0xb8;
	[tilespmem:$0x9800] =	vst v63  }
0x10c: {  	_ = 	snop  }
0x10d: {  	[hbm4b:s8+s2] =	stream.indirect_vreg.scatter [tilespmem:s29], [sflag:$0x1], $0x80, v3, vm0, $0xb8;
	[tilespmem:$0x9800] =	vst v63  }
0x10e: {  	_ = 	snop  }
0x10f: {  	[hbm4b:s9+s2] =	stream.indirect_vreg.scatter [tilespmem:s30], [sflag:$0x1], $0x80, v3, vm0, $0xb8;
	[tilespmem:$0x9800] =	vst v63  }
0x110: {  	_ = 	snop  }
0x111: {  	[hbm4b:s10+s2] =	stream.indirect_vreg.scatter [tilespmem:s31], [sflag:$0x1], $0x80, v3, vm0, $0xb8;
	[tilespmem:$0x9800] =	vst v63  }
0x112: {  	_ = 	snop  }
0x113: {  	[hbm4b:s11+s2] =	stream.indirect_vreg.scatter [tilespmem:s1], [sflag:$0x1], $0x80, v3, vm0, $0xb8;
	[tilespmem:$0x9800] =	vst v63  }
0x114: {  	_ = 	snop  }
0x115: {  	[hbm4b:s12+s2] =	stream.indirect_vreg.scatter [tilespmem:s0], [sflag:$0x1], $0x80, v3, vm0, $0xb8;
	[tilespmem:$0x9800] =	vst v63  }
0x116: {  	_ =	swait.ge [sflag:s3], $0x9000  }
0x117: {  	[sflag:s3] =	ssyncset.done $0x0  }
0x118: {  	s13 =	rddreg [dreg:$0x9];
	[sflag:s3] =	ssyncadd.s32 $0xFFFF7000  }
0x119: {  	[tilespmem:s15], [sflag:$0x2] =	stream.linear.gather [hbm4b:s13+s2], $0x9000, $0x38;
	[tilespmem:$0x9800] =	vst v63  }
0x11a: {  	_ =	swait.ge [sflag:s14], $0x9000  }
0x11b: {  	[sflag:s14] =	ssyncset.done $0x0  }
0x11c: {  	[sflag:s14] =	ssyncadd.s32 $0xFFFF7000  }
0x11d: {  	v3 =	vld [tilespmem:$0x280];
	_ =	sdelay $0x4  }
0x11e: {  	v53 =	vshrl.u32 v3, $0x3  }
0x11f: {  	v4 =	vmul.u32 $0x90, v53  }
0x120: {  	v3 =	vand.u32 $0x7, v3  }
0x121: {  	v3 =	vor.u32 v3, v4  }
0x122: {  	v4 =	vperm.xlane v3, v0;
	_ =	sdelay $0x1  }
0x123: {  	v4 =	vadd.s32 v1, v4;
	_ =	sdelay $0x4  }
0x124: {  	[hbm4b:s4+s2] =	stream.indirect_vreg.scatter [tilespmem:s15], [sflag:$0x1], $0x80, v4, vm0, $0xb8;
	[tilespmem:$0x9800] =	vst v63  }
0x125: {  	_ = 	snop  }
0x126: {  	[hbm4b:s5+s2] =	stream.indirect_vreg.scatter [tilespmem:s16], [sflag:$0x1], $0x80, v4, vm0, $0xb8;
	[tilespmem:$0x9800] =	vst v63  }
0x127: {  	_ = 	snop  }
0x128: {  	[hbm4b:s6+s2] =	stream.indirect_vreg.scatter [tilespmem:s17], [sflag:$0x1], $0x80, v4, vm0, $0xb8;
	[tilespmem:$0x9800] =	vst v63  }
0x129: {  	_ = 	snop  }
0x12a: {  	[hbm4b:s7+s2] =	stream.indirect_vreg.scatter [tilespmem:s18], [sflag:$0x1], $0x80, v4, vm0, $0xb8;
	[tilespmem:$0x9800] =	vst v63  }
0x12b: {  	_ = 	snop  }
0x12c: {  	[hbm4b:s8+s2] =	stream.indirect_vreg.scatter [tilespmem:s19], [sflag:$0x1], $0x80, v4, vm0, $0xb8;
	[tilespmem:$0x9800] =	vst v63  }
0x12d: {  	_ = 	snop  }
0x12e: {  	[hbm4b:s9+s2] =	stream.indirect_vreg.scatter [tilespmem:s20], [sflag:$0x1], $0x80, v4, vm0, $0xb8;
	[tilespmem:$0x9800] =	vst v63  }
0x12f: {  	v3 =	vperm.xlane v3, v2  }
0x130: {  	[hbm4b:s10+s2] =	stream.indirect_vreg.scatter [tilespmem:s21], [sflag:$0x1], $0x80, v4, vm0, $0xb8;
	[tilespmem:$0x9800] =	vst v63  }
0x131: {  	v3 =	vadd.s32 v1, v3  }
0x132: {  	[hbm4b:s11+s2] =	stream.indirect_vreg.scatter [tilespmem:s22], [sflag:$0x1], $0x80, v4, vm0, $0xb8;
	[tilespmem:$0x9800] =	vst v63  }
0x133: {  	_ = 	snop  }
0x134: {  	[hbm4b:s12+s2] =	stream.indirect_vreg.scatter [tilespmem:s23], [sflag:$0x1], $0x80, v4, vm0, $0xb8;
	[tilespmem:$0x9800] =	vst v63  }
0x135: {  	_ = 	snop  }
0x136: {  	[hbm4b:s4+s2] =	stream.indirect_vreg.scatter [tilespmem:s24], [sflag:$0x1], $0x80, v3, vm0, $0xb8;
	[tilespmem:$0x9800] =	vst v63  }
0x137: {  	_ = 	snop  }
0x138: {  	[hbm4b:s5+s2] =	stream.indirect_vreg.scatter [tilespmem:s25], [sflag:$0x1], $0x80, v3, vm0, $0xb8;
	[tilespmem:$0x9800] =	vst v63  }
0x139: {  	_ = 	snop  }
0x13a: {  	[hbm4b:s6+s2] =	stream.indirect_vreg.scatter [tilespmem:s26], [sflag:$0x1], $0x80, v3, vm0, $0xb8;
	[tilespmem:$0x9800] =	vst v63  }
0x13b: {  	_ = 	snop  }
0x13c: {  	[hbm4b:s7+s2] =	stream.indirect_vreg.scatter [tilespmem:s28], [sflag:$0x1], $0x80, v3, vm0, $0xb8;
	[tilespmem:$0x9800] =	vst v63  }
0x13d: {  	_ = 	snop  }
0x13e: {  	[hbm4b:s8+s2] =	stream.indirect_vreg.scatter [tilespmem:s29], [sflag:$0x1], $0x80, v3, vm0, $0xb8;
	[tilespmem:$0x9800] =	vst v63  }
0x13f: {  	_ = 	snop  }
0x140: {  	[hbm4b:s9+s2] =	stream.indirect_vreg.scatter [tilespmem:s30], [sflag:$0x1], $0x80, v3, vm0, $0xb8;
	[tilespmem:$0x9800] =	vst v63  }
0x141: {  	_ = 	snop  }
0x142: {  	[hbm4b:s10+s2] =	stream.indirect_vreg.scatter [tilespmem:s31], [sflag:$0x1], $0x80, v3, vm0, $0xb8;
	[tilespmem:$0x9800] =	vst v63  }
0x143: {  	_ = 	snop  }
0x144: {  	[hbm4b:s11+s2] =	stream.indirect_vreg.scatter [tilespmem:s1], [sflag:$0x1], $0x80, v3, vm0, $0xb8;
	[tilespmem:$0x9800] =	vst v63  }
0x145: {  	_ = 	snop  }
0x146: {  	[hbm4b:s12+s2] =	stream.indirect_vreg.scatter [tilespmem:s0], [sflag:$0x1], $0x80, v3, vm0, $0xb8;
	[tilespmem:$0x9800] =	vst v63  }
0x147: {  	_ =	swait.ge [sflag:s3], $0x9000  }
0x148: {  	[sflag:s3] =	ssyncset.done $0x0  }
0x149: {  	s13 =	rddreg [dreg:$0xa];
	[sflag:s3] =	ssyncadd.s32 $0xFFFF7000  }
0x14a: {  	[tilespmem:s15], [sflag:$0x2] =	stream.linear.gather [hbm4b:s13+s2], $0x9000, $0x38;
	[tilespmem:$0x9800] =	vst v63  }
0x14b: {  	_ =	swait.ge [sflag:s14], $0x9000  }
0x14c: {  	[sflag:s14] =	ssyncset.done $0x0  }
0x14d: {  	[sflag:s14] =	ssyncadd.s32 $0xFFFF7000  }
0x14e: {  	v3 =	vld [tilespmem:$0x300];
	_ =	sdelay $0x4  }
0x14f: {  	v54 =	vshrl.u32 v3, $0x3  }
0x150: {  	v4 =	vmul.u32 $0x90, v54  }
0x151: {  	v3 =	vand.u32 $0x7, v3  }
0x152: {  	v3 =	vor.u32 v3, v4  }
0x153: {  	v4 =	vperm.xlane v3, v0;
	_ =	sdelay $0x1  }
0x154: {  	v4 =	vadd.s32 v1, v4;
	_ =	sdelay $0x4  }
0x155: {  	[hbm4b:s4+s2] =	stream.indirect_vreg.scatter [tilespmem:s15], [sflag:$0x1], $0x80, v4, vm0, $0xb8;
	[tilespmem:$0x9800] =	vst v63  }
0x156: {  	_ = 	snop  }
0x157: {  	[hbm4b:s5+s2] =	stream.indirect_vreg.scatter [tilespmem:s16], [sflag:$0x1], $0x80, v4, vm0, $0xb8;
	[tilespmem:$0x9800] =	vst v63  }
0x158: {  	_ = 	snop  }
0x159: {  	[hbm4b:s6+s2] =	stream.indirect_vreg.scatter [tilespmem:s17], [sflag:$0x1], $0x80, v4, vm0, $0xb8;
	[tilespmem:$0x9800] =	vst v63  }
0x15a: {  	_ = 	snop  }
0x15b: {  	[hbm4b:s7+s2] =	stream.indirect_vreg.scatter [tilespmem:s18], [sflag:$0x1], $0x80, v4, vm0, $0xb8;
	[tilespmem:$0x9800] =	vst v63  }
0x15c: {  	_ = 	snop  }
0x15d: {  	[hbm4b:s8+s2] =	stream.indirect_vreg.scatter [tilespmem:s19], [sflag:$0x1], $0x80, v4, vm0, $0xb8;
	[tilespmem:$0x9800] =	vst v63  }
0x15e: {  	_ = 	snop  }
0x15f: {  	[hbm4b:s9+s2] =	stream.indirect_vreg.scatter [tilespmem:s20], [sflag:$0x1], $0x80, v4, vm0, $0xb8;
	[tilespmem:$0x9800] =	vst v63  }
0x160: {  	v3 =	vperm.xlane v3, v2  }
0x161: {  	[hbm4b:s10+s2] =	stream.indirect_vreg.scatter [tilespmem:s21], [sflag:$0x1], $0x80, v4, vm0, $0xb8;
	[tilespmem:$0x9800] =	vst v63  }
0x162: {  	v3 =	vadd.s32 v1, v3  }
0x163: {  	[hbm4b:s11+s2] =	stream.indirect_vreg.scatter [tilespmem:s22], [sflag:$0x1], $0x80, v4, vm0, $0xb8;
	[tilespmem:$0x9800] =	vst v63  }
0x164: {  	_ = 	snop  }
0x165: {  	[hbm4b:s12+s2] =	stream.indirect_vreg.scatter [tilespmem:s23], [sflag:$0x1], $0x80, v4, vm0, $0xb8;
	[tilespmem:$0x9800] =	vst v63  }
0x166: {  	_ = 	snop  }
0x167: {  	[hbm4b:s4+s2] =	stream.indirect_vreg.scatter [tilespmem:s24], [sflag:$0x1], $0x80, v3, vm0, $0xb8;
	[tilespmem:$0x9800] =	vst v63  }
0x168: {  	_ = 	snop  }
0x169: {  	[hbm4b:s5+s2] =	stream.indirect_vreg.scatter [tilespmem:s25], [sflag:$0x1], $0x80, v3, vm0, $0xb8;
	[tilespmem:$0x9800] =	vst v63  }
0x16a: {  	_ = 	snop  }
0x16b: {  	[hbm4b:s6+s2] =	stream.indirect_vreg.scatter [tilespmem:s26], [sflag:$0x1], $0x80, v3, vm0, $0xb8;
	[tilespmem:$0x9800] =	vst v63  }
0x16c: {  	_ = 	snop  }
0x16d: {  	[hbm4b:s7+s2] =	stream.indirect_vreg.scatter [tilespmem:s28], [sflag:$0x1], $0x80, v3, vm0, $0xb8;
	[tilespmem:$0x9800] =	vst v63  }
0x16e: {  	_ = 	snop  }
0x16f: {  	[hbm4b:s8+s2] =	stream.indirect_vreg.scatter [tilespmem:s29], [sflag:$0x1], $0x80, v3, vm0, $0xb8;
	[tilespmem:$0x9800] =	vst v63  }
0x170: {  	_ = 	snop  }
0x171: {  	[hbm4b:s9+s2] =	stream.indirect_vreg.scatter [tilespmem:s30], [sflag:$0x1], $0x80, v3, vm0, $0xb8;
	[tilespmem:$0x9800] =	vst v63  }
0x172: {  	_ = 	snop  }
0x173: {  	[hbm4b:s10+s2] =	stream.indirect_vreg.scatter [tilespmem:s31], [sflag:$0x1], $0x80, v3, vm0, $0xb8;
	[tilespmem:$0x9800] =	vst v63  }
0x174: {  	_ = 	snop  }
0x175: {  	[hbm4b:s11+s2] =	stream.indirect_vreg.scatter [tilespmem:s1], [sflag:$0x1], $0x80, v3, vm0, $0xb8;
	[tilespmem:$0x9800] =	vst v63  }
0x176: {  	_ = 	snop  }
0x177: {  	[hbm4b:s12+s2] =	stream.indirect_vreg.scatter [tilespmem:s0], [sflag:$0x1], $0x80, v3, vm0, $0xb8;
	[tilespmem:$0x9800] =	vst v63  }
0x178: {  	_ =	swait.ge [sflag:s3], $0x9000  }
0x179: {  	[sflag:s3] =	ssyncset.done $0x0  }
0x17a: {  	s13 =	rddreg [dreg:$0xb];
	[sflag:s3] =	ssyncadd.s32 $0xFFFF7000  }
0x17b: {  	[tilespmem:s15], [sflag:$0x2] =	stream.linear.gather [hbm4b:s13+s2], $0x9000, $0x38;
	[tilespmem:$0x9800] =	vst v63  }
0x17c: {  	_ =	swait.ge [sflag:s14], $0x9000  }
0x17d: {  	[sflag:s14] =	ssyncset.done $0x0  }
0x17e: {  	[sflag:s14] =	ssyncadd.s32 $0xFFFF7000  }
0x17f: {  	v3 =	vld [tilespmem:$0x380];
	_ =	sdelay $0x4  }
0x180: {  	v55 =	vshrl.u32 v3, $0x3  }
0x181: {  	v4 =	vmul.u32 $0x90, v55  }
0x182: {  	v3 =	vand.u32 $0x7, v3  }
0x183: {  	v3 =	vor.u32 v3, v4  }
0x184: {  	v4 =	vperm.xlane v3, v0;
	_ =	sdelay $0x1  }
0x185: {  	v4 =	vadd.s32 v1, v4;
	_ =	sdelay $0x4  }
0x186: {  	[hbm4b:s4+s2] =	stream.indirect_vreg.scatter [tilespmem:s15], [sflag:$0x1], $0x80, v4, vm0, $0xb8;
	[tilespmem:$0x9800] =	vst v63  }
0x187: {  	_ = 	snop  }
0x188: {  	[hbm4b:s5+s2] =	stream.indirect_vreg.scatter [tilespmem:s16], [sflag:$0x1], $0x80, v4, vm0, $0xb8;
	[tilespmem:$0x9800] =	vst v63  }
0x189: {  	_ = 	snop  }
0x18a: {  	[hbm4b:s6+s2] =	stream.indirect_vreg.scatter [tilespmem:s17], [sflag:$0x1], $0x80, v4, vm0, $0xb8;
	[tilespmem:$0x9800] =	vst v63  }
0x18b: {  	_ = 	snop  }
0x18c: {  	[hbm4b:s7+s2] =	stream.indirect_vreg.scatter [tilespmem:s18], [sflag:$0x1], $0x80, v4, vm0, $0xb8;
	[tilespmem:$0x9800] =	vst v63  }
0x18d: {  	_ = 	snop  }
0x18e: {  	[hbm4b:s8+s2] =	stream.indirect_vreg.scatter [tilespmem:s19], [sflag:$0x1], $0x80, v4, vm0, $0xb8;
	[tilespmem:$0x9800] =	vst v63  }
0x18f: {  	_ = 	snop  }
0x190: {  	[hbm4b:s9+s2] =	stream.indirect_vreg.scatter [tilespmem:s20], [sflag:$0x1], $0x80, v4, vm0, $0xb8;
	[tilespmem:$0x9800] =	vst v63  }
0x191: {  	v3 =	vperm.xlane v3, v2  }
0x192: {  	[hbm4b:s10+s2] =	stream.indirect_vreg.scatter [tilespmem:s21], [sflag:$0x1], $0x80, v4, vm0, $0xb8;
	[tilespmem:$0x9800] =	vst v63  }
0x193: {  	v3 =	vadd.s32 v1, v3  }
0x194: {  	[hbm4b:s11+s2] =	stream.indirect_vreg.scatter [tilespmem:s22], [sflag:$0x1], $0x80, v4, vm0, $0xb8;
	[tilespmem:$0x9800] =	vst v63  }
0x195: {  	_ = 	snop  }
0x196: {  	[hbm4b:s12+s2] =	stream.indirect_vreg.scatter [tilespmem:s23], [sflag:$0x1], $0x80, v4, vm0, $0xb8;
	[tilespmem:$0x9800] =	vst v63  }
0x197: {  	_ = 	snop  }
0x198: {  	[hbm4b:s4+s2] =	stream.indirect_vreg.scatter [tilespmem:s24], [sflag:$0x1], $0x80, v3, vm0, $0xb8;
	[tilespmem:$0x9800] =	vst v63  }
0x199: {  	_ = 	snop  }
0x19a: {  	[hbm4b:s5+s2] =	stream.indirect_vreg.scatter [tilespmem:s25], [sflag:$0x1], $0x80, v3, vm0, $0xb8;
	[tilespmem:$0x9800] =	vst v63  }
0x19b: {  	_ = 	snop  }
0x19c: {  	[hbm4b:s6+s2] =	stream.indirect_vreg.scatter [tilespmem:s26], [sflag:$0x1], $0x80, v3, vm0, $0xb8;
	[tilespmem:$0x9800] =	vst v63  }
0x19d: {  	_ = 	snop  }
0x19e: {  	[hbm4b:s7+s2] =	stream.indirect_vreg.scatter [tilespmem:s28], [sflag:$0x1], $0x80, v3, vm0, $0xb8;
	[tilespmem:$0x9800] =	vst v63  }
0x19f: {  	_ = 	snop  }
0x1a0: {  	[hbm4b:s8+s2] =	stream.indirect_vreg.scatter [tilespmem:s29], [sflag:$0x1], $0x80, v3, vm0, $0xb8;
	[tilespmem:$0x9800] =	vst v63  }
0x1a1: {  	_ = 	snop  }
0x1a2: {  	[hbm4b:s9+s2] =	stream.indirect_vreg.scatter [tilespmem:s30], [sflag:$0x1], $0x80, v3, vm0, $0xb8;
	[tilespmem:$0x9800] =	vst v63  }
0x1a3: {  	_ = 	snop  }
0x1a4: {  	[hbm4b:s10+s2] =	stream.indirect_vreg.scatter [tilespmem:s31], [sflag:$0x1], $0x80, v3, vm0, $0xb8;
	[tilespmem:$0x9800] =	vst v63  }
0x1a5: {  	_ = 	snop  }
0x1a6: {  	[hbm4b:s11+s2] =	stream.indirect_vreg.scatter [tilespmem:s1], [sflag:$0x1], $0x80, v3, vm0, $0xb8;
	[tilespmem:$0x9800] =	vst v63  }
0x1a7: {  	_ = 	snop  }
0x1a8: {  	[hbm4b:s12+s2] =	stream.indirect_vreg.scatter [tilespmem:s0], [sflag:$0x1], $0x80, v3, vm0, $0xb8;
	[tilespmem:$0x9800] =	vst v63  }
0x1a9: {  	_ =	swait.ge [sflag:s3], $0x9000  }
0x1aa: {  	[sflag:s3] =	ssyncset.done $0x0  }
0x1ab: {  	s13 =	rddreg [dreg:$0xc];
	[sflag:s3] =	ssyncadd.s32 $0xFFFF7000  }
0x1ac: {  	[tilespmem:s15], [sflag:$0x2] =	stream.linear.gather [hbm4b:s13+s2], $0x9000, $0x38;
	[tilespmem:$0x9800] =	vst v63  }
0x1ad: {  	_ =	swait.ge [sflag:s14], $0x9000  }
0x1ae: {  	[sflag:s14] =	ssyncset.done $0x0  }
0x1af: {  	[sflag:s14] =	ssyncadd.s32 $0xFFFF7000  }
0x1b0: {  	v3 =	vld [tilespmem:$0x400];
	_ =	sdelay $0x4  }
0x1b1: {  	v56 =	vshrl.u32 v3, $0x3  }
0x1b2: {  	v4 =	vmul.u32 $0x90, v56  }
0x1b3: {  	v3 =	vand.u32 $0x7, v3  }
0x1b4: {  	v3 =	vor.u32 v3, v4  }
0x1b5: {  	v4 =	vperm.xlane v3, v0;
	_ =	sdelay $0x1  }
0x1b6: {  	v4 =	vadd.s32 v1, v4;
	_ =	sdelay $0x4  }
0x1b7: {  	[hbm4b:s4+s2] =	stream.indirect_vreg.scatter [tilespmem:s15], [sflag:$0x1], $0x80, v4, vm0, $0xb8;
	[tilespmem:$0x9800] =	vst v63  }
0x1b8: {  	_ = 	snop  }
0x1b9: {  	[hbm4b:s5+s2] =	stream.indirect_vreg.scatter [tilespmem:s16], [sflag:$0x1], $0x80, v4, vm0, $0xb8;
	[tilespmem:$0x9800] =	vst v63  }
0x1ba: {  	_ = 	snop  }
0x1bb: {  	[hbm4b:s6+s2] =	stream.indirect_vreg.scatter [tilespmem:s17], [sflag:$0x1], $0x80, v4, vm0, $0xb8;
	[tilespmem:$0x9800] =	vst v63  }
0x1bc: {  	_ = 	snop  }
0x1bd: {  	[hbm4b:s7+s2] =	stream.indirect_vreg.scatter [tilespmem:s18], [sflag:$0x1], $0x80, v4, vm0, $0xb8;
	[tilespmem:$0x9800] =	vst v63  }
0x1be: {  	_ = 	snop  }
0x1bf: {  	[hbm4b:s8+s2] =	stream.indirect_vreg.scatter [tilespmem:s19], [sflag:$0x1], $0x80, v4, vm0, $0xb8;
	[tilespmem:$0x9800] =	vst v63  }
0x1c0: {  	_ = 	snop  }
0x1c1: {  	[hbm4b:s9+s2] =	stream.indirect_vreg.scatter [tilespmem:s20], [sflag:$0x1], $0x80, v4, vm0, $0xb8;
	[tilespmem:$0x9800] =	vst v63  }
0x1c2: {  	v3 =	vperm.xlane v3, v2  }
0x1c3: {  	[hbm4b:s10+s2] =	stream.indirect_vreg.scatter [tilespmem:s21], [sflag:$0x1], $0x80, v4, vm0, $0xb8;
	[tilespmem:$0x9800] =	vst v63  }
0x1c4: {  	v3 =	vadd.s32 v1, v3  }
0x1c5: {  	[hbm4b:s11+s2] =	stream.indirect_vreg.scatter [tilespmem:s22], [sflag:$0x1], $0x80, v4, vm0, $0xb8;
	[tilespmem:$0x9800] =	vst v63  }
0x1c6: {  	_ = 	snop  }
0x1c7: {  	[hbm4b:s12+s2] =	stream.indirect_vreg.scatter [tilespmem:s23], [sflag:$0x1], $0x80, v4, vm0, $0xb8;
	[tilespmem:$0x9800] =	vst v63  }
0x1c8: {  	_ = 	snop  }
0x1c9: {  	[hbm4b:s4+s2] =	stream.indirect_vreg.scatter [tilespmem:s24], [sflag:$0x1], $0x80, v3, vm0, $0xb8;
	[tilespmem:$0x9800] =	vst v63  }
0x1ca: {  	_ = 	snop  }
0x1cb: {  	[hbm4b:s5+s2] =	stream.indirect_vreg.scatter [tilespmem:s25], [sflag:$0x1], $0x80, v3, vm0, $0xb8;
	[tilespmem:$0x9800] =	vst v63  }
0x1cc: {  	_ = 	snop  }
0x1cd: {  	[hbm4b:s6+s2] =	stream.indirect_vreg.scatter [tilespmem:s26], [sflag:$0x1], $0x80, v3, vm0, $0xb8;
	[tilespmem:$0x9800] =	vst v63  }
0x1ce: {  	_ = 	snop  }
0x1cf: {  	[hbm4b:s7+s2] =	stream.indirect_vreg.scatter [tilespmem:s28], [sflag:$0x1], $0x80, v3, vm0, $0xb8;
	[tilespmem:$0x9800] =	vst v63  }
0x1d0: {  	_ = 	snop  }
0x1d1: {  	[hbm4b:s8+s2] =	stream.indirect_vreg.scatter [tilespmem:s29], [sflag:$0x1], $0x80, v3, vm0, $0xb8;
	[tilespmem:$0x9800] =	vst v63  }
0x1d2: {  	_ = 	snop  }
0x1d3: {  	[hbm4b:s9+s2] =	stream.indirect_vreg.scatter [tilespmem:s30], [sflag:$0x1], $0x80, v3, vm0, $0xb8;
	[tilespmem:$0x9800] =	vst v63  }
0x1d4: {  	_ = 	snop  }
0x1d5: {  	[hbm4b:s10+s2] =	stream.indirect_vreg.scatter [tilespmem:s31], [sflag:$0x1], $0x80, v3, vm0, $0xb8;
	[tilespmem:$0x9800] =	vst v63  }
0x1d6: {  	_ = 	snop  }
0x1d7: {  	[hbm4b:s11+s2] =	stream.indirect_vreg.scatter [tilespmem:s1], [sflag:$0x1], $0x80, v3, vm0, $0xb8;
	[tilespmem:$0x9800] =	vst v63  }
0x1d8: {  	_ = 	snop  }
0x1d9: {  	[hbm4b:s12+s2] =	stream.indirect_vreg.scatter [tilespmem:s0], [sflag:$0x1], $0x80, v3, vm0, $0xb8;
	[tilespmem:$0x9800] =	vst v63  }
0x1da: {  	_ =	swait.ge [sflag:s3], $0x9000  }
0x1db: {  	[sflag:s3] =	ssyncset.done $0x0  }
0x1dc: {  	s13 =	rddreg [dreg:$0xd];
	[sflag:s3] =	ssyncadd.s32 $0xFFFF7000  }
0x1dd: {  	[tilespmem:s15], [sflag:$0x2] =	stream.linear.gather [hbm4b:s13+s2], $0x9000, $0x38;
	[tilespmem:$0x9800] =	vst v63  }
0x1de: {  	_ =	swait.ge [sflag:s14], $0x9000  }
0x1df: {  	[sflag:s14] =	ssyncset.done $0x0  }
0x1e0: {  	[sflag:s14] =	ssyncadd.s32 $0xFFFF7000  }
0x1e1: {  	v3 =	vld [tilespmem:$0x480];
	_ =	sdelay $0x4  }
0x1e2: {  	v57 =	vshrl.u32 v3, $0x3  }
0x1e3: {  	v4 =	vmul.u32 $0x90, v57  }
0x1e4: {  	v3 =	vand.u32 $0x7, v3  }
0x1e5: {  	v3 =	vor.u32 v3, v4  }
0x1e6: {  	v4 =	vperm.xlane v3, v0;
	_ =	sdelay $0x1  }
0x1e7: {  	v4 =	vadd.s32 v1, v4;
	_ =	sdelay $0x4  }
0x1e8: {  	[hbm4b:s4+s2] =	stream.indirect_vreg.scatter [tilespmem:s15], [sflag:$0x1], $0x80, v4, vm0, $0xb8;
	[tilespmem:$0x9800] =	vst v63  }
0x1e9: {  	_ = 	snop  }
0x1ea: {  	[hbm4b:s5+s2] =	stream.indirect_vreg.scatter [tilespmem:s16], [sflag:$0x1], $0x80, v4, vm0, $0xb8;
	[tilespmem:$0x9800] =	vst v63  }
0x1eb: {  	_ = 	snop  }
0x1ec: {  	[hbm4b:s6+s2] =	stream.indirect_vreg.scatter [tilespmem:s17], [sflag:$0x1], $0x80, v4, vm0, $0xb8;
	[tilespmem:$0x9800] =	vst v63  }
0x1ed: {  	_ = 	snop  }
0x1ee: {  	[hbm4b:s7+s2] =	stream.indirect_vreg.scatter [tilespmem:s18], [sflag:$0x1], $0x80, v4, vm0, $0xb8;
	[tilespmem:$0x9800] =	vst v63  }
0x1ef: {  	_ = 	snop  }
0x1f0: {  	[hbm4b:s8+s2] =	stream.indirect_vreg.scatter [tilespmem:s19], [sflag:$0x1], $0x80, v4, vm0, $0xb8;
	[tilespmem:$0x9800] =	vst v63  }
0x1f1: {  	_ = 	snop  }
0x1f2: {  	[hbm4b:s9+s2] =	stream.indirect_vreg.scatter [tilespmem:s20], [sflag:$0x1], $0x80, v4, vm0, $0xb8;
	[tilespmem:$0x9800] =	vst v63  }
0x1f3: {  	v3 =	vperm.xlane v3, v2  }
0x1f4: {  	[hbm4b:s10+s2] =	stream.indirect_vreg.scatter [tilespmem:s21], [sflag:$0x1], $0x80, v4, vm0, $0xb8;
	[tilespmem:$0x9800] =	vst v63  }
0x1f5: {  	v3 =	vadd.s32 v1, v3  }
0x1f6: {  	[hbm4b:s11+s2] =	stream.indirect_vreg.scatter [tilespmem:s22], [sflag:$0x1], $0x80, v4, vm0, $0xb8;
	[tilespmem:$0x9800] =	vst v63  }
0x1f7: {  	_ = 	snop  }
0x1f8: {  	[hbm4b:s12+s2] =	stream.indirect_vreg.scatter [tilespmem:s23], [sflag:$0x1], $0x80, v4, vm0, $0xb8;
	[tilespmem:$0x9800] =	vst v63  }
0x1f9: {  	_ = 	snop  }
0x1fa: {  	[hbm4b:s4+s2] =	stream.indirect_vreg.scatter [tilespmem:s24], [sflag:$0x1], $0x80, v3, vm0, $0xb8;
	[tilespmem:$0x9800] =	vst v63  }
0x1fb: {  	_ = 	snop  }
0x1fc: {  	[hbm4b:s5+s2] =	stream.indirect_vreg.scatter [tilespmem:s25], [sflag:$0x1], $0x80, v3, vm0, $0xb8;
	[tilespmem:$0x9800] =	vst v63  }
0x1fd: {  	_ = 	snop  }
0x1fe: {  	[hbm4b:s6+s2] =	stream.indirect_vreg.scatter [tilespmem:s26], [sflag:$0x1], $0x80, v3, vm0, $0xb8;
	[tilespmem:$0x9800] =	vst v63  }
0x1ff: {  	_ = 	snop  }
0x200: {  	[hbm4b:s7+s2] =	stream.indirect_vreg.scatter [tilespmem:s28], [sflag:$0x1], $0x80, v3, vm0, $0xb8;
	[tilespmem:$0x9800] =	vst v63  }
0x201: {  	_ = 	snop  }
0x202: {  	[hbm4b:s8+s2] =	stream.indirect_vreg.scatter [tilespmem:s29], [sflag:$0x1], $0x80, v3, vm0, $0xb8;
	[tilespmem:$0x9800] =	vst v63  }
0x203: {  	_ = 	snop  }
0x204: {  	[hbm4b:s9+s2] =	stream.indirect_vreg.scatter [tilespmem:s30], [sflag:$0x1], $0x80, v3, vm0, $0xb8;
	[tilespmem:$0x9800] =	vst v63  }
0x205: {  	_ = 	snop  }
0x206: {  	[hbm4b:s10+s2] =	stream.indirect_vreg.scatter [tilespmem:s31], [sflag:$0x1], $0x80, v3, vm0, $0xb8;
	[tilespmem:$0x9800] =	vst v63  }
0x207: {  	_ = 	snop  }
0x208: {  	[hbm4b:s11+s2] =	stream.indirect_vreg.scatter [tilespmem:s1], [sflag:$0x1], $0x80, v3, vm0, $0xb8;
	[tilespmem:$0x9800] =	vst v63  }
0x209: {  	_ = 	snop  }
0x20a: {  	[hbm4b:s12+s2] =	stream.indirect_vreg.scatter [tilespmem:s0], [sflag:$0x1], $0x80, v3, vm0, $0xb8;
	[tilespmem:$0x9800] =	vst v63  }
0x20b: {  	_ =	swait.ge [sflag:s3], $0x9000  }
0x20c: {  	[sflag:s3] =	ssyncset.done $0x0  }
0x20d: {  	s13 =	rddreg [dreg:$0xe];
	[sflag:s3] =	ssyncadd.s32 $0xFFFF7000  }
0x20e: {  	[tilespmem:s15], [sflag:$0x2] =	stream.linear.gather [hbm4b:s13+s2], $0x9000, $0x38;
	[tilespmem:$0x9800] =	vst v63  }
0x20f: {  	_ =	swait.ge [sflag:s14], $0x9000  }
0x210: {  	[sflag:s14] =	ssyncset.done $0x0  }
0x211: {  	[sflag:s14] =	ssyncadd.s32 $0xFFFF7000  }
0x212: {  	v3 =	vld [tilespmem:$0x500];
	_ =	sdelay $0x4  }
0x213: {  	v58 =	vshrl.u32 v3, $0x3  }
0x214: {  	v4 =	vmul.u32 $0x90, v58  }
0x215: {  	v3 =	vand.u32 $0x7, v3  }
0x216: {  	v3 =	vor.u32 v3, v4  }
0x217: {  	v4 =	vperm.xlane v3, v0;
	_ =	sdelay $0x1  }
0x218: {  	v4 =	vadd.s32 v1, v4;
	_ =	sdelay $0x4  }
0x219: {  	[hbm4b:s4+s2] =	stream.indirect_vreg.scatter [tilespmem:s15], [sflag:$0x1], $0x80, v4, vm0, $0xb8;
	[tilespmem:$0x9800] =	vst v63  }
0x21a: {  	_ = 	snop  }
0x21b: {  	[hbm4b:s5+s2] =	stream.indirect_vreg.scatter [tilespmem:s16], [sflag:$0x1], $0x80, v4, vm0, $0xb8;
	[tilespmem:$0x9800] =	vst v63  }
0x21c: {  	_ = 	snop  }
0x21d: {  	[hbm4b:s6+s2] =	stream.indirect_vreg.scatter [tilespmem:s17], [sflag:$0x1], $0x80, v4, vm0, $0xb8;
	[tilespmem:$0x9800] =	vst v63  }
0x21e: {  	_ = 	snop  }
0x21f: {  	[hbm4b:s7+s2] =	stream.indirect_vreg.scatter [tilespmem:s18], [sflag:$0x1], $0x80, v4, vm0, $0xb8;
	[tilespmem:$0x9800] =	vst v63  }
0x220: {  	_ = 	snop  }
0x221: {  	[hbm4b:s8+s2] =	stream.indirect_vreg.scatter [tilespmem:s19], [sflag:$0x1], $0x80, v4, vm0, $0xb8;
	[tilespmem:$0x9800] =	vst v63  }
0x222: {  	_ = 	snop  }
0x223: {  	[hbm4b:s9+s2] =	stream.indirect_vreg.scatter [tilespmem:s20], [sflag:$0x1], $0x80, v4, vm0, $0xb8;
	[tilespmem:$0x9800] =	vst v63  }
0x224: {  	v3 =	vperm.xlane v3, v2  }
0x225: {  	[hbm4b:s10+s2] =	stream.indirect_vreg.scatter [tilespmem:s21], [sflag:$0x1], $0x80, v4, vm0, $0xb8;
	[tilespmem:$0x9800] =	vst v63  }
0x226: {  	v3 =	vadd.s32 v1, v3  }
0x227: {  	[hbm4b:s11+s2] =	stream.indirect_vreg.scatter [tilespmem:s22], [sflag:$0x1], $0x80, v4, vm0, $0xb8;
	[tilespmem:$0x9800] =	vst v63  }
0x228: {  	_ = 	snop  }
0x229: {  	[hbm4b:s12+s2] =	stream.indirect_vreg.scatter [tilespmem:s23], [sflag:$0x1], $0x80, v4, vm0, $0xb8;
	[tilespmem:$0x9800] =	vst v63  }
0x22a: {  	_ = 	snop  }
0x22b: {  	[hbm4b:s4+s2] =	stream.indirect_vreg.scatter [tilespmem:s24], [sflag:$0x1], $0x80, v3, vm0, $0xb8;
	[tilespmem:$0x9800] =	vst v63  }
0x22c: {  	_ = 	snop  }
0x22d: {  	[hbm4b:s5+s2] =	stream.indirect_vreg.scatter [tilespmem:s25], [sflag:$0x1], $0x80, v3, vm0, $0xb8;
	[tilespmem:$0x9800] =	vst v63  }
0x22e: {  	_ = 	snop  }
0x22f: {  	[hbm4b:s6+s2] =	stream.indirect_vreg.scatter [tilespmem:s26], [sflag:$0x1], $0x80, v3, vm0, $0xb8;
	[tilespmem:$0x9800] =	vst v63  }
0x230: {  	_ = 	snop  }
0x231: {  	[hbm4b:s7+s2] =	stream.indirect_vreg.scatter [tilespmem:s28], [sflag:$0x1], $0x80, v3, vm0, $0xb8;
	[tilespmem:$0x9800] =	vst v63  }
0x232: {  	_ = 	snop  }
0x233: {  	[hbm4b:s8+s2] =	stream.indirect_vreg.scatter [tilespmem:s29], [sflag:$0x1], $0x80, v3, vm0, $0xb8;
	[tilespmem:$0x9800] =	vst v63  }
0x234: {  	_ = 	snop  }
0x235: {  	[hbm4b:s9+s2] =	stream.indirect_vreg.scatter [tilespmem:s30], [sflag:$0x1], $0x80, v3, vm0, $0xb8;
	[tilespmem:$0x9800] =	vst v63  }
0x236: {  	_ = 	snop  }
0x237: {  	[hbm4b:s10+s2] =	stream.indirect_vreg.scatter [tilespmem:s31], [sflag:$0x1], $0x80, v3, vm0, $0xb8;
	[tilespmem:$0x9800] =	vst v63  }
0x238: {  	_ = 	snop  }
0x239: {  	[hbm4b:s11+s2] =	stream.indirect_vreg.scatter [tilespmem:s1], [sflag:$0x1], $0x80, v3, vm0, $0xb8;
	[tilespmem:$0x9800] =	vst v63  }
0x23a: {  	_ = 	snop  }
0x23b: {  	[hbm4b:s12+s2] =	stream.indirect_vreg.scatter [tilespmem:s0], [sflag:$0x1], $0x80, v3, vm0, $0xb8;
	[tilespmem:$0x9800] =	vst v63  }
0x23c: {  	_ =	swait.ge [sflag:s3], $0x9000  }
0x23d: {  	[sflag:s3] =	ssyncset.done $0x0  }
0x23e: {  	s13 =	rddreg [dreg:$0xf];
	[sflag:s3] =	ssyncadd.s32 $0xFFFF7000  }
0x23f: {  	[tilespmem:s15], [sflag:$0x2] =	stream.linear.gather [hbm4b:s13+s2], $0x9000, $0x38;
	[tilespmem:$0x9800] =	vst v63  }
0x240: {  	_ =	swait.ge [sflag:s14], $0x9000  }
0x241: {  	[sflag:s14] =	ssyncset.done $0x0  }
0x242: {  	[sflag:s14] =	ssyncadd.s32 $0xFFFF7000  }
0x243: {  	v3 =	vld [tilespmem:$0x580];
	_ =	sdelay $0x4  }
0x244: {  	v59 =	vshrl.u32 v3, $0x3  }
0x245: {  	v4 =	vmul.u32 $0x90, v59  }
0x246: {  	v3 =	vand.u32 $0x7, v3  }
0x247: {  	v3 =	vor.u32 v3, v4  }
0x248: {  	v4 =	vperm.xlane v3, v0;
	_ =	sdelay $0x1  }
0x249: {  	v4 =	vadd.s32 v1, v4;
	_ =	sdelay $0x4  }
0x24a: {  	[hbm4b:s4+s2] =	stream.indirect_vreg.scatter [tilespmem:s15], [sflag:$0x1], $0x80, v4, vm0, $0xb8;
	[tilespmem:$0x9800] =	vst v63  }
0x24b: {  	_ = 	snop  }
0x24c: {  	[hbm4b:s5+s2] =	stream.indirect_vreg.scatter [tilespmem:s16], [sflag:$0x1], $0x80, v4, vm0, $0xb8;
	[tilespmem:$0x9800] =	vst v63  }
0x24d: {  	_ = 	snop  }
0x24e: {  	[hbm4b:s6+s2] =	stream.indirect_vreg.scatter [tilespmem:s17], [sflag:$0x1], $0x80, v4, vm0, $0xb8;
	[tilespmem:$0x9800] =	vst v63  }
0x24f: {  	_ = 	snop  }
0x250: {  	[hbm4b:s7+s2] =	stream.indirect_vreg.scatter [tilespmem:s18], [sflag:$0x1], $0x80, v4, vm0, $0xb8;
	[tilespmem:$0x9800] =	vst v63  }
0x251: {  	_ = 	snop  }
0x252: {  	[hbm4b:s8+s2] =	stream.indirect_vreg.scatter [tilespmem:s19], [sflag:$0x1], $0x80, v4, vm0, $0xb8;
	[tilespmem:$0x9800] =	vst v63  }
0x253: {  	_ = 	snop  }
0x254: {  	[hbm4b:s9+s2] =	stream.indirect_vreg.scatter [tilespmem:s20], [sflag:$0x1], $0x80, v4, vm0, $0xb8;
	[tilespmem:$0x9800] =	vst v63  }
0x255: {  	v3 =	vperm.xlane v3, v2  }
0x256: {  	[hbm4b:s10+s2] =	stream.indirect_vreg.scatter [tilespmem:s21], [sflag:$0x1], $0x80, v4, vm0, $0xb8;
	[tilespmem:$0x9800] =	vst v63  }
0x257: {  	v3 =	vadd.s32 v1, v3  }
0x258: {  	[hbm4b:s11+s2] =	stream.indirect_vreg.scatter [tilespmem:s22], [sflag:$0x1], $0x80, v4, vm0, $0xb8;
	[tilespmem:$0x9800] =	vst v63  }
0x259: {  	_ = 	snop  }
0x25a: {  	[hbm4b:s12+s2] =	stream.indirect_vreg.scatter [tilespmem:s23], [sflag:$0x1], $0x80, v4, vm0, $0xb8;
	[tilespmem:$0x9800] =	vst v63  }
0x25b: {  	_ = 	snop  }
0x25c: {  	[hbm4b:s4+s2] =	stream.indirect_vreg.scatter [tilespmem:s24], [sflag:$0x1], $0x80, v3, vm0, $0xb8;
	[tilespmem:$0x9800] =	vst v63  }
0x25d: {  	_ = 	snop  }
0x25e: {  	[hbm4b:s5+s2] =	stream.indirect_vreg.scatter [tilespmem:s25], [sflag:$0x1], $0x80, v3, vm0, $0xb8;
	[tilespmem:$0x9800] =	vst v63  }
0x25f: {  	_ = 	snop  }
0x260: {  	[hbm4b:s6+s2] =	stream.indirect_vreg.scatter [tilespmem:s26], [sflag:$0x1], $0x80, v3, vm0, $0xb8;
	[tilespmem:$0x9800] =	vst v63  }
0x261: {  	_ = 	snop  }
0x262: {  	[hbm4b:s7+s2] =	stream.indirect_vreg.scatter [tilespmem:s28], [sflag:$0x1], $0x80, v3, vm0, $0xb8;
	[tilespmem:$0x9800] =	vst v63  }
0x263: {  	_ = 	snop  }
0x264: {  	[hbm4b:s8+s2] =	stream.indirect_vreg.scatter [tilespmem:s29], [sflag:$0x1], $0x80, v3, vm0, $0xb8;
	[tilespmem:$0x9800] =	vst v63  }
0x265: {  	_ = 	snop  }
0x266: {  	[hbm4b:s9+s2] =	stream.indirect_vreg.scatter [tilespmem:s30], [sflag:$0x1], $0x80, v3, vm0, $0xb8;
	[tilespmem:$0x9800] =	vst v63  }
0x267: {  	_ = 	snop  }
0x268: {  	[hbm4b:s10+s2] =	stream.indirect_vreg.scatter [tilespmem:s31], [sflag:$0x1], $0x80, v3, vm0, $0xb8;
	[tilespmem:$0x9800] =	vst v63  }
0x269: {  	_ = 	snop  }
0x26a: {  	[hbm4b:s11+s2] =	stream.indirect_vreg.scatter [tilespmem:s1], [sflag:$0x1], $0x80, v3, vm0, $0xb8;
	[tilespmem:$0x9800] =	vst v63  }
0x26b: {  	_ = 	snop  }
0x26c: {  	[hbm4b:s12+s2] =	stream.indirect_vreg.scatter [tilespmem:s0], [sflag:$0x1], $0x80, v3, vm0, $0xb8;
	[tilespmem:$0x9800] =	vst v63  }
0x26d: {  	_ =	swait.ge [sflag:s3], $0x9000  }
0x26e: {  	[sflag:s3] =	ssyncset.done $0x0  }
0x26f: {  	s13 =	rddreg [dreg:$0x10];
	[sflag:s3] =	ssyncadd.s32 $0xFFFF7000  }
0x270: {  	[tilespmem:s15], [sflag:$0x2] =	stream.linear.gather [hbm4b:s13+s2], $0x9000, $0x38;
	[tilespmem:$0x9800] =	vst v63  }
0x271: {  	_ =	swait.ge [sflag:s14], $0x9000  }
0x272: {  	[sflag:s14] =	ssyncset.done $0x0  }
0x273: {  	[sflag:s14] =	ssyncadd.s32 $0xFFFF7000  }
0x274: {  	v3 =	vld [tilespmem:$0x600];
	_ =	sdelay $0x4  }
0x275: {  	v60 =	vshrl.u32 v3, $0x3  }
0x276: {  	v4 =	vmul.u32 $0x90, v60  }
0x277: {  	v3 =	vand.u32 $0x7, v3  }
0x278: {  	v3 =	vor.u32 v3, v4  }
0x279: {  	v4 =	vperm.xlane v3, v0;
	_ =	sdelay $0x1  }
0x27a: {  	v4 =	vadd.s32 v1, v4;
	_ =	sdelay $0x4  }
0x27b: {  	[hbm4b:s4+s2] =	stream.indirect_vreg.scatter [tilespmem:s15], [sflag:$0x1], $0x80, v4, vm0, $0xb8;
	[tilespmem:$0x9800] =	vst v63  }
0x27c: {  	_ = 	snop  }
0x27d: {  	[hbm4b:s5+s2] =	stream.indirect_vreg.scatter [tilespmem:s16], [sflag:$0x1], $0x80, v4, vm0, $0xb8;
	[tilespmem:$0x9800] =	vst v63  }
0x27e: {  	_ = 	snop  }
0x27f: {  	[hbm4b:s6+s2] =	stream.indirect_vreg.scatter [tilespmem:s17], [sflag:$0x1], $0x80, v4, vm0, $0xb8;
	[tilespmem:$0x9800] =	vst v63  }
0x280: {  	_ = 	snop  }
0x281: {  	[hbm4b:s7+s2] =	stream.indirect_vreg.scatter [tilespmem:s18], [sflag:$0x1], $0x80, v4, vm0, $0xb8;
	[tilespmem:$0x9800] =	vst v63  }
0x282: {  	_ = 	snop  }
0x283: {  	[hbm4b:s8+s2] =	stream.indirect_vreg.scatter [tilespmem:s19], [sflag:$0x1], $0x80, v4, vm0, $0xb8;
	[tilespmem:$0x9800] =	vst v63  }
0x284: {  	_ = 	snop  }
0x285: {  	[hbm4b:s9+s2] =	stream.indirect_vreg.scatter [tilespmem:s20], [sflag:$0x1], $0x80, v4, vm0, $0xb8;
	[tilespmem:$0x9800] =	vst v63  }
0x286: {  	v3 =	vperm.xlane v3, v2  }
0x287: {  	[hbm4b:s10+s2] =	stream.indirect_vreg.scatter [tilespmem:s21], [sflag:$0x1], $0x80, v4, vm0, $0xb8;
	[tilespmem:$0x9800] =	vst v63  }
0x288: {  	v3 =	vadd.s32 v1, v3  }
0x289: {  	[hbm4b:s11+s2] =	stream.indirect_vreg.scatter [tilespmem:s22], [sflag:$0x1], $0x80, v4, vm0, $0xb8;
	[tilespmem:$0x9800] =	vst v63  }
0x28a: {  	_ = 	snop  }
0x28b: {  	[hbm4b:s12+s2] =	stream.indirect_vreg.scatter [tilespmem:s23], [sflag:$0x1], $0x80, v4, vm0, $0xb8;
	[tilespmem:$0x9800] =	vst v63  }
0x28c: {  	_ = 	snop  }
0x28d: {  	[hbm4b:s4+s2] =	stream.indirect_vreg.scatter [tilespmem:s24], [sflag:$0x1], $0x80, v3, vm0, $0xb8;
	[tilespmem:$0x9800] =	vst v63  }
0x28e: {  	_ = 	snop  }
0x28f: {  	[hbm4b:s5+s2] =	stream.indirect_vreg.scatter [tilespmem:s25], [sflag:$0x1], $0x80, v3, vm0, $0xb8;
	[tilespmem:$0x9800] =	vst v63  }
0x290: {  	_ = 	snop  }
0x291: {  	[hbm4b:s6+s2] =	stream.indirect_vreg.scatter [tilespmem:s26], [sflag:$0x1], $0x80, v3, vm0, $0xb8;
	[tilespmem:$0x9800] =	vst v63  }
0x292: {  	_ = 	snop  }
0x293: {  	[hbm4b:s7+s2] =	stream.indirect_vreg.scatter [tilespmem:s28], [sflag:$0x1], $0x80, v3, vm0, $0xb8;
	[tilespmem:$0x9800] =	vst v63  }
0x294: {  	_ = 	snop  }
0x295: {  	[hbm4b:s8+s2] =	stream.indirect_vreg.scatter [tilespmem:s29], [sflag:$0x1], $0x80, v3, vm0, $0xb8;
	[tilespmem:$0x9800] =	vst v63  }
0x296: {  	_ = 	snop  }
0x297: {  	[hbm4b:s9+s2] =	stream.indirect_vreg.scatter [tilespmem:s30], [sflag:$0x1], $0x80, v3, vm0, $0xb8;
	[tilespmem:$0x9800] =	vst v63  }
0x298: {  	_ = 	snop  }
0x299: {  	[hbm4b:s10+s2] =	stream.indirect_vreg.scatter [tilespmem:s31], [sflag:$0x1], $0x80, v3, vm0, $0xb8;
	[tilespmem:$0x9800] =	vst v63  }
0x29a: {  	_ = 	snop  }
0x29b: {  	[hbm4b:s11+s2] =	stream.indirect_vreg.scatter [tilespmem:s1], [sflag:$0x1], $0x80, v3, vm0, $0xb8;
	[tilespmem:$0x9800] =	vst v63  }
0x29c: {  	_ = 	snop  }
0x29d: {  	[hbm4b:s12+s2] =	stream.indirect_vreg.scatter [tilespmem:s0], [sflag:$0x1], $0x80, v3, vm0, $0xb8;
	[tilespmem:$0x9800] =	vst v63  }
0x29e: {  	_ =	swait.ge [sflag:s3], $0x9000  }
0x29f: {  	[sflag:s3] =	ssyncset.done $0x0  }
0x2a0: {  	s13 =	rddreg [dreg:$0x11];
	[sflag:s3] =	ssyncadd.s32 $0xFFFF7000  }
0x2a1: {  	[tilespmem:s15], [sflag:$0x2] =	stream.linear.gather [hbm4b:s13+s2], $0x9000, $0x38;
	[tilespmem:$0x9800] =	vst v63  }
0x2a2: {  	_ =	swait.ge [sflag:s14], $0x9000  }
0x2a3: {  	[sflag:s14] =	ssyncset.done $0x0  }
0x2a4: {  	[sflag:s14] =	ssyncadd.s32 $0xFFFF7000  }
0x2a5: {  	v3 =	vld [tilespmem:$0x680];
	_ =	sdelay $0x4  }
0x2a6: {  	v61 =	vshrl.u32 v3, $0x3  }
0x2a7: {  	v4 =	vmul.u32 $0x90, v61  }
0x2a8: {  	v3 =	vand.u32 $0x7, v3  }
0x2a9: {  	v3 =	vor.u32 v3, v4  }
0x2aa: {  	v4 =	vperm.xlane v3, v0;
	_ =	sdelay $0x1  }
0x2ab: {  	v4 =	vadd.s32 v1, v4;
	_ =	sdelay $0x4  }
0x2ac: {  	[hbm4b:s4+s2] =	stream.indirect_vreg.scatter [tilespmem:s15], [sflag:$0x1], $0x80, v4, vm0, $0xb8;
	[tilespmem:$0x9800] =	vst v63  }
0x2ad: {  	_ = 	snop  }
0x2ae: {  	[hbm4b:s5+s2] =	stream.indirect_vreg.scatter [tilespmem:s16], [sflag:$0x1], $0x80, v4, vm0, $0xb8;
	[tilespmem:$0x9800] =	vst v63  }
0x2af: {  	_ = 	snop  }
0x2b0: {  	[hbm4b:s6+s2] =	stream.indirect_vreg.scatter [tilespmem:s17], [sflag:$0x1], $0x80, v4, vm0, $0xb8;
	[tilespmem:$0x9800] =	vst v63  }
0x2b1: {  	_ = 	snop  }
0x2b2: {  	[hbm4b:s7+s2] =	stream.indirect_vreg.scatter [tilespmem:s18], [sflag:$0x1], $0x80, v4, vm0, $0xb8;
	[tilespmem:$0x9800] =	vst v63  }
0x2b3: {  	_ = 	snop  }
0x2b4: {  	[hbm4b:s8+s2] =	stream.indirect_vreg.scatter [tilespmem:s19], [sflag:$0x1], $0x80, v4, vm0, $0xb8;
	[tilespmem:$0x9800] =	vst v63  }
0x2b5: {  	_ = 	snop  }
0x2b6: {  	[hbm4b:s9+s2] =	stream.indirect_vreg.scatter [tilespmem:s20], [sflag:$0x1], $0x80, v4, vm0, $0xb8;
	[tilespmem:$0x9800] =	vst v63  }
0x2b7: {  	v3 =	vperm.xlane v3, v2  }
0x2b8: {  	[hbm4b:s10+s2] =	stream.indirect_vreg.scatter [tilespmem:s21], [sflag:$0x1], $0x80, v4, vm0, $0xb8;
	[tilespmem:$0x9800] =	vst v63  }
0x2b9: {  	v3 =	vadd.s32 v1, v3  }
0x2ba: {  	[hbm4b:s11+s2] =	stream.indirect_vreg.scatter [tilespmem:s22], [sflag:$0x1], $0x80, v4, vm0, $0xb8;
	[tilespmem:$0x9800] =	vst v63  }
0x2bb: {  	_ = 	snop  }
0x2bc: {  	[hbm4b:s12+s2] =	stream.indirect_vreg.scatter [tilespmem:s23], [sflag:$0x1], $0x80, v4, vm0, $0xb8;
	[tilespmem:$0x9800] =	vst v63  }
0x2bd: {  	_ = 	snop  }
0x2be: {  	[hbm4b:s4+s2] =	stream.indirect_vreg.scatter [tilespmem:s24], [sflag:$0x1], $0x80, v3, vm0, $0xb8;
	[tilespmem:$0x9800] =	vst v63  }
0x2bf: {  	_ = 	snop  }
0x2c0: {  	[hbm4b:s5+s2] =	stream.indirect_vreg.scatter [tilespmem:s25], [sflag:$0x1], $0x80, v3, vm0, $0xb8;
	[tilespmem:$0x9800] =	vst v63  }
0x2c1: {  	_ = 	snop  }
0x2c2: {  	[hbm4b:s6+s2] =	stream.indirect_vreg.scatter [tilespmem:s26], [sflag:$0x1], $0x80, v3, vm0, $0xb8;
	[tilespmem:$0x9800] =	vst v63  }
0x2c3: {  	_ = 	snop  }
0x2c4: {  	[hbm4b:s7+s2] =	stream.indirect_vreg.scatter [tilespmem:s28], [sflag:$0x1], $0x80, v3, vm0, $0xb8;
	[tilespmem:$0x9800] =	vst v63  }
0x2c5: {  	_ = 	snop  }
0x2c6: {  	[hbm4b:s8+s2] =	stream.indirect_vreg.scatter [tilespmem:s29], [sflag:$0x1], $0x80, v3, vm0, $0xb8;
	[tilespmem:$0x9800] =	vst v63  }
0x2c7: {  	_ = 	snop  }
0x2c8: {  	[hbm4b:s9+s2] =	stream.indirect_vreg.scatter [tilespmem:s30], [sflag:$0x1], $0x80, v3, vm0, $0xb8;
	[tilespmem:$0x9800] =	vst v63  }
0x2c9: {  	_ = 	snop  }
0x2ca: {  	[hbm4b:s10+s2] =	stream.indirect_vreg.scatter [tilespmem:s31], [sflag:$0x1], $0x80, v3, vm0, $0xb8;
	[tilespmem:$0x9800] =	vst v63  }
0x2cb: {  	_ = 	snop  }
0x2cc: {  	[hbm4b:s11+s2] =	stream.indirect_vreg.scatter [tilespmem:s1], [sflag:$0x1], $0x80, v3, vm0, $0xb8;
	[tilespmem:$0x9800] =	vst v63  }
0x2cd: {  	_ = 	snop  }
0x2ce: {  	[hbm4b:s12+s2] =	stream.indirect_vreg.scatter [tilespmem:s0], [sflag:$0x1], $0x80, v3, vm0, $0xb8;
	[tilespmem:$0x9800] =	vst v63  }
0x2cf: {  	_ =	swait.ge [sflag:s3], $0x9000  }
0x2d0: {  	[sflag:s3] =	ssyncset.done $0x0  }
0x2d1: {  	s13 =	rddreg [dreg:$0x12];
	[sflag:s3] =	ssyncadd.s32 $0xFFFF7000  }
0x2d2: {  	[tilespmem:s15], [sflag:$0x2] =	stream.linear.gather [hbm4b:s13+s2], $0x9000, $0x38;
	[tilespmem:$0x9800] =	vst v63  }
0x2d3: {  	_ =	swait.ge [sflag:s14], $0x9000  }
0x2d4: {  	[sflag:s14] =	ssyncset.done $0x0  }
0x2d5: {  	[sflag:s14] =	ssyncadd.s32 $0xFFFF7000  }
0x2d6: {  	v3 =	vld [tilespmem:$0x700];
	_ =	sdelay $0x4  }
0x2d7: {  	v62 =	vshrl.u32 v3, $0x3  }
0x2d8: {  	v4 =	vmul.u32 $0x90, v62  }
0x2d9: {  	v3 =	vand.u32 $0x7, v3  }
0x2da: {  	v3 =	vor.u32 v3, v4  }
0x2db: {  	v4 =	vperm.xlane v3, v0;
	_ =	sdelay $0x1  }
0x2dc: {  	v4 =	vadd.s32 v1, v4;
	_ =	sdelay $0x4  }
0x2dd: {  	[hbm4b:s4+s2] =	stream.indirect_vreg.scatter [tilespmem:s15], [sflag:$0x1], $0x80, v4, vm0, $0xb8;
	[tilespmem:$0x9800] =	vst v63  }
0x2de: {  	_ = 	snop  }
0x2df: {  	[hbm4b:s5+s2] =	stream.indirect_vreg.scatter [tilespmem:s16], [sflag:$0x1], $0x80, v4, vm0, $0xb8;
	[tilespmem:$0x9800] =	vst v63  }
0x2e0: {  	_ = 	snop  }
0x2e1: {  	[hbm4b:s6+s2] =	stream.indirect_vreg.scatter [tilespmem:s17], [sflag:$0x1], $0x80, v4, vm0, $0xb8;
	[tilespmem:$0x9800] =	vst v63  }
0x2e2: {  	_ = 	snop  }
0x2e3: {  	[hbm4b:s7+s2] =	stream.indirect_vreg.scatter [tilespmem:s18], [sflag:$0x1], $0x80, v4, vm0, $0xb8;
	[tilespmem:$0x9800] =	vst v63  }
0x2e4: {  	_ = 	snop  }
0x2e5: {  	[hbm4b:s8+s2] =	stream.indirect_vreg.scatter [tilespmem:s19], [sflag:$0x1], $0x80, v4, vm0, $0xb8;
	[tilespmem:$0x9800] =	vst v63  }
0x2e6: {  	_ = 	snop  }
0x2e7: {  	[hbm4b:s9+s2] =	stream.indirect_vreg.scatter [tilespmem:s20], [sflag:$0x1], $0x80, v4, vm0, $0xb8;
	[tilespmem:$0x9800] =	vst v63  }
0x2e8: {  	v3 =	vperm.xlane v3, v2  }
0x2e9: {  	[hbm4b:s10+s2] =	stream.indirect_vreg.scatter [tilespmem:s21], [sflag:$0x1], $0x80, v4, vm0, $0xb8;
	[tilespmem:$0x9800] =	vst v63  }
0x2ea: {  	v3 =	vadd.s32 v1, v3  }
0x2eb: {  	[hbm4b:s11+s2] =	stream.indirect_vreg.scatter [tilespmem:s22], [sflag:$0x1], $0x80, v4, vm0, $0xb8;
	[tilespmem:$0x9800] =	vst v63  }
0x2ec: {  	_ = 	snop  }
0x2ed: {  	[hbm4b:s12+s2] =	stream.indirect_vreg.scatter [tilespmem:s23], [sflag:$0x1], $0x80, v4, vm0, $0xb8;
	[tilespmem:$0x9800] =	vst v63  }
0x2ee: {  	_ = 	snop  }
0x2ef: {  	[hbm4b:s4+s2] =	stream.indirect_vreg.scatter [tilespmem:s24], [sflag:$0x1], $0x80, v3, vm0, $0xb8;
	[tilespmem:$0x9800] =	vst v63  }
0x2f0: {  	_ = 	snop  }
0x2f1: {  	[hbm4b:s5+s2] =	stream.indirect_vreg.scatter [tilespmem:s25], [sflag:$0x1], $0x80, v3, vm0, $0xb8;
	[tilespmem:$0x9800] =	vst v63  }
0x2f2: {  	_ = 	snop  }
0x2f3: {  	[hbm4b:s6+s2] =	stream.indirect_vreg.scatter [tilespmem:s26], [sflag:$0x1], $0x80, v3, vm0, $0xb8;
	[tilespmem:$0x9800] =	vst v63  }
0x2f4: {  	_ = 	snop  }
0x2f5: {  	[hbm4b:s7+s2] =	stream.indirect_vreg.scatter [tilespmem:s28], [sflag:$0x1], $0x80, v3, vm0, $0xb8;
	[tilespmem:$0x9800] =	vst v63  }
0x2f6: {  	_ = 	snop  }
0x2f7: {  	[hbm4b:s8+s2] =	stream.indirect_vreg.scatter [tilespmem:s29], [sflag:$0x1], $0x80, v3, vm0, $0xb8;
	[tilespmem:$0x9800] =	vst v63  }
0x2f8: {  	_ = 	snop  }
0x2f9: {  	[hbm4b:s9+s2] =	stream.indirect_vreg.scatter [tilespmem:s30], [sflag:$0x1], $0x80, v3, vm0, $0xb8;
	[tilespmem:$0x9800] =	vst v63  }
0x2fa: {  	_ = 	snop  }
0x2fb: {  	[hbm4b:s10+s2] =	stream.indirect_vreg.scatter [tilespmem:s31], [sflag:$0x1], $0x80, v3, vm0, $0xb8;
	[tilespmem:$0x9800] =	vst v63  }
0x2fc: {  	_ = 	snop  }
0x2fd: {  	[hbm4b:s11+s2] =	stream.indirect_vreg.scatter [tilespmem:s1], [sflag:$0x1], $0x80, v3, vm0, $0xb8;
	[tilespmem:$0x9800] =	vst v63  }
0x2fe: {  	_ = 	snop  }
0x2ff: {  	[hbm4b:s12+s2] =	stream.indirect_vreg.scatter [tilespmem:s0], [sflag:$0x1], $0x80, v3, vm0, $0xb8;
	[tilespmem:$0x9800] =	vst v63  }
0x300: {  	_ =	swait.ge [sflag:s3], $0x9000  }
0x301: {  	[sflag:s3] =	ssyncset.done $0x0  }
0x302: {  	s13 =	rddreg [dreg:$0x13];
	[sflag:s3] =	ssyncadd.s32 $0xFFFF7000  }
0x303: {  	[tilespmem:s15], [sflag:$0x2] =	stream.linear.gather [hbm4b:s13+s2], $0x9000, $0x38;
	[tilespmem:$0x9800] =	vst v63  }
0x304: {  	s13 =	rddreg [dreg:$0x15];
	_ =	swait.ge [sflag:s14], $0x9000  }
0x305: {  	[sflag:s14] =	ssyncset.done $0x0  }
0x306: {  	[sflag:s14] =	ssyncadd.s32 $0xFFFF7000  }
0x307: {  	v3 =	vld [tilespmem:$0x780];
	_ =	sdelay $0x4  }
0x308: {  	v63 =	vshrl.u32 v3, $0x3  }
0x309: {  	v4 =	vmul.u32 $0x90, v63  }
0x30a: {  	v3 =	vand.u32 $0x7, v3  }
0x30b: {  	v3 =	vor.u32 v3, v4  }
0x30c: {  	v4 =	vperm.xlane v3, v0;
	_ =	sdelay $0x1  }
0x30d: {  	v4 =	vadd.s32 v1, v4;
	_ =	sdelay $0x4  }
0x30e: {  	[hbm4b:s4+s2] =	stream.indirect_vreg.scatter [tilespmem:s15], [sflag:$0x1], $0x80, v4, vm0, $0xb8;
	[tilespmem:$0x9800] =	vst v63  }
0x30f: {  	_ = 	snop  }
0x310: {  	[hbm4b:s5+s2] =	stream.indirect_vreg.scatter [tilespmem:s16], [sflag:$0x1], $0x80, v4, vm0, $0xb8;
	[tilespmem:$0x9800] =	vst v63  }
0x311: {  	_ = 	snop  }
0x312: {  	[hbm4b:s6+s2] =	stream.indirect_vreg.scatter [tilespmem:s17], [sflag:$0x1], $0x80, v4, vm0, $0xb8;
	[tilespmem:$0x9800] =	vst v63  }
0x313: {  	_ = 	snop  }
0x314: {  	[hbm4b:s7+s2] =	stream.indirect_vreg.scatter [tilespmem:s18], [sflag:$0x1], $0x80, v4, vm0, $0xb8;
	[tilespmem:$0x9800] =	vst v63  }
0x315: {  	_ = 	snop  }
0x316: {  	[hbm4b:s8+s2] =	stream.indirect_vreg.scatter [tilespmem:s19], [sflag:$0x1], $0x80, v4, vm0, $0xb8;
	[tilespmem:$0x9800] =	vst v63  }
0x317: {  	_ = 	snop  }
0x318: {  	[hbm4b:s9+s2] =	stream.indirect_vreg.scatter [tilespmem:s20], [sflag:$0x1], $0x80, v4, vm0, $0xb8;
	[tilespmem:$0x9800] =	vst v63  }
0x319: {  	v3 =	vperm.xlane v3, v2  }
0x31a: {  	[hbm4b:s10+s2] =	stream.indirect_vreg.scatter [tilespmem:s21], [sflag:$0x1], $0x80, v4, vm0, $0xb8;
	[tilespmem:$0x9800] =	vst v63  }
0x31b: {  	v3 =	vadd.s32 v1, v3  }
0x31c: {  	[hbm4b:s11+s2] =	stream.indirect_vreg.scatter [tilespmem:s22], [sflag:$0x1], $0x80, v4, vm0, $0xb8;
	[tilespmem:$0x9800] =	vst v63  }
0x31d: {  	_ = 	snop  }
0x31e: {  	[hbm4b:s12+s2] =	stream.indirect_vreg.scatter [tilespmem:s23], [sflag:$0x1], $0x80, v4, vm0, $0xb8;
	[tilespmem:$0x9800] =	vst v63  }
0x31f: {  	_ = 	snop  }
0x320: {  	[hbm4b:s4+s2] =	stream.indirect_vreg.scatter [tilespmem:s24], [sflag:$0x1], $0x80, v3, vm0, $0xb8;
	[tilespmem:$0x9800] =	vst v63  }
0x321: {  	_ = 	snop  }
0x322: {  	[hbm4b:s5+s2] =	stream.indirect_vreg.scatter [tilespmem:s25], [sflag:$0x1], $0x80, v3, vm0, $0xb8;
	[tilespmem:$0x9800] =	vst v63  }
0x323: {  	_ = 	snop  }
0x324: {  	[hbm4b:s6+s2] =	stream.indirect_vreg.scatter [tilespmem:s26], [sflag:$0x1], $0x80, v3, vm0, $0xb8;
	[tilespmem:$0x9800] =	vst v63  }
0x325: {  	_ = 	snop  }
0x326: {  	[hbm4b:s7+s2] =	stream.indirect_vreg.scatter [tilespmem:s28], [sflag:$0x1], $0x80, v3, vm0, $0xb8;
	[tilespmem:$0x9800] =	vst v63  }
0x327: {  	_ = 	snop  }
0x328: {  	[hbm4b:s8+s2] =	stream.indirect_vreg.scatter [tilespmem:s29], [sflag:$0x1], $0x80, v3, vm0, $0xb8;
	[tilespmem:$0x9800] =	vst v63  }
0x329: {  	_ = 	snop  }
0x32a: {  	[hbm4b:s9+s2] =	stream.indirect_vreg.scatter [tilespmem:s30], [sflag:$0x1], $0x80, v3, vm0, $0xb8;
	[tilespmem:$0x9800] =	vst v63  }
0x32b: {  	_ = 	snop  }
0x32c: {  	[hbm4b:s10+s2] =	stream.indirect_vreg.scatter [tilespmem:s31], [sflag:$0x1], $0x80, v3, vm0, $0xb8;
	[tilespmem:$0x9800] =	vst v63  }
0x32d: {  	p0 =	sne.s32 s13, $0x1  }
0x32e: {  	[hbm4b:s11+s2] =	stream.indirect_vreg.scatter [tilespmem:s1], [sflag:$0x1], $0x80, v3, vm0, $0xb8;
	[tilespmem:$0x9800] =	vst v63  }
.Ltmp0:
0x32f: {  	_ = 	snop;
	(pc) =	sbr.rel @p0 .LBB2_1-.Ltmp0, $4  }
0x330: {  	[hbm4b:s12+s2] =	stream.indirect_vreg.scatter [tilespmem:s0], [sflag:$0x1], $0x80, v3, vm0, $0xb8;
	[tilespmem:$0x9800] =	vst v63  }
0x331: {  	_ =	swait.ge [sflag:s3], $0x9000  }
0x332: {  	[sflag:s3] =	ssyncset.done $0x0  }
0x333: {  	s13 =	sadd.s32 $0xFFFFFFFF, s13;
	[sflag:s3] =	ssyncadd.s32 $0xFFFF7000  }
0x334: {  	_ =	sfence.sel $0x180000  }
0x335: {  	[bflag:$0x0] =	sbarrier.arrive $0xFFFF  }
0x336: {  	_ =	strace $0x90000047  }
0x337: {  	s0 =	stileid.u32;
	[bflag:$0x2] =	sbarrier.arrive $0xFFFF  }
0x338: {  	p0 =	sne.s32 s0, $0x0;
	s0 =	rddreg [dreg:$0x3]  }
0x339: {  	s0 =	sadd.s32 @!p0 $0x100000, s0  }
0x33a: {  	[sflag:s0] =	ssyncadd.tile.s32 @!p0 $0x1;
	_ =	shalt  }
.Lfunc_end2:
_tile_overlayer_lowered:
.L_overlay_start_2:
0x33b: {  	(tag) =	ssettag $0x2  }
0x33c: {  	s0 =	rddreg [dreg:$0x0];
	s2 =	stileid.u32  }
0x33d: {  	s1 =	rddreg [dreg:$0x1];
	p0 =	sne.s32 s2, $0x0  }
0x33e: {  	s3 =	rddreg [dreg:$0x2];
	[bflag:$0x3] =	sbarrier.arrive $0xFFFF;
	s2 =	simm.s32 @!p0 $0x1C02  }
0x33f: {  	[timem:s3], [sflag:s2] =	dma.local @!p0 [hbm:s0], s1  }
0x340: {  	s0 =	simm.s32 @!p0 $0x2  }
0x341: {  	_ =	swait.ge @!p0 [sflag:s0], s1  }
0x342: {  	s1 =	ssub.s32 @!p0 $0x0, s1;
	[sflag:s0] =	ssyncset.done @!p0 $0x0  }
0x343: {  	[sflag:s0] =	ssyncadd.s32 @!p0 s1  }
0x344: {  	[bflag:$0x3] =	sbarrier.arrive $0xFFFF  }
0x345: {  	_ =	shalt  }

// kernel: kernel.9.cloned.1.call-start
scs
__scs_entry_jumppad:
0x0: {  	(pc) =	sbr.rel $0x88, $3  }
0x1: {  	(tag) =	ssettag $0x0;
	lr =	simm.s32 $0x1  }
0x2: {  	[smem:$0x3F9C] =	sst lr;
	_ =	strace $0xD0000000  }
0x3: {  	_ = 	snop  }
0x4: {  	_ = 	snop  }
0x5: {  	_ = 	snop  }
0x6: {  	_ = 	snop  }
0x7: {  	_ = 	snop  }
__scs_overlays_trampoline_lowered:
0x8: {  	[smem:$0x3FAB] =	sst s0  }
0x9: {  	[smem:$0x3FAC] =	sst s1  }
0xa: {  	[smem:$0x3FAD] =	sst s2  }
0xb: {  	[smem:$0x3FAE] =	sst s3  }
0xc: {  	[smem:$0x3FAF] =	sst s4  }
0xd: {  	[smem:$0x3FB0] =	sst s5  }
0xe: {  	[smem:$0x3FB1] =	sst s6  }
0xf: {  	[smem:$0x3FB2] =	sst s7  }
0x10: {  	[smem:$0x3FB3] =	sst s8  }
0x11: {  	[smem:$0x3FB4] =	sst s9;
	s0 =	simm.s32 @!p0 $0x0  }
0x12: {  	s1 =	sld [smem:$0x3F9A];
	s0 =	simm.s32 @p0 $0x1  }
0x13: {  	[smem:$0x3FB5] =	sst s0;
	s0 =	simm.s32 @!p1 $0x0  }
0x14: {  	s2 =	sld [smem:$0x3F99];
	s0 =	simm.s32 @p1 $0x1  }
0x15: {  	[smem:$0x3FB6] =	sst s0;
	s0 =	simm.s32 @!p2 $0x0  }
0x16: {  	s3 =	sld [smem:$0x3FDB];
	s0 =	simm.s32 @p2 $0x1  }
0x17: {  	s4 =	simm.s32 $0x1BF5;
	[smem:$0x3FB8] =	sst s0  }
0x18: {  	s0 =	sld [smem:$0x3F9B];
	_ =	swait.ge [sflag:s4], $0x0  }
0x19: {  	s7 =	sld [smem:$0x3F9C]  }
0x1a: {  	s8 =	sadd.s32 $0xFFFFE003, lr  }
0x1b: {  	s9 =	sadd.s32 $0xFFFFFEF7, lr;
	s5 =	simm.s32 $0xFFFFFFFF;
	p2 =	slt.u32 s8, $0xFFFFF086  }
0x1c: {  	p1 =	slt.u32 s9, $0xF7A;
	s5 =	simm.s32 @!p2 $0x0  }
0x1d: {  	s5 =	simm.s32 @p1 $0x1;
	p0 =	seq.s32 s7, s2  }
0x1e: {  	s7 =	smul.u32 @!p0 $0xF7A, s2;
	p2 =	seq.s32 @!p0 s5, $0x0  }
0x1f: {  	s9 =	smul.u32 $0xF7A, s1;
	s8 =	simm.s32 @!p0 $0x1BF5;
	p2 =	por !p2, p0  }
0x20: {  	[sflag:s8] =	ssyncset.s32 @!p0 $0xFFFFF086;
	s6 =	sadd.s32 @!p0 s3, s7;
	s7 =	simm.s32 @!p0 $0x108  }
0x21: {  	s3 =	sadd.s32 s3, s9;
	s6 =	sadd.s32 @!p0 $0x88, s6;
	s7 =	simm.s32 @p2 $0x1082  }
0x22: {  	[simem:s7], [sflag:s8] =	dma.local @!p0 [hbm:s6], $0xF7A  }
0x23: {  	s9 =	sor.u32 $0xD0000000, s2;
	s6 =	simm.s32 $0x108;
	_ =	swait.ge @!p0 [sflag:s8], $0x0  }
0x24: {  	s3 =	sadd.s32 $0x88, s3;
	s6 =	simm.s32 @!p1 $0x1082;
	[sflag:s4] =	ssyncset.s32 $0xFFFFF086  }
0x25: {  	[simem:s6], [sflag:s4] =	dma.local [hbm:s3], $0xF7A  }
0x26: {  	[smem:$0x3F9C] =	sst s1;
	(tag) =	ssettag s2;
	_ =	strace s9  }
0x27: {  	s1 =	sld [smem:$0x3FAC]  }
0x28: {  	s2 =	sld [smem:$0x3FAD]  }
0x29: {  	s4 =	sld [smem:$0x3FAF]  }
0x2a: {  	p0 =	seq.s32 s5, $0x0;
	s5 =	sld [smem:$0x3FB0]  }
0x2b: {  	s6 =	sld [smem:$0x3FB1]  }
0x2c: {  	s7 =	sld [smem:$0x3FB2]  }
0x2d: {  	s3 =	simm.s32 $0x108;
	s8 =	sld [smem:$0x3FB3]  }
0x2e: {  	s3 =	simm.s32 @!p0 $0x1082;
	s9 =	sld [smem:$0x3FB4]  }
0x2f: {  	lr =	sadd.s32 s0, s3;
	s0 =	sld [smem:$0x3FAB]  }
0x30: {  	s3 =	sld [smem:$0x3FAE]  }
0x31: {  	[smem:$0x3FB7] =	sst s10  }
0x32: {  	s10 =	sld [smem:$0x3FB5];
	_ =	sdelay $0x3  }
0x33: {  	p0 =	seq.s32 s10, $0x1;
	s10 =	sld [smem:$0x3FB7];
	_ =	sdelay $0x3  }
0x34: {  	[smem:$0x3FB7] =	sst s10  }
0x35: {  	s10 =	sld [smem:$0x3FB6];
	_ =	sdelay $0x3  }
0x36: {  	p1 =	seq.s32 s10, $0x1;
	s10 =	sld [smem:$0x3FB7];
	_ =	sdelay $0x3  }
0x37: {  	[smem:$0x3FB7] =	sst s10  }
0x38: {  	s10 =	sld [smem:$0x3FB8]  }
0x39: {  	_ = 	snop;
	(pc) =	sbr.ind lr, $3  }
0x3a: {  	_ = 	snop  }
0x3b: {  	_ = 	snop  }
0x3c: {  	p2 =	seq.s32 s10, $0x1;
	s10 =	sld [smem:$0x3FB7]  }
0x3d: {  	_ =	shalt  }
0x3e: {  	_ =	shalt  }
0x3f: {  	_ =	shalt  }
0x40: {  	_ =	shalt  }
0x41: {  	_ =	shalt  }
0x42: {  	_ =	shalt  }
0x43: {  	_ =	shalt  }
0x44: {  	_ =	shalt  }
0x45: {  	_ =	shalt  }
0x46: {  	_ =	shalt  }
0x47: {  	_ =	shalt  }
0x48: {  	_ =	shalt  }
0x49: {  	_ =	shalt  }
0x4a: {  	_ =	shalt  }
0x4b: {  	_ =	shalt  }
0x4c: {  	_ =	shalt  }
0x4d: {  	_ =	shalt  }
0x4e: {  	_ =	shalt  }
0x4f: {  	_ =	shalt  }
0x50: {  	_ =	shalt  }
0x51: {  	_ =	shalt  }
0x52: {  	_ =	shalt  }
0x53: {  	_ =	shalt  }
0x54: {  	_ =	shalt  }
0x55: {  	_ =	shalt  }
0x56: {  	_ =	shalt  }
0x57: {  	_ =	shalt  }
0x58: {  	_ =	shalt  }
0x59: {  	_ =	shalt  }
0x5a: {  	_ =	shalt  }
0x5b: {  	_ =	shalt  }
0x5c: {  	_ =	shalt  }
0x5d: {  	_ =	shalt  }
0x5e: {  	_ =	shalt  }
0x5f: {  	_ =	shalt  }
0x60: {  	_ =	shalt  }
0x61: {  	_ =	shalt  }
0x62: {  	_ =	shalt  }
0x63: {  	_ =	shalt  }
0x64: {  	_ =	shalt  }
0x65: {  	_ =	shalt  }
0x66: {  	_ =	shalt  }
0x67: {  	_ =	shalt  }
0x68: {  	_ =	shalt  }
0x69: {  	_ =	shalt  }
0x6a: {  	_ =	shalt  }
0x6b: {  	_ =	shalt  }
0x6c: {  	_ =	shalt  }
0x6d: {  	_ =	shalt  }
0x6e: {  	_ =	shalt  }
0x6f: {  	_ =	shalt  }
0x70: {  	_ =	shalt  }
0x71: {  	_ =	shalt  }
0x72: {  	_ =	shalt  }
0x73: {  	_ =	shalt  }
0x74: {  	_ =	shalt  }
0x75: {  	_ =	shalt  }
0x76: {  	_ =	shalt  }
0x77: {  	_ =	shalt  }
0x78: {  	_ =	shalt  }
0x79: {  	_ =	shalt  }
0x7a: {  	_ =	shalt  }
0x7b: {  	_ =	shalt  }
0x7c: {  	_ =	shalt  }
0x7d: {  	_ =	shalt  }
0x7e: {  	_ =	shalt  }
0x7f: {  	_ =	shalt  }
0x80: {  	_ =	shalt  }
0x81: {  	_ =	shalt  }
0x82: {  	_ =	shalt  }
0x83: {  	_ =	shalt  }
0x84: {  	_ =	shalt  }
0x85: {  	_ =	shalt  }
0x86: {  	_ =	shalt  }
0x87: {  	_ =	shalt  }
.Lfunc_end0:
.L_simem_size_0:
called_computation.1_lowered:
.L_overlay_start_0:
0x88: {  	s2 =	sld [smem:$0x3FD9]  }
0x89: {  	s3 =	sld [smem:$0x3FFE];
	_ =	sdelay $0x1  }
0x8a: {  	s1 =	srdreg.scid  }
0x8b: {  	s0 =	sand.u32 $0x1, s1  }
0x8c: {  	s17 =	sshll.u32 s0, $0xA;
	s2 =	sadd.s32 s3, s2  }
0x8d: {  	s2 =	sadd.s32 s2, s17  }
0x8e: {  	[smem:$0x3FC3] =	sst s2  }
0x8f: {  	_ = 	snop  }
0x90: {  	s2 =	sld [smem:$0x3FD0];
	(tm) =	ssettm $0x1  }
0x91: {  	s18 =	sld [smem:$0x3FFB];
	_ =	sdelay $0x3  }
0x92: {  	_ =	strace s18  }
0x93: {  	s3 =	sld [smem:$0x3FFC];
	_ =	sdelay $0x3  }
0x94: {  	_ =	strace s3  }
0x95: {  	s3 =	sld [smem:$0x3FFD];
	_ =	sdelay $0x3  }
0x96: {  	_ =	strace s3  }
0x97: {  	_ =	strace $0x8FFFFFFF  }
0x98: {  	s19 =	sld [smem:$0x3FDB];
	_ =	sdelay $0x1  }
0x99: {  	s4 =	simm.s32 $_scs_section_size  }
0x9a: {  	s5 =	simm.s32 $_size__tile_overlayer_lowered;
	s6 =	simm.s32 $_tile_overlayer_lowered  }
0x9b: {  	s22 =	simm.s32 $0x1BFF;
	s21 =	sshll.u32 s6, $0x1;
	s3 =	sadd.s32 s4, s19  }
0x9c: {  	s7 =	simm.s32 $0x0;
	s20 =	sshll.u32 s5, $0x1;
	s5 =	sadd.s32 s21, s3  }
0x9d: {  	[timem:s7], [sflag:s22] =	dma.local [hbm:s5], s20  }
0x9e: {  	_ =	swait.ge [sflag:s22], s20  }
0x9f: {  	s4 =	ssub.s32 $0x0, s20;
	[sflag:s22] =	ssyncset.done $0x0  }
0xa0: {  	[sflag:s22] =	ssyncadd.s32 s4;
	_ =	sdelay $0x1  }
0xa1: {  	s23 =	simm.s32 $0x1B8B  }
0xa2: {  	_ =	swait.ge [sflag:s23], $0x1  }
0xa3: {  	[sflag:s23] =	ssyncset.done $0x0  }
0xa4: {  	s25 =	simm.s32 $0x1B8E;
	s24 =	sld [smem:$0x3FFE];
	[sflag:s23] =	ssyncadd.s32 $0xFFFFFFFF  }
0xa5: {  	s26 =	simm.s32 $execute0_lowered;
	[smem:$0x3FD2] =	sst s25  }
0xa6: {  	s5 =	sshll.u32 s26, $0x1;
	_ =	strace $0x80000049;
	[dreg:$0x1] =	wrdreg $0xFFFFFFFF  }
0xa7: {  	s28 =	simm.s32 $_size_execute0_lowered;
	s3 =	sadd.s32 s3, s5;
	[dreg:$0x0] =	wrdreg $0x0  }
0xa8: {  	s5 =	sshll.u32 s28, $0x1;
	[dreg:$0x2] =	wrdreg s3  }
0xa9: {  	[dreg:$0x3] =	wrdreg s5  }
0xaa: {  	[dreg:$0x4] =	wrdreg $0xC0  }
0xab: {  	_ =	task [dreg:s7], $0x5FFFF  }
0xac: {  	[dreg:$0x1] =	wrdreg $0xFFFFFFFF  }
0xad: {  	[dreg:$0x0] =	wrdreg $0x60  }
0xae: {  	[dreg:$0x2] =	wrdreg s24  }
0xaf: {  	[dreg:$0x3] =	wrdreg s2  }
0xb0: {  	[dreg:$0x4] =	wrdreg $0x9  }
0xb1: {  	_ =	task.clear_ibuf [dreg:s7], $0x5FFFF;
	_ =	strace $0x90000049  }
0xb2: {  	s29 =	simm.s32 $0x9;
	_ =	strace $0x8000004B  }
0xb3: {  	_ =	swait.ge [sflag:s29], $0x1  }
0xb4: {  	[sflag:s29] =	ssyncadd.s32 $0xFFFFFFFF  }
0xb5: {  	_ =	strace $0x9000004B  }
0xb6: {  	_ =	sfence  }
0xb7: {  	s30 =	sld [smem:$0x0];
	_ =	sdelay $0x2  }
0xb8: {  	s31 =	sshll.u32 s1, $0xD;
	s1 =	sshrl.u32 s1, $0x2  }
0xb9: {  	s3 =	sand.u32 $0x4000, s31;
	s1 =	sadd.s32 s1, s30  }
0xba: {  	s0 =	sor.u32 s3, s0;
	s1 =	sshll.u32 s1, $0x11  }
0xbb: {  	s0 =	sor.u32 s1, s0  }
0xbc: {  	s0 =	sadd.s32 $0x8F2B, s0  }
0xbd: {  	[sflag:s0] =	ssyncadd.remote.s32 $0x1  }
0xbe: {  	_ =	sfence.sel $0xFFFF  }
0xbf: {  	[dreg:$0x0] =	wrdreg $0xFFFFFFFF;
	(pc) =	sbr.abs _section_cstart, $3  }
0xc0: {  	[dreg:$0x1] =	wrdreg $0xFFFFFFFF  }
0xc1: {  	_ =	task.clear_ibuf [dreg:s7], $0x2FFFF;
	_ =	strace $0x9FFFFFFF  }
0xc2: {  	(tm) =	ssettm $0x7FFFFFFF  }
0xc3: {  	_ =	shalt  }
tec
execute0_lowered:
.L_overlay_start_1:
0x0: {  	(tag) =	ssettag $0x1  }
0x1: {  	s7 =	rddreg [dreg:$0x0]  }
0x2: {  	s9 =	rddreg [dreg:$0x1]  }
0x3: {  	s0 =	rddreg [dreg:$0x2];
	s2 =	simm.s32 $0x0;
	s3 =	srdreg.scid  }
0x4: {  	s1 =	stileid.u32;
	s16 =	simm.s32 $0x2;
	s17 =	simm.s32 $0x400  }
0x5: {  	s18 =	simm.s32 $0xC00;
	s19 =	simm.s32 $0x1400;
	s20 =	simm.s32 $0x1C00  }
0x6: {  	s21 =	simm.s32 $0x2400;
	s22 =	simm.s32 $0x2C00;
	s23 =	simm.s32 $0x3400  }
0x7: {  	s24 =	simm.s32 $0x3C00;
	s25 =	simm.s32 $0x4400;
	s26 =	simm.s32 $0x4C00  }
0x8: {  	s28 =	simm.s32 $0x5400;
	s29 =	simm.s32 $0x5C00;
	s30 =	simm.s32 $0x1  }
0x9: {  	[smem:$0x7FF] =	sst s2;
	s3 =	sand.u32 $0x1, s3;
	s4 =	sshll.u32 s1, $0x1  }
0xa: {  	_ =	strace $0x8000004A;
	s4 =	sor.u32 s3, s4;
	s6 =	ssub.s32 $0x2, s3  }
0xb: {  	s3 =	sadd.s32 $0x241A00, s7;
	s5 =	sshll.u32 s4, $0x7;
	s8 =	smul.u32 $0x6000, s4  }
0xc: {  	s10 =	sshrl.u32 s6, $0x1;
	s11 =	smul.u32 $0x30000, s4;
	s5 =	sadd.s32 s5, s7  }
0xd: {  	s15 =	ssub.s32 s6, s10;
	s4 =	sadd.s32 $0x240A00, s5;
	s5 =	sadd.s32 $0x241B00, s7  }
0xe: {  	s6 =	sadd.s32 s9, s8;
	s31 =	sshrl.u32 s11, $0x3;
	s7 =	sadd.s32 $0x241C00, s7  }
0xf: {  	v2 =	vlaneseq.u32;
	s15 =	smax.u32 s15, $0x1;
	s8 =	sadd.s32 $0xC00, s6;
	s14 =	sadd.s32 s9, s31  }
0x10: {  	vm0 =	vmmov $0xffff;
	v1 =	vshrl.u32 v2, $0x3;
	s9 =	sadd.s32 $0x1800, s6;
	s10 =	sadd.s32 $0x2400, s14;
	s11 =	sadd.s32 $0x3000, s14  }
0x11: {  	v0 =	vand.u32 $0x7, v2;
	v2 =	vor.u32 $0x8, v2;
	v1 =	vmul.u32 $0x8, v1;
	s12 =	sadd.s32 $0x3C00, s14;
	s13 =	sadd.s32 $0x4800, s14;
	s14 =	sadd.s32 $0x5400, s14  }
.LBB2_1:
0x12: {  	[tilespmem:s2], [sflag:$0x2] =	stream.linear.gather [hbm4b:s4+s2], $0x400, $0x38;
	[tilespmem:$0x6400] =	vst v63  }
0x13: {  	_ =	swait.ge [sflag:s16], $0x400  }
0x14: {  	[sflag:s16] =	ssyncset.done $0x0  }
0x15: {  	[sflag:s16] =	ssyncadd.s32 $0xFFFFFC00  }
0x16: {  	v3 =	vld [tilespmem:$0x0];
	_ =	sdelay $0x4  }
0x17: {  	v4 =	vshrl.u32 v3, $0x3  }
0x18: {  	v4 =	vmul.u32 $0x30, v4  }
0x19: {  	v3 =	vand.u32 $0x7, v3  }
0x1a: {  	v3 =	vor.u32 v3, v4  }
0x1b: {  	v4 =	vperm.xlane v3, v0;
	_ =	sdelay $0x1  }
0x1c: {  	v4 =	vadd.s32 v1, v4;
	_ =	sdelay $0x3  }
0x1d: {  	v3 =	vperm.xlane v3, v2  }
0x1e: {  	[tilespmem:s17], [sflag:$0x1] =	stream.indirect_vreg.gather [hbm4b:s3+s2], $0x80, v4, vm0, $0xb8;
	[tilespmem:$0x6400] =	vst v63  }
0x1f: {  	v3 =	vadd.s32 v1, v3  }
0x20: {  	[tilespmem:s18], [sflag:$0x1] =	stream.indirect_vreg.gather [hbm4b:s5+s2], $0x80, v4, vm0, $0xb8;
	[tilespmem:$0x6400] =	vst v63  }
0x21: {  	_ = 	snop  }
0x22: {  	[tilespmem:s19], [sflag:$0x1] =	stream.indirect_vreg.gather [hbm4b:s7+s2], $0x80, v4, vm0, $0xb8;
	[tilespmem:$0x6400] =	vst v63  }
0x23: {  	_ = 	snop  }
0x24: {  	[tilespmem:s20], [sflag:$0x1] =	stream.indirect_vreg.gather [hbm4b:s3+s2], $0x80, v3, vm0, $0xb8;
	[tilespmem:$0x6400] =	vst v63  }
0x25: {  	_ = 	snop  }
0x26: {  	[tilespmem:s21], [sflag:$0x1] =	stream.indirect_vreg.gather [hbm4b:s5+s2], $0x80, v3, vm0, $0xb8;
	[tilespmem:$0x6400] =	vst v63  }
0x27: {  	_ = 	snop  }
0x28: {  	[tilespmem:s22], [sflag:$0x1] =	stream.indirect_vreg.gather [hbm4b:s7+s2], $0x80, v3, vm0, $0xb8;
	[tilespmem:$0x6400] =	vst v63  }
0x29: {  	v3 =	vld [tilespmem:$0x10];
	_ =	sdelay $0x4  }
0x2a: {  	v49 =	vshrl.u32 v3, $0x3  }
0x2b: {  	v4 =	vmul.u32 $0x30, v49  }
0x2c: {  	v3 =	vand.u32 $0x7, v3  }
0x2d: {  	v3 =	vor.u32 v3, v4  }
0x2e: {  	v4 =	vperm.xlane v3, v0;
	_ =	sdelay $0x1  }
0x2f: {  	v4 =	vadd.s32 v1, v4;
	_ =	sdelay $0x3  }
0x30: {  	v3 =	vperm.xlane v3, v2  }
0x31: {  	[tilespmem:s23], [sflag:$0x1] =	stream.indirect_vreg.gather [hbm4b:s3+s2], $0x80, v4, vm0, $0xb8;
	[tilespmem:$0x6400] =	vst v63  }
0x32: {  	v3 =	vadd.s32 v1, v3  }
0x33: {  	[tilespmem:s24], [sflag:$0x1] =	stream.indirect_vreg.gather [hbm4b:s5+s2], $0x80, v4, vm0, $0xb8;
	[tilespmem:$0x6400] =	vst v63  }
0x34: {  	_ = 	snop  }
0x35: {  	[tilespmem:s25], [sflag:$0x1] =	stream.indirect_vreg.gather [hbm4b:s7+s2], $0x80, v4, vm0, $0xb8;
	[tilespmem:$0x6400] =	vst v63  }
0x36: {  	_ = 	snop  }
0x37: {  	[tilespmem:s26], [sflag:$0x1] =	stream.indirect_vreg.gather [hbm4b:s3+s2], $0x80, v3, vm0, $0xb8;
	[tilespmem:$0x6400] =	vst v63  }
0x38: {  	_ = 	snop  }
0x39: {  	[tilespmem:s28], [sflag:$0x1] =	stream.indirect_vreg.gather [hbm4b:s5+s2], $0x80, v3, vm0, $0xb8;
	[tilespmem:$0x6400] =	vst v63  }
0x3a: {  	_ = 	snop  }
0x3b: {  	[tilespmem:s29], [sflag:$0x1] =	stream.indirect_vreg.gather [hbm4b:s7+s2], $0x80, v3, vm0, $0xb8;
	[tilespmem:$0x6400] =	vst v63  }
0x3c: {  	_ =	swait.ge [sflag:s30], $0x6000  }
0x3d: {  	[sflag:s30] =	ssyncset.done $0x0  }
0x3e: {  	[sflag:s30] =	ssyncadd.s32 $0xFFFFA000  }
0x3f: {  	[hbm4b:s6+s2] =	stream.linear.scatter [tilespmem:s17], [sflag:$0x2], $0x6000, $0x38;
	[tilespmem:$0x6400] =	vst v63  }
0x40: {  	_ =	swait.ge [sflag:s16], $0x6000  }
0x41: {  	[sflag:s16] =	ssyncset.done $0x0  }
0x42: {  	[sflag:s16] =	ssyncadd.s32 $0xFFFFA000  }
0x43: {  	v3 =	vld [tilespmem:$0x80];
	_ =	sdelay $0x4  }
0x44: {  	v50 =	vshrl.u32 v3, $0x3  }
0x45: {  	v4 =	vmul.u32 $0x30, v50  }
0x46: {  	v3 =	vand.u32 $0x7, v3  }
0x47: {  	v3 =	vor.u32 v3, v4  }
0x48: {  	v4 =	vperm.xlane v3, v0;
	_ =	sdelay $0x1  }
0x49: {  	v4 =	vadd.s32 v1, v4;
	_ =	sdelay $0x3  }
0x4a: {  	v3 =	vperm.xlane v3, v2  }
0x4b: {  	[tilespmem:s17], [sflag:$0x1] =	stream.indirect_vreg.gather [hbm4b:s3+s2], $0x80, v4, vm0, $0xb8;
	[tilespmem:$0x6400] =	vst v63  }
0x4c: {  	v3 =	vadd.s32 v1, v3  }
0x4d: {  	[tilespmem:s18], [sflag:$0x1] =	stream.indirect_vreg.gather [hbm4b:s5+s2], $0x80, v4, vm0, $0xb8;
	[tilespmem:$0x6400] =	vst v63  }
0x4e: {  	_ = 	snop  }
0x4f: {  	[tilespmem:s19], [sflag:$0x1] =	stream.indirect_vreg.gather [hbm4b:s7+s2], $0x80, v4, vm0, $0xb8;
	[tilespmem:$0x6400] =	vst v63  }
0x50: {  	_ = 	snop  }
0x51: {  	[tilespmem:s20], [sflag:$0x1] =	stream.indirect_vreg.gather [hbm4b:s3+s2], $0x80, v3, vm0, $0xb8;
	[tilespmem:$0x6400] =	vst v63  }
0x52: {  	_ = 	snop  }
0x53: {  	[tilespmem:s21], [sflag:$0x1] =	stream.indirect_vreg.gather [hbm4b:s5+s2], $0x80, v3, vm0, $0xb8;
	[tilespmem:$0x6400] =	vst v63  }
0x54: {  	_ = 	snop  }
0x55: {  	[tilespmem:s22], [sflag:$0x1] =	stream.indirect_vreg.gather [hbm4b:s7+s2], $0x80, v3, vm0, $0xb8;
	[tilespmem:$0x6400] =	vst v63  }
0x56: {  	v3 =	vld [tilespmem:$0x90];
	_ =	sdelay $0x4  }
0x57: {  	v51 =	vshrl.u32 v3, $0x3  }
0x58: {  	v4 =	vmul.u32 $0x30, v51  }
0x59: {  	v3 =	vand.u32 $0x7, v3  }
0x5a: {  	v3 =	vor.u32 v3, v4  }
0x5b: {  	v4 =	vperm.xlane v3, v0;
	_ =	sdelay $0x1  }
0x5c: {  	v4 =	vadd.s32 v1, v4;
	_ =	sdelay $0x3  }
0x5d: {  	v3 =	vperm.xlane v3, v2  }
0x5e: {  	[tilespmem:s23], [sflag:$0x1] =	stream.indirect_vreg.gather [hbm4b:s3+s2], $0x80, v4, vm0, $0xb8;
	[tilespmem:$0x6400] =	vst v63  }
0x5f: {  	v3 =	vadd.s32 v1, v3  }
0x60: {  	[tilespmem:s24], [sflag:$0x1] =	stream.indirect_vreg.gather [hbm4b:s5+s2], $0x80, v4, vm0, $0xb8;
	[tilespmem:$0x6400] =	vst v63  }
0x61: {  	_ = 	snop  }
0x62: {  	[tilespmem:s25], [sflag:$0x1] =	stream.indirect_vreg.gather [hbm4b:s7+s2], $0x80, v4, vm0, $0xb8;
	[tilespmem:$0x6400] =	vst v63  }
0x63: {  	_ = 	snop  }
0x64: {  	[tilespmem:s26], [sflag:$0x1] =	stream.indirect_vreg.gather [hbm4b:s3+s2], $0x80, v3, vm0, $0xb8;
	[tilespmem:$0x6400] =	vst v63  }
0x65: {  	_ = 	snop  }
0x66: {  	[tilespmem:s28], [sflag:$0x1] =	stream.indirect_vreg.gather [hbm4b:s5+s2], $0x80, v3, vm0, $0xb8;
	[tilespmem:$0x6400] =	vst v63  }
0x67: {  	_ = 	snop  }
0x68: {  	[tilespmem:s29], [sflag:$0x1] =	stream.indirect_vreg.gather [hbm4b:s7+s2], $0x80, v3, vm0, $0xb8;
	[tilespmem:$0x6400] =	vst v63  }
0x69: {  	_ =	swait.ge [sflag:s30], $0x6000  }
0x6a: {  	[sflag:s30] =	ssyncset.done $0x0  }
0x6b: {  	[sflag:s30] =	ssyncadd.s32 $0xFFFFA000  }
0x6c: {  	[hbm4b:s8+s2] =	stream.linear.scatter [tilespmem:s17], [sflag:$0x2], $0x6000, $0x38;
	[tilespmem:$0x6400] =	vst v63  }
0x6d: {  	_ =	swait.ge [sflag:s16], $0x6000  }
0x6e: {  	[sflag:s16] =	ssyncset.done $0x0  }
0x6f: {  	[sflag:s16] =	ssyncadd.s32 $0xFFFFA000  }
0x70: {  	v3 =	vld [tilespmem:$0x100];
	_ =	sdelay $0x4  }
0x71: {  	v52 =	vshrl.u32 v3, $0x3  }
0x72: {  	v4 =	vmul.u32 $0x30, v52  }
0x73: {  	v3 =	vand.u32 $0x7, v3  }
0x74: {  	v3 =	vor.u32 v3, v4  }
0x75: {  	v4 =	vperm.xlane v3, v0;
	_ =	sdelay $0x1  }
0x76: {  	v4 =	vadd.s32 v1, v4;
	_ =	sdelay $0x3  }
0x77: {  	v3 =	vperm.xlane v3, v2  }
0x78: {  	[tilespmem:s17], [sflag:$0x1] =	stream.indirect_vreg.gather [hbm4b:s3+s2], $0x80, v4, vm0, $0xb8;
	[tilespmem:$0x6400] =	vst v63  }
0x79: {  	v3 =	vadd.s32 v1, v3  }
0x7a: {  	[tilespmem:s18], [sflag:$0x1] =	stream.indirect_vreg.gather [hbm4b:s5+s2], $0x80, v4, vm0, $0xb8;
	[tilespmem:$0x6400] =	vst v63  }
0x7b: {  	_ = 	snop  }
0x7c: {  	[tilespmem:s19], [sflag:$0x1] =	stream.indirect_vreg.gather [hbm4b:s7+s2], $0x80, v4, vm0, $0xb8;
	[tilespmem:$0x6400] =	vst v63  }
0x7d: {  	_ = 	snop  }
0x7e: {  	[tilespmem:s20], [sflag:$0x1] =	stream.indirect_vreg.gather [hbm4b:s3+s2], $0x80, v3, vm0, $0xb8;
	[tilespmem:$0x6400] =	vst v63  }
0x7f: {  	_ = 	snop  }
0x80: {  	[tilespmem:s21], [sflag:$0x1] =	stream.indirect_vreg.gather [hbm4b:s5+s2], $0x80, v3, vm0, $0xb8;
	[tilespmem:$0x6400] =	vst v63  }
0x81: {  	_ = 	snop  }
0x82: {  	[tilespmem:s22], [sflag:$0x1] =	stream.indirect_vreg.gather [hbm4b:s7+s2], $0x80, v3, vm0, $0xb8;
	[tilespmem:$0x6400] =	vst v63  }
0x83: {  	v3 =	vld [tilespmem:$0x110];
	_ =	sdelay $0x4  }
0x84: {  	v53 =	vshrl.u32 v3, $0x3  }
0x85: {  	v4 =	vmul.u32 $0x30, v53  }
0x86: {  	v3 =	vand.u32 $0x7, v3  }
0x87: {  	v3 =	vor.u32 v3, v4  }
0x88: {  	v4 =	vperm.xlane v3, v0;
	_ =	sdelay $0x1  }
0x89: {  	v4 =	vadd.s32 v1, v4;
	_ =	sdelay $0x3  }
0x8a: {  	v3 =	vperm.xlane v3, v2  }
0x8b: {  	[tilespmem:s23], [sflag:$0x1] =	stream.indirect_vreg.gather [hbm4b:s3+s2], $0x80, v4, vm0, $0xb8;
	[tilespmem:$0x6400] =	vst v63  }
0x8c: {  	v3 =	vadd.s32 v1, v3  }
0x8d: {  	[tilespmem:s24], [sflag:$0x1] =	stream.indirect_vreg.gather [hbm4b:s5+s2], $0x80, v4, vm0, $0xb8;
	[tilespmem:$0x6400] =	vst v63  }
0x8e: {  	_ = 	snop  }
0x8f: {  	[tilespmem:s25], [sflag:$0x1] =	stream.indirect_vreg.gather [hbm4b:s7+s2], $0x80, v4, vm0, $0xb8;
	[tilespmem:$0x6400] =	vst v63  }
0x90: {  	_ = 	snop  }
0x91: {  	[tilespmem:s26], [sflag:$0x1] =	stream.indirect_vreg.gather [hbm4b:s3+s2], $0x80, v3, vm0, $0xb8;
	[tilespmem:$0x6400] =	vst v63  }
0x92: {  	_ = 	snop  }
0x93: {  	[tilespmem:s28], [sflag:$0x1] =	stream.indirect_vreg.gather [hbm4b:s5+s2], $0x80, v3, vm0, $0xb8;
	[tilespmem:$0x6400] =	vst v63  }
0x94: {  	_ = 	snop  }
0x95: {  	[tilespmem:s29], [sflag:$0x1] =	stream.indirect_vreg.gather [hbm4b:s7+s2], $0x80, v3, vm0, $0xb8;
	[tilespmem:$0x6400] =	vst v63  }
0x96: {  	_ =	swait.ge [sflag:s30], $0x6000  }
0x97: {  	[sflag:s30] =	ssyncset.done $0x0  }
0x98: {  	[sflag:s30] =	ssyncadd.s32 $0xFFFFA000  }
0x99: {  	[hbm4b:s9+s2] =	stream.linear.scatter [tilespmem:s17], [sflag:$0x2], $0x6000, $0x38;
	[tilespmem:$0x6400] =	vst v63  }
0x9a: {  	_ =	swait.ge [sflag:s16], $0x6000  }
0x9b: {  	[sflag:s16] =	ssyncset.done $0x0  }
0x9c: {  	[sflag:s16] =	ssyncadd.s32 $0xFFFFA000  }
0x9d: {  	v3 =	vld [tilespmem:$0x180];
	_ =	sdelay $0x4  }
0x9e: {  	v54 =	vshrl.u32 v3, $0x3  }
0x9f: {  	v4 =	vmul.u32 $0x30, v54  }
0xa0: {  	v3 =	vand.u32 $0x7, v3  }
0xa1: {  	v3 =	vor.u32 v3, v4  }
0xa2: {  	v4 =	vperm.xlane v3, v0;
	_ =	sdelay $0x1  }
0xa3: {  	v4 =	vadd.s32 v1, v4;
	_ =	sdelay $0x3  }
0xa4: {  	v3 =	vperm.xlane v3, v2  }
0xa5: {  	[tilespmem:s17], [sflag:$0x1] =	stream.indirect_vreg.gather [hbm4b:s3+s2], $0x80, v4, vm0, $0xb8;
	[tilespmem:$0x6400] =	vst v63  }
0xa6: {  	v3 =	vadd.s32 v1, v3  }
0xa7: {  	[tilespmem:s18], [sflag:$0x1] =	stream.indirect_vreg.gather [hbm4b:s5+s2], $0x80, v4, vm0, $0xb8;
	[tilespmem:$0x6400] =	vst v63  }
0xa8: {  	_ = 	snop  }
0xa9: {  	[tilespmem:s19], [sflag:$0x1] =	stream.indirect_vreg.gather [hbm4b:s7+s2], $0x80, v4, vm0, $0xb8;
	[tilespmem:$0x6400] =	vst v63  }
0xaa: {  	_ = 	snop  }
0xab: {  	[tilespmem:s20], [sflag:$0x1] =	stream.indirect_vreg.gather [hbm4b:s3+s2], $0x80, v3, vm0, $0xb8;
	[tilespmem:$0x6400] =	vst v63  }
0xac: {  	_ = 	snop  }
0xad: {  	[tilespmem:s21], [sflag:$0x1] =	stream.indirect_vreg.gather [hbm4b:s5+s2], $0x80, v3, vm0, $0xb8;
	[tilespmem:$0x6400] =	vst v63  }
0xae: {  	_ = 	snop  }
0xaf: {  	[tilespmem:s22], [sflag:$0x1] =	stream.indirect_vreg.gather [hbm4b:s7+s2], $0x80, v3, vm0, $0xb8;
	[tilespmem:$0x6400] =	vst v63  }
0xb0: {  	v3 =	vld [tilespmem:$0x190];
	_ =	sdelay $0x4  }
0xb1: {  	v55 =	vshrl.u32 v3, $0x3  }
0xb2: {  	v4 =	vmul.u32 $0x30, v55  }
0xb3: {  	v3 =	vand.u32 $0x7, v3  }
0xb4: {  	v3 =	vor.u32 v3, v4  }
0xb5: {  	v4 =	vperm.xlane v3, v0;
	_ =	sdelay $0x1  }
0xb6: {  	v4 =	vadd.s32 v1, v4;
	_ =	sdelay $0x3  }
0xb7: {  	v3 =	vperm.xlane v3, v2  }
0xb8: {  	[tilespmem:s23], [sflag:$0x1] =	stream.indirect_vreg.gather [hbm4b:s3+s2], $0x80, v4, vm0, $0xb8;
	[tilespmem:$0x6400] =	vst v63  }
0xb9: {  	v3 =	vadd.s32 v1, v3  }
0xba: {  	[tilespmem:s24], [sflag:$0x1] =	stream.indirect_vreg.gather [hbm4b:s5+s2], $0x80, v4, vm0, $0xb8;
	[tilespmem:$0x6400] =	vst v63  }
0xbb: {  	_ = 	snop  }
0xbc: {  	[tilespmem:s25], [sflag:$0x1] =	stream.indirect_vreg.gather [hbm4b:s7+s2], $0x80, v4, vm0, $0xb8;
	[tilespmem:$0x6400] =	vst v63  }
0xbd: {  	_ = 	snop  }
0xbe: {  	[tilespmem:s26], [sflag:$0x1] =	stream.indirect_vreg.gather [hbm4b:s3+s2], $0x80, v3, vm0, $0xb8;
	[tilespmem:$0x6400] =	vst v63  }
0xbf: {  	_ = 	snop  }
0xc0: {  	[tilespmem:s28], [sflag:$0x1] =	stream.indirect_vreg.gather [hbm4b:s5+s2], $0x80, v3, vm0, $0xb8;
	[tilespmem:$0x6400] =	vst v63  }
0xc1: {  	_ = 	snop  }
0xc2: {  	[tilespmem:s29], [sflag:$0x1] =	stream.indirect_vreg.gather [hbm4b:s7+s2], $0x80, v3, vm0, $0xb8;
	[tilespmem:$0x6400] =	vst v63  }
0xc3: {  	_ =	swait.ge [sflag:s30], $0x6000  }
0xc4: {  	[sflag:s30] =	ssyncset.done $0x0  }
0xc5: {  	[sflag:s30] =	ssyncadd.s32 $0xFFFFA000  }
0xc6: {  	[hbm4b:s10+s2] =	stream.linear.scatter [tilespmem:s17], [sflag:$0x2], $0x6000, $0x38;
	[tilespmem:$0x6400] =	vst v63  }
0xc7: {  	_ =	swait.ge [sflag:s16], $0x6000  }
0xc8: {  	[sflag:s16] =	ssyncset.done $0x0  }
0xc9: {  	[sflag:s16] =	ssyncadd.s32 $0xFFFFA000  }
0xca: {  	v3 =	vld [tilespmem:$0x200];
	_ =	sdelay $0x4  }
0xcb: {  	v56 =	vshrl.u32 v3, $0x3  }
0xcc: {  	v4 =	vmul.u32 $0x30, v56  }
0xcd: {  	v3 =	vand.u32 $0x7, v3  }
0xce: {  	v3 =	vor.u32 v3, v4  }
0xcf: {  	v4 =	vperm.xlane v3, v0;
	_ =	sdelay $0x1  }
0xd0: {  	v4 =	vadd.s32 v1, v4;
	_ =	sdelay $0x3  }
0xd1: {  	v3 =	vperm.xlane v3, v2  }
0xd2: {  	[tilespmem:s17], [sflag:$0x1] =	stream.indirect_vreg.gather [hbm4b:s3+s2], $0x80, v4, vm0, $0xb8;
	[tilespmem:$0x6400] =	vst v63  }
0xd3: {  	v3 =	vadd.s32 v1, v3  }
0xd4: {  	[tilespmem:s18], [sflag:$0x1] =	stream.indirect_vreg.gather [hbm4b:s5+s2], $0x80, v4, vm0, $0xb8;
	[tilespmem:$0x6400] =	vst v63  }
0xd5: {  	_ = 	snop  }
0xd6: {  	[tilespmem:s19], [sflag:$0x1] =	stream.indirect_vreg.gather [hbm4b:s7+s2], $0x80, v4, vm0, $0xb8;
	[tilespmem:$0x6400] =	vst v63  }
0xd7: {  	_ = 	snop  }
0xd8: {  	[tilespmem:s20], [sflag:$0x1] =	stream.indirect_vreg.gather [hbm4b:s3+s2], $0x80, v3, vm0, $0xb8;
	[tilespmem:$0x6400] =	vst v63  }
0xd9: {  	_ = 	snop  }
0xda: {  	[tilespmem:s21], [sflag:$0x1] =	stream.indirect_vreg.gather [hbm4b:s5+s2], $0x80, v3, vm0, $0xb8;
	[tilespmem:$0x6400] =	vst v63  }
0xdb: {  	_ = 	snop  }
0xdc: {  	[tilespmem:s22], [sflag:$0x1] =	stream.indirect_vreg.gather [hbm4b:s7+s2], $0x80, v3, vm0, $0xb8;
	[tilespmem:$0x6400] =	vst v63  }
0xdd: {  	v3 =	vld [tilespmem:$0x210];
	_ =	sdelay $0x4  }
0xde: {  	v57 =	vshrl.u32 v3, $0x3  }
0xdf: {  	v4 =	vmul.u32 $0x30, v57  }
0xe0: {  	v3 =	vand.u32 $0x7, v3  }
0xe1: {  	v3 =	vor.u32 v3, v4  }
0xe2: {  	v4 =	vperm.xlane v3, v0;
	_ =	sdelay $0x1  }
0xe3: {  	v4 =	vadd.s32 v1, v4;
	_ =	sdelay $0x3  }
0xe4: {  	v3 =	vperm.xlane v3, v2  }
0xe5: {  	[tilespmem:s23], [sflag:$0x1] =	stream.indirect_vreg.gather [hbm4b:s3+s2], $0x80, v4, vm0, $0xb8;
	[tilespmem:$0x6400] =	vst v63  }
0xe6: {  	v3 =	vadd.s32 v1, v3  }
0xe7: {  	[tilespmem:s24], [sflag:$0x1] =	stream.indirect_vreg.gather [hbm4b:s5+s2], $0x80, v4, vm0, $0xb8;
	[tilespmem:$0x6400] =	vst v63  }
0xe8: {  	_ = 	snop  }
0xe9: {  	[tilespmem:s25], [sflag:$0x1] =	stream.indirect_vreg.gather [hbm4b:s7+s2], $0x80, v4, vm0, $0xb8;
	[tilespmem:$0x6400] =	vst v63  }
0xea: {  	_ = 	snop  }
0xeb: {  	[tilespmem:s26], [sflag:$0x1] =	stream.indirect_vreg.gather [hbm4b:s3+s2], $0x80, v3, vm0, $0xb8;
	[tilespmem:$0x6400] =	vst v63  }
0xec: {  	_ = 	snop  }
0xed: {  	[tilespmem:s28], [sflag:$0x1] =	stream.indirect_vreg.gather [hbm4b:s5+s2], $0x80, v3, vm0, $0xb8;
	[tilespmem:$0x6400] =	vst v63  }
0xee: {  	_ = 	snop  }
0xef: {  	[tilespmem:s29], [sflag:$0x1] =	stream.indirect_vreg.gather [hbm4b:s7+s2], $0x80, v3, vm0, $0xb8;
	[tilespmem:$0x6400] =	vst v63  }
0xf0: {  	_ =	swait.ge [sflag:s30], $0x6000  }
0xf1: {  	[sflag:s30] =	ssyncset.done $0x0  }
0xf2: {  	[sflag:s30] =	ssyncadd.s32 $0xFFFFA000  }
0xf3: {  	[hbm4b:s11+s2] =	stream.linear.scatter [tilespmem:s17], [sflag:$0x2], $0x6000, $0x38;
	[tilespmem:$0x6400] =	vst v63  }
0xf4: {  	_ =	swait.ge [sflag:s16], $0x6000  }
0xf5: {  	[sflag:s16] =	ssyncset.done $0x0  }
0xf6: {  	[sflag:s16] =	ssyncadd.s32 $0xFFFFA000  }
0xf7: {  	v3 =	vld [tilespmem:$0x280];
	_ =	sdelay $0x4  }
0xf8: {  	v58 =	vshrl.u32 v3, $0x3  }
0xf9: {  	v4 =	vmul.u32 $0x30, v58  }
0xfa: {  	v3 =	vand.u32 $0x7, v3  }
0xfb: {  	v3 =	vor.u32 v3, v4  }
0xfc: {  	v4 =	vperm.xlane v3, v0;
	_ =	sdelay $0x1  }
0xfd: {  	v4 =	vadd.s32 v1, v4;
	_ =	sdelay $0x3  }
0xfe: {  	v3 =	vperm.xlane v3, v2  }
0xff: {  	[tilespmem:s17], [sflag:$0x1] =	stream.indirect_vreg.gather [hbm4b:s3+s2], $0x80, v4, vm0, $0xb8;
	[tilespmem:$0x6400] =	vst v63  }
0x100: {  	v3 =	vadd.s32 v1, v3  }
0x101: {  	[tilespmem:s18], [sflag:$0x1] =	stream.indirect_vreg.gather [hbm4b:s5+s2], $0x80, v4, vm0, $0xb8;
	[tilespmem:$0x6400] =	vst v63  }
0x102: {  	_ = 	snop  }
0x103: {  	[tilespmem:s19], [sflag:$0x1] =	stream.indirect_vreg.gather [hbm4b:s7+s2], $0x80, v4, vm0, $0xb8;
	[tilespmem:$0x6400] =	vst v63  }
0x104: {  	_ = 	snop  }
0x105: {  	[tilespmem:s20], [sflag:$0x1] =	stream.indirect_vreg.gather [hbm4b:s3+s2], $0x80, v3, vm0, $0xb8;
	[tilespmem:$0x6400] =	vst v63  }
0x106: {  	_ = 	snop  }
0x107: {  	[tilespmem:s21], [sflag:$0x1] =	stream.indirect_vreg.gather [hbm4b:s5+s2], $0x80, v3, vm0, $0xb8;
	[tilespmem:$0x6400] =	vst v63  }
0x108: {  	_ = 	snop  }
0x109: {  	[tilespmem:s22], [sflag:$0x1] =	stream.indirect_vreg.gather [hbm4b:s7+s2], $0x80, v3, vm0, $0xb8;
	[tilespmem:$0x6400] =	vst v63  }
0x10a: {  	v3 =	vld [tilespmem:$0x290];
	_ =	sdelay $0x4  }
0x10b: {  	v59 =	vshrl.u32 v3, $0x3  }
0x10c: {  	v4 =	vmul.u32 $0x30, v59  }
0x10d: {  	v3 =	vand.u32 $0x7, v3  }
0x10e: {  	v3 =	vor.u32 v3, v4  }
0x10f: {  	v4 =	vperm.xlane v3, v0;
	_ =	sdelay $0x1  }
0x110: {  	v4 =	vadd.s32 v1, v4;
	_ =	sdelay $0x3  }
0x111: {  	v3 =	vperm.xlane v3, v2  }
0x112: {  	[tilespmem:s23], [sflag:$0x1] =	stream.indirect_vreg.gather [hbm4b:s3+s2], $0x80, v4, vm0, $0xb8;
	[tilespmem:$0x6400] =	vst v63  }
0x113: {  	v3 =	vadd.s32 v1, v3  }
0x114: {  	[tilespmem:s24], [sflag:$0x1] =	stream.indirect_vreg.gather [hbm4b:s5+s2], $0x80, v4, vm0, $0xb8;
	[tilespmem:$0x6400] =	vst v63  }
0x115: {  	_ = 	snop  }
0x116: {  	[tilespmem:s25], [sflag:$0x1] =	stream.indirect_vreg.gather [hbm4b:s7+s2], $0x80, v4, vm0, $0xb8;
	[tilespmem:$0x6400] =	vst v63  }
0x117: {  	_ = 	snop  }
0x118: {  	[tilespmem:s26], [sflag:$0x1] =	stream.indirect_vreg.gather [hbm4b:s3+s2], $0x80, v3, vm0, $0xb8;
	[tilespmem:$0x6400] =	vst v63  }
0x119: {  	_ = 	snop  }
0x11a: {  	[tilespmem:s28], [sflag:$0x1] =	stream.indirect_vreg.gather [hbm4b:s5+s2], $0x80, v3, vm0, $0xb8;
	[tilespmem:$0x6400] =	vst v63  }
0x11b: {  	_ = 	snop  }
0x11c: {  	[tilespmem:s29], [sflag:$0x1] =	stream.indirect_vreg.gather [hbm4b:s7+s2], $0x80, v3, vm0, $0xb8;
	[tilespmem:$0x6400] =	vst v63  }
0x11d: {  	_ =	swait.ge [sflag:s30], $0x6000  }
0x11e: {  	[sflag:s30] =	ssyncset.done $0x0  }
0x11f: {  	[sflag:s30] =	ssyncadd.s32 $0xFFFFA000  }
0x120: {  	[hbm4b:s12+s2] =	stream.linear.scatter [tilespmem:s17], [sflag:$0x2], $0x6000, $0x38;
	[tilespmem:$0x6400] =	vst v63  }
0x121: {  	_ =	swait.ge [sflag:s16], $0x6000  }
0x122: {  	[sflag:s16] =	ssyncset.done $0x0  }
0x123: {  	[sflag:s16] =	ssyncadd.s32 $0xFFFFA000  }
0x124: {  	v3 =	vld [tilespmem:$0x300];
	_ =	sdelay $0x4  }
0x125: {  	v60 =	vshrl.u32 v3, $0x3  }
0x126: {  	v4 =	vmul.u32 $0x30, v60  }
0x127: {  	v3 =	vand.u32 $0x7, v3  }
0x128: {  	v3 =	vor.u32 v3, v4  }
0x129: {  	v4 =	vperm.xlane v3, v0;
	_ =	sdelay $0x1  }
0x12a: {  	v4 =	vadd.s32 v1, v4;
	_ =	sdelay $0x3  }
0x12b: {  	v3 =	vperm.xlane v3, v2  }
0x12c: {  	[tilespmem:s17], [sflag:$0x1] =	stream.indirect_vreg.gather [hbm4b:s3+s2], $0x80, v4, vm0, $0xb8;
	[tilespmem:$0x6400] =	vst v63  }
0x12d: {  	v3 =	vadd.s32 v1, v3  }
0x12e: {  	[tilespmem:s18], [sflag:$0x1] =	stream.indirect_vreg.gather [hbm4b:s5+s2], $0x80, v4, vm0, $0xb8;
	[tilespmem:$0x6400] =	vst v63  }
0x12f: {  	_ = 	snop  }
0x130: {  	[tilespmem:s19], [sflag:$0x1] =	stream.indirect_vreg.gather [hbm4b:s7+s2], $0x80, v4, vm0, $0xb8;
	[tilespmem:$0x6400] =	vst v63  }
0x131: {  	_ = 	snop  }
0x132: {  	[tilespmem:s20], [sflag:$0x1] =	stream.indirect_vreg.gather [hbm4b:s3+s2], $0x80, v3, vm0, $0xb8;
	[tilespmem:$0x6400] =	vst v63  }
0x133: {  	_ = 	snop  }
0x134: {  	[tilespmem:s21], [sflag:$0x1] =	stream.indirect_vreg.gather [hbm4b:s5+s2], $0x80, v3, vm0, $0xb8;
	[tilespmem:$0x6400] =	vst v63  }
0x135: {  	_ = 	snop  }
0x136: {  	[tilespmem:s22], [sflag:$0x1] =	stream.indirect_vreg.gather [hbm4b:s7+s2], $0x80, v3, vm0, $0xb8;
	[tilespmem:$0x6400] =	vst v63  }
0x137: {  	v3 =	vld [tilespmem:$0x310];
	_ =	sdelay $0x4  }
0x138: {  	v61 =	vshrl.u32 v3, $0x3  }
0x139: {  	v4 =	vmul.u32 $0x30, v61  }
0x13a: {  	v3 =	vand.u32 $0x7, v3  }
0x13b: {  	v3 =	vor.u32 v3, v4  }
0x13c: {  	v4 =	vperm.xlane v3, v0;
	_ =	sdelay $0x1  }
0x13d: {  	v4 =	vadd.s32 v1, v4;
	_ =	sdelay $0x3  }
0x13e: {  	v3 =	vperm.xlane v3, v2  }
0x13f: {  	[tilespmem:s23], [sflag:$0x1] =	stream.indirect_vreg.gather [hbm4b:s3+s2], $0x80, v4, vm0, $0xb8;
	[tilespmem:$0x6400] =	vst v63  }
0x140: {  	v3 =	vadd.s32 v1, v3  }
0x141: {  	[tilespmem:s24], [sflag:$0x1] =	stream.indirect_vreg.gather [hbm4b:s5+s2], $0x80, v4, vm0, $0xb8;
	[tilespmem:$0x6400] =	vst v63  }
0x142: {  	_ = 	snop  }
0x143: {  	[tilespmem:s25], [sflag:$0x1] =	stream.indirect_vreg.gather [hbm4b:s7+s2], $0x80, v4, vm0, $0xb8;
	[tilespmem:$0x6400] =	vst v63  }
0x144: {  	_ = 	snop  }
0x145: {  	[tilespmem:s26], [sflag:$0x1] =	stream.indirect_vreg.gather [hbm4b:s3+s2], $0x80, v3, vm0, $0xb8;
	[tilespmem:$0x6400] =	vst v63  }
0x146: {  	_ = 	snop  }
0x147: {  	[tilespmem:s28], [sflag:$0x1] =	stream.indirect_vreg.gather [hbm4b:s5+s2], $0x80, v3, vm0, $0xb8;
	[tilespmem:$0x6400] =	vst v63  }
0x148: {  	_ = 	snop  }
0x149: {  	[tilespmem:s29], [sflag:$0x1] =	stream.indirect_vreg.gather [hbm4b:s7+s2], $0x80, v3, vm0, $0xb8;
	[tilespmem:$0x6400] =	vst v63  }
0x14a: {  	_ =	swait.ge [sflag:s30], $0x6000  }
0x14b: {  	[sflag:s30] =	ssyncset.done $0x0  }
0x14c: {  	[sflag:s30] =	ssyncadd.s32 $0xFFFFA000  }
0x14d: {  	[hbm4b:s13+s2] =	stream.linear.scatter [tilespmem:s17], [sflag:$0x2], $0x6000, $0x38;
	[tilespmem:$0x6400] =	vst v63  }
0x14e: {  	_ =	swait.ge [sflag:s16], $0x6000  }
0x14f: {  	[sflag:s16] =	ssyncset.done $0x0  }
0x150: {  	[sflag:s16] =	ssyncadd.s32 $0xFFFFA000  }
0x151: {  	v3 =	vld [tilespmem:$0x380];
	_ =	sdelay $0x4  }
0x152: {  	v62 =	vshrl.u32 v3, $0x3  }
0x153: {  	v4 =	vmul.u32 $0x30, v62  }
0x154: {  	v3 =	vand.u32 $0x7, v3  }
0x155: {  	v3 =	vor.u32 v3, v4  }
0x156: {  	v4 =	vperm.xlane v3, v0;
	_ =	sdelay $0x1  }
0x157: {  	v4 =	vadd.s32 v1, v4;
	_ =	sdelay $0x3  }
0x158: {  	v3 =	vperm.xlane v3, v2  }
0x159: {  	[tilespmem:s17], [sflag:$0x1] =	stream.indirect_vreg.gather [hbm4b:s3+s2], $0x80, v4, vm0, $0xb8;
	[tilespmem:$0x6400] =	vst v63  }
0x15a: {  	v3 =	vadd.s32 v1, v3  }
0x15b: {  	[tilespmem:s18], [sflag:$0x1] =	stream.indirect_vreg.gather [hbm4b:s5+s2], $0x80, v4, vm0, $0xb8;
	[tilespmem:$0x6400] =	vst v63  }
0x15c: {  	_ = 	snop  }
0x15d: {  	[tilespmem:s19], [sflag:$0x1] =	stream.indirect_vreg.gather [hbm4b:s7+s2], $0x80, v4, vm0, $0xb8;
	[tilespmem:$0x6400] =	vst v63  }
0x15e: {  	_ = 	snop  }
0x15f: {  	[tilespmem:s20], [sflag:$0x1] =	stream.indirect_vreg.gather [hbm4b:s3+s2], $0x80, v3, vm0, $0xb8;
	[tilespmem:$0x6400] =	vst v63  }
0x160: {  	_ = 	snop  }
0x161: {  	[tilespmem:s21], [sflag:$0x1] =	stream.indirect_vreg.gather [hbm4b:s5+s2], $0x80, v3, vm0, $0xb8;
	[tilespmem:$0x6400] =	vst v63  }
0x162: {  	_ = 	snop  }
0x163: {  	[tilespmem:s22], [sflag:$0x1] =	stream.indirect_vreg.gather [hbm4b:s7+s2], $0x80, v3, vm0, $0xb8;
	[tilespmem:$0x6400] =	vst v63  }
0x164: {  	v3 =	vld [tilespmem:$0x390];
	_ =	sdelay $0x4  }
0x165: {  	v63 =	vshrl.u32 v3, $0x3  }
0x166: {  	v4 =	vmul.u32 $0x30, v63  }
0x167: {  	v3 =	vand.u32 $0x7, v3  }
0x168: {  	v3 =	vor.u32 v3, v4  }
0x169: {  	v4 =	vperm.xlane v3, v0;
	_ =	sdelay $0x1  }
0x16a: {  	v4 =	vadd.s32 v1, v4;
	_ =	sdelay $0x3  }
0x16b: {  	v3 =	vperm.xlane v3, v2  }
0x16c: {  	[tilespmem:s23], [sflag:$0x1] =	stream.indirect_vreg.gather [hbm4b:s3+s2], $0x80, v4, vm0, $0xb8;
	[tilespmem:$0x6400] =	vst v63  }
0x16d: {  	v3 =	vadd.s32 v1, v3  }
0x16e: {  	[tilespmem:s24], [sflag:$0x1] =	stream.indirect_vreg.gather [hbm4b:s5+s2], $0x80, v4, vm0, $0xb8;
	[tilespmem:$0x6400] =	vst v63  }
0x16f: {  	_ = 	snop  }
0x170: {  	[tilespmem:s25], [sflag:$0x1] =	stream.indirect_vreg.gather [hbm4b:s7+s2], $0x80, v4, vm0, $0xb8;
	[tilespmem:$0x6400] =	vst v63  }
0x171: {  	_ = 	snop  }
0x172: {  	[tilespmem:s26], [sflag:$0x1] =	stream.indirect_vreg.gather [hbm4b:s3+s2], $0x80, v3, vm0, $0xb8;
	[tilespmem:$0x6400] =	vst v63  }
0x173: {  	_ = 	snop  }
0x174: {  	[tilespmem:s28], [sflag:$0x1] =	stream.indirect_vreg.gather [hbm4b:s5+s2], $0x80, v3, vm0, $0xb8;
	[tilespmem:$0x6400] =	vst v63  }
0x175: {  	_ = 	snop  }
0x176: {  	[tilespmem:s29], [sflag:$0x1] =	stream.indirect_vreg.gather [hbm4b:s7+s2], $0x80, v3, vm0, $0xb8;
	[tilespmem:$0x6400] =	vst v63  }
0x177: {  	_ =	swait.ge [sflag:s30], $0x6000  }
0x178: {  	p0 =	sne.s32 s15, $0x1;
	[sflag:s30] =	ssyncset.done $0x0  }
.Ltmp0:
0x179: {  	[sflag:s30] =	ssyncadd.s32 $0xFFFFA000;
	(pc) =	sbr.rel @p0 .LBB2_1-.Ltmp0, $4  }
0x17a: {  	[hbm4b:s14+s2] =	stream.linear.scatter [tilespmem:s17], [sflag:$0x2], $0x6000, $0x38;
	[tilespmem:$0x6400] =	vst v63  }
0x17b: {  	_ =	swait.ge [sflag:s16], $0x6000  }
0x17c: {  	[sflag:s16] =	ssyncset.done $0x0  }
0x17d: {  	s15 =	sadd.s32 $0xFFFFFFFF, s15;
	[sflag:s16] =	ssyncadd.s32 $0xFFFFA000  }
0x17e: {  	_ =	sfence.sel $0x180000  }
0x17f: {  	[bflag:$0x0] =	sbarrier.arrive $0xFFFF  }
0x180: {  	p0 =	sne.s32 s1, $0x0;
	_ =	strace $0x9000004A  }
0x181: {  	s0 =	sadd.s32 @!p0 $0x100000, s0;
	[bflag:$0x2] =	sbarrier.arrive $0xFFFF  }
0x182: {  	[sflag:s0] =	ssyncadd.tile.s32 @!p0 $0x1;
	_ =	shalt  }
.Lfunc_end2:
_tile_overlayer_lowered:
.L_overlay_start_2:
0x183: {  	(tag) =	ssettag $0x2  }
0x184: {  	s0 =	rddreg [dreg:$0x0];
	s2 =	stileid.u32  }
0x185: {  	s1 =	rddreg [dreg:$0x1];
	p0 =	sne.s32 s2, $0x0  }
0x186: {  	s3 =	rddreg [dreg:$0x2];
	[bflag:$0x3] =	sbarrier.arrive $0xFFFF;
	s2 =	simm.s32 @!p0 $0x1C02  }
0x187: {  	[timem:s3], [sflag:s2] =	dma.local @!p0 [hbm:s0], s1  }
0x188: {  	s0 =	simm.s32 @!p0 $0x2  }
0x189: {  	_ =	swait.ge @!p0 [sflag:s0], s1  }
0x18a: {  	s1 =	ssub.s32 @!p0 $0x0, s1;
	[sflag:s0] =	ssyncset.done @!p0 $0x0  }
0x18b: {  	[sflag:s0] =	ssyncadd.s32 @!p0 s1  }
0x18c: {  	[bflag:$0x3] =	sbarrier.arrive $0xFFFF  }
0x18d: {  	_ =	shalt  }

</sc_bundles>
